<compile_context>
chip_gen: v7x
topology: tpu7x:2x2x1
jax: 0.10.2.dev20260603
libtpu: 0.0.44.dev20260713+nightly
codegen_flags: <defaults>
</compile_context>

<pallas_src>
import jax
import jax.numpy as jnp
import numpy as np
from jax import lax
from jax.experimental import pallas as pl
from jax.experimental.pallas import tpu as pltpu
from jax.experimental.pallas import tpu_sc as plsc

F32 = jnp.float32

_N = 10000
_E = 320000
_D = 128
_H = 128
_C = 64

_CH = 64
_NSC = 2
_NTS = 16
_NW = _NSC * _NTS
_RPW = 158
_ROWS = _RPW * _NW
_EP = _ROWS * _CH
_SPILL = 64
_BPT = 624
_LAST = _N - _BPT * _NTS
_DW = 16

_R = 1000
_G = _N // _R

_NPAD = _EP - _E
_PAD_SRC = np.arange(_NPAD, dtype=np.int32) % _N
_PAD_DST = (_N + np.arange(_NPAD, dtype=np.int32) % _SPILL).astype(np.int32)


def _edge_agg(table, src2d, dst2d, W, with_deg=False):
    mesh = plsc.VectorSubcoreMesh(core_axis_name="c", subcore_axis_name="s")

    def body(tbl, src_h, dst_h, *rest):
        if with_deg:
            (out_a, out_b, deg_a, deg_b,
             src_v, dst_v, rows_v, rows_w, ones_v, acc, dacc, sem, semb) = rest
        else:
            (out_a, out_b,
             src_v, dst_v, rows_v, rows_w, acc, sem, semb) = rest
        c = lax.axis_index("c")
        s = lax.axis_index("s")
        wid = c * _NTS + s

        def zb(i, carry):
            r = i // (W // 16)
            col = (i % (W // 16)) * 16
            rows_v[r, pl.ds(col, 16)] = jnp.zeros((16,), F32)
            return carry
        lax.fori_loop(0, _CH * (W // 16), zb, 0)
        row0 = s * _BPT
        for k in range(_BPT // _CH):
            pltpu.sync_copy(rows_v, acc.at[pl.ds(row0 + k * _CH, _CH)])
        if _BPT % _CH:
            pltpu.sync_copy(rows_v.at[pl.ds(0, _BPT % _CH)],
                            acc.at[pl.ds(row0 + (_BPT // _CH) * _CH, _BPT % _CH)])

        @pl.when(s == _NTS - 1)
        def _():
            pltpu.sync_copy(rows_v.at[pl.ds(0, _LAST)],
                            acc.at[pl.ds(_NTS * _BPT, _LAST)])

        if with_deg:
            def zo(i, carry):
                ones_v[i, pl.ds(0, _DW)] = jnp.zeros((_DW,), F32)
                return carry
            lax.fori_loop(0, _CH, zo, 0)
            for k in range(_BPT // _CH):
                pltpu.sync_copy(ones_v, dacc.at[pl.ds(row0 + k * _CH, _CH)])
            if _BPT % _CH:
                pltpu.sync_copy(ones_v.at[pl.ds(0, _BPT % _CH)],
                                dacc.at[pl.ds(row0 + (_BPT // _CH) * _CH,
                                              _BPT % _CH)])

            @pl.when(s == _NTS - 1)
            def _():
                pltpu.sync_copy(ones_v.at[pl.ds(0, _LAST)],
                                dacc.at[pl.ds(_NTS * _BPT, _LAST)])

            def fo(i, carry):
                ones_v[i, pl.ds(0, _DW)] = jnp.full((_DW,), 1.0, F32)
                return carry
            lax.fori_loop(0, _CH, fo, 0)
        plsc.subcore_barrier()

        rb = wid * _RPW
        pltpu.sync_copy(src_h.at[pl.ds(rb, _RPW)], src_v)
        pltpu.sync_copy(dst_h.at[pl.ds(rb, _RPW)], dst_v)

        pltpu.async_copy(tbl.at[src_v.at[0]], rows_v, sem)

        def chunk(jj, carry):
            j = 2 * jj
            cpb = pltpu.async_copy(tbl.at[src_v.at[j + 1]], rows_w, semb)
            pltpu.make_async_copy(tbl.at[src_v.at[j]], rows_v, sem).wait()
            pltpu.sync_copy(rows_v, acc.at[dst_v.at[j]], add=True)
            if with_deg:
                pltpu.sync_copy(ones_v, dacc.at[dst_v.at[j]], add=True)

            @pl.when(jj < _RPW // 2 - 1)
            def _():
                pltpu.async_copy(tbl.at[src_v.at[j + 2]], rows_v, sem)
            cpb.wait()
            pltpu.sync_copy(rows_w, acc.at[dst_v.at[j + 1]], add=True)
            if with_deg:
                pltpu.sync_copy(ones_v, dacc.at[dst_v.at[j + 1]], add=True)
            return carry
        lax.fori_loop(0, _RPW // 2, chunk, 0)
        plsc.subcore_barrier()

        def copy_out(dst_hbm, deg_hbm):
            pltpu.sync_copy(acc.at[pl.ds(row0, _BPT)],
                            dst_hbm.at[pl.ds(row0, _BPT)])
            if with_deg:
                pltpu.sync_copy(dacc.at[pl.ds(row0, _BPT)],
                                deg_hbm.at[pl.ds(row0, _BPT)])

            @pl.when(s == _NTS - 1)
            def _():
                pltpu.sync_copy(acc.at[pl.ds(_NTS * _BPT, _LAST)],
                                dst_hbm.at[pl.ds(_NTS * _BPT, _LAST)])
                if with_deg:
                    pltpu.sync_copy(dacc.at[pl.ds(_NTS * _BPT, _LAST)],
                                    deg_hbm.at[pl.ds(_NTS * _BPT, _LAST)])

        @pl.when(c == 0)
        def _():
            copy_out(out_a, deg_a if with_deg else None)

        @pl.when(c == 1)
        def _():
            copy_out(out_b, deg_b if with_deg else None)

    out = jax.ShapeDtypeStruct((_N, W), F32)
    deg = jax.ShapeDtypeStruct((_N, _DW), F32)
    out_type = (out, out, deg, deg) if with_deg else (out, out)
    scratch = [
        pltpu.VMEM((_RPW, _CH), jnp.int32),
        pltpu.VMEM((_RPW, _CH), jnp.int32),
        pltpu.VMEM((_CH, W), F32),
        pltpu.VMEM((_CH, W), F32),
    ]
    if with_deg:
        scratch.append(pltpu.VMEM((_CH, _DW), F32))
    scratch.append(pltpu.VMEM_SHARED((_N + _SPILL, W), F32))
    if with_deg:
        scratch.append(pltpu.VMEM_SHARED((_N + _SPILL, _DW), F32))
    scratch += [pltpu.SemaphoreType.DMA, pltpu.SemaphoreType.DMA]
    k = pl.kernel(
        body,
        out_type=out_type,
        mesh=mesh,
        compiler_params=pltpu.CompilerParams(use_tc_tiling_on_sc=False),
        scratch_types=scratch,
    )
    return k(table, src2d, dst2d)


def _pre(h, w, b, dout):
    din = h.shape[1]

    def body(h_ref, w_ref, b_ref, o_ref):
        o_ref[...] = (jnp.dot(h_ref[...], w_ref[...], preferred_element_type=F32)
                      + b_ref[...])

    return pl.pallas_call(
        body,
        grid=(_G,),
        in_specs=[
            pl.BlockSpec((_R, din), lambda i: (i, 0)),
            pl.BlockSpec((din, dout), lambda i: (0, 0)),
            pl.BlockSpec((1, dout), lambda i: (0, 0)),
        ],
        out_specs=pl.BlockSpec((_R, dout), lambda i: (i, 0)),
        out_shape=jax.ShapeDtypeStruct((_N, dout), F32),
    )(h, w, b.reshape(1, dout))


def _combine1(pre1, acc_a, acc_b, deg_a, deg_b, w1n, w2n):
    def body(p_ref, aa_ref, ab_ref, da_ref, db_ref, wn_ref, w2_ref,
             h2_ref, hn2_ref, iv_ref):
        deg = da_ref[...] + db_ref[...]
        invd = 1.0 / jnp.maximum(deg, 1.0)
        mean = (aa_ref[...] + ab_ref[...]) * invd[:, 0:1]
        h2 = jnp.maximum(
            p_ref[...] + jnp.dot(mean, wn_ref[...], preferred_element_type=F32),
            0.0)
        h2_ref[...] = h2
        hn2_ref[...] = jnp.dot(h2, w2_ref[...], preferred_element_type=F32)
        iv_ref[...] = invd

    return pl.pallas_call(
        body,
        grid=(_G,),
        in_specs=[
            pl.BlockSpec((_R, _H), lambda i: (i, 0)),
            pl.BlockSpec((_R, _D), lambda i: (i, 0)),
            pl.BlockSpec((_R, _D), lambda i: (i, 0)),
            pl.BlockSpec((_R, _DW), lambda i: (i, 0)),
            pl.BlockSpec((_R, _DW), lambda i: (i, 0)),
            pl.BlockSpec((_D, _H), lambda i: (0, 0)),
            pl.BlockSpec((_H, _H), lambda i: (0, 0)),
        ],
        out_specs=[
            pl.BlockSpec((_R, _H), lambda i: (i, 0)),
            pl.BlockSpec((_R, _H), lambda i: (i, 0)),
            pl.BlockSpec((_R, _DW), lambda i: (i, 0)),
        ],
        out_shape=[
            jax.ShapeDtypeStruct((_N, _H), F32),
            jax.ShapeDtypeStruct((_N, _H), F32),
            jax.ShapeDtypeStruct((_N, _DW), F32),
        ],
    )(pre1, acc_a, acc_b, deg_a, deg_b, w1n, w2n)


def _combine2(pre2, acc_a, acc_b, invd, w3n):
    def body(p_ref, aa_ref, ab_ref, iv_ref, wn_ref, h3_ref, hn3_ref):
        mean = (aa_ref[...] + ab_ref[...]) * iv_ref[...][:, 0:1]
        h3 = jnp.maximum(p_ref[...] + mean, 0.0)
        h3_ref[...] = h3
        hn3_ref[...] = jnp.dot(h3, wn_ref[...], preferred_element_type=F32)

    return pl.pallas_call(
        body,
        grid=(_G,),
        in_specs=[
            pl.BlockSpec((_R, _H), lambda i: (i, 0)),
            pl.BlockSpec((_R, _H), lambda i: (i, 0)),
            pl.BlockSpec((_R, _H), lambda i: (i, 0)),
            pl.BlockSpec((_R, _DW), lambda i: (i, 0)),
            pl.BlockSpec((_H, _C), lambda i: (0, 0)),
        ],
        out_specs=[
            pl.BlockSpec((_R, _H), lambda i: (i, 0)),
            pl.BlockSpec((_R, _C), lambda i: (i, 0)),
        ],
        out_shape=[
            jax.ShapeDtypeStruct((_N, _H), F32),
            jax.ShapeDtypeStruct((_N, _C), F32),
        ],
    )(pre2, acc_a, acc_b, invd, w3n)


def _final(pre3, acc_a, acc_b, invd):
    def body(p_ref, aa_ref, ab_ref, iv_ref, o_ref):
        mean = (aa_ref[...] + ab_ref[...]) * iv_ref[...][:, 0:1]
        z = jnp.maximum(p_ref[...] + mean, 0.0)
        m = jnp.max(z, axis=1, keepdims=True)
        lse = jnp.log(jnp.sum(jnp.exp(z - m), axis=1, keepdims=True)) + m
        o_ref[...] = z - lse

    return pl.pallas_call(
        body,
        grid=(_G,),
        in_specs=[
            pl.BlockSpec((_R, _C), lambda i: (i, 0)),
            pl.BlockSpec((_R, _C), lambda i: (i, 0)),
            pl.BlockSpec((_R, _C), lambda i: (i, 0)),
            pl.BlockSpec((_R, _DW), lambda i: (i, 0)),
        ],
        out_specs=pl.BlockSpec((_R, _C), lambda i: (i, 0)),
        out_shape=jax.ShapeDtypeStruct((_N, _C), F32),
    )(pre3, acc_a, acc_b, invd)


def kernel(x, edge_index, W1s, W1n, b1, W2s, W2n, b2, W3s, W3n, b3):
    src2d = jnp.concatenate([edge_index[0], _PAD_SRC]).reshape(_ROWS, _CH)
    dst2d = jnp.concatenate([edge_index[1], _PAD_DST]).reshape(_ROWS, _CH)

    a1a, a1b, dga, dgb = _edge_agg(x, src2d, dst2d, _D, with_deg=True)
    pre1 = _pre(x, W1s, b1, _H)
    h2, hn2, invd = _combine1(pre1, a1a, a1b, dga, dgb, W1n, W2n)
    a2a, a2b = _edge_agg(hn2, src2d, dst2d, _H)
    pre2 = _pre(h2, W2s, b2, _H)
    h3, hn3 = _combine2(pre2, a2a, a2b, invd, W3n)
    a3a, a3b = _edge_agg(hn3, src2d, dst2d, _C)
    pre3 = _pre(h3, W3s, b3, _C)
    return _final(pre3, a3a, a3b, invd)

# --- scband reference (transcript-rebuilt; emitter-appended) ---
"""Pipeline reference for scband-graph-sage-22376779612323 (READ-ONLY COPY).

The authoritative reference and input builder live on the scoring server;
editing this copy changes nothing except your own understanding.
"""

import jax, jax.numpy as jnp
import numpy as np

N = 10000
E = 320000
D = 128
H = 128
C = 64


def setup_inputs(seed: int = 0) -> dict:
    key = jax.random.key(seed)
    ks = jax.random.split(key, 12)
    x = jax.random.normal(ks[0], (N, D), dtype=jnp.float32)
    edge_index = jax.random.randint(ks[1], (2, E), 0, N, dtype=jnp.int32)
    # layer 1: D -> H (self weight, neighbor weight, bias)
    W1s = jax.random.normal(ks[2], (D, H), dtype=jnp.float32) * (1.0 / np.sqrt(D))
    W1n = jax.random.normal(ks[3], (D, H), dtype=jnp.float32) * (1.0 / np.sqrt(D))
    b1 = jnp.zeros((H,), dtype=jnp.float32)
    # layer 2 (middle): H -> H
    W2s = jax.random.normal(ks[4], (H, H), dtype=jnp.float32) * (1.0 / np.sqrt(H))
    W2n = jax.random.normal(ks[5], (H, H), dtype=jnp.float32) * (1.0 / np.sqrt(H))
    b2 = jnp.zeros((H,), dtype=jnp.float32)
    # layer 3: H -> C
    W3s = jax.random.normal(ks[6], (H, C), dtype=jnp.float32) * (1.0 / np.sqrt(H))
    W3n = jax.random.normal(ks[7], (H, C), dtype=jnp.float32) * (1.0 / np.sqrt(H))
    b3 = jnp.zeros((C,), dtype=jnp.float32)
    return {
        "x": x, "edge_index": edge_index,
        "W1s": W1s, "W1n": W1n, "b1": b1,
        "W2s": W2s, "W2n": W2n, "b2": b2,
        "W3s": W3s, "W3n": W3n, "b3": b3,
    }


def _sage_conv(h, src, dst, Ws, Wn, b):
    # gather source-node features along edges (SpC gather)
    msgs = h[src]
    # mean aggregation at destination nodes (SpC scatter-add)
    agg = jax.ops.segment_sum(msgs, dst, num_segments=N)
    deg = jax.ops.segment_sum(jnp.ones((msgs.shape[0],), h.dtype), dst, num_segments=N)
    mean = agg / jnp.clip(deg, 1.0)[:, None]
    return h @ Ws + mean @ Wn + b


def reference(x, edge_index, W1s, W1n, b1, W2s, W2n, b2, W3s, W3n, b3):
    src = edge_index[0]
    dst = edge_index[1]
    h = jax.nn.relu(_sage_conv(x, src, dst, W1s, W1n, b1))
    # dropout p=0.5 is identity in eval mode
    h = jax.nn.relu(_sage_conv(h, src, dst, W2s, W2n, b2))
    h = jax.nn.relu(_sage_conv(h, src, dst, W3s, W3n, b3))
    return jax.nn.log_softmax(h, axis=-1)

if __name__ == "__main__":
    import jax
    _d = setup_inputs()
    print(jax.jit(kernel)(*tuple(_d.values())))

</pallas_src>

<mosaic_0001>
#map = affine_map<(d0, d1) -> (0, 0)>
module attributes {stable_mosaic.version = 14 : i64} {
  func.func @body(%arg0: i32, %arg1: i32, %arg2: memref<10000x128xf32, #tpu.memory_space<hbm>>, %arg3: memref<5056x64xi32, #tpu.memory_space<hbm>>, %arg4: memref<5056x64xi32, #tpu.memory_space<hbm>>, %arg5: memref<10000x128xf32, #tpu.memory_space<hbm>>, %arg6: memref<10000x128xf32, #tpu.memory_space<hbm>>, %arg7: memref<10000x16xf32, #tpu.memory_space<hbm>>, %arg8: memref<10000x16xf32, #tpu.memory_space<hbm>>, %arg9: memref<158x64xi32, #tpu.memory_space<vmem>>, %arg10: memref<158x64xi32, #tpu.memory_space<vmem>>, %arg11: memref<64x128xf32, #tpu.memory_space<vmem>>, %arg12: memref<64x128xf32, #tpu.memory_space<vmem>>, %arg13: memref<64x16xf32, #tpu.memory_space<vmem>>, %arg14: memref<10064x128xf32, #tpu.memory_space<vmem_shared>>, %arg15: memref<10064x16xf32, #tpu.memory_space<vmem_shared>>, %arg16: memref<!tpu.dma_semaphore, #tpu.memory_space<semaphore_mem>>, %arg17: memref<!tpu.dma_semaphore, #tpu.memory_space<semaphore_mem>>) attributes {dimension_semantics = [#tpu.dimension_semantics<core_parallel>, #tpu.dimension_semantics<subcore_parallel>], iteration_bounds = array<i64: 2, 16>, scalar_prefetch = 0 : i64, scratch_operands = 9 : i64, tpu.core_type = #tpu.core_type<sc_vector_subcore>, window_params = [{transform_indices = #map}, {transform_indices = #map}, {transform_indices = #map}, {transform_indices = #map}, {transform_indices = #map}, {transform_indices = #map}, {transform_indices = #map}]} {
    %mul3A = arith.constant 16 : i32
    %mul3A_0 = arith.muli %arg0, %mul3A : i32
    %add3A = arith.addi %mul3A_0, %arg1 : i32
    %scan3A = arith.constant 0 : i32
    %scan3A_1 = arith.constant 0 : i32
    %scan3A_2 = arith.constant 512 : i32
    %scan3A_3 = arith.addi %scan3A_1, %scan3A_2 : i32
    %scan3A_4 = arith.constant 1 : i32
    scf.for %scan3A_92 = %scan3A_1 to %scan3A_3 step %scan3A_4  : i32 {
      %jit3A = arith.constant 8 : i32
      %div3A = arith.divsi %scan3A_92, %jit3A : i32
      %sign3A = arith.constant 0 : i32
      %sign3A_93 = arith.cmpi sgt, %scan3A_92, %sign3A : i32
      %sign3A_94 = arith.extui %sign3A_93 : i1 to i32
      %sign3A_95 = arith.constant 0 : i32
      %sign3A_96 = arith.cmpi slt, %scan3A_92, %sign3A_95 : i32
      %sign3A_97 = arith.extui %sign3A_96 : i1 to i32
      %sign3A_98 = arith.subi %sign3A_94, %sign3A_97 : i32
      %sign3A_99 = arith.constant 0 : i32
      %sign3A_100 = arith.cmpi sgt, %jit3A, %sign3A_99 : i32
      %sign3A_101 = arith.extui %sign3A_100 : i1 to i32
      %sign3A_102 = arith.constant 0 : i32
      %sign3A_103 = arith.cmpi slt, %jit3A, %sign3A_102 : i32
      %sign3A_104 = arith.extui %sign3A_103 : i1 to i32
      %sign3A_105 = arith.subi %sign3A_101, %sign3A_104 : i32
      %ne3A = arith.cmpi ne, %sign3A_98, %sign3A_105 : i32
      %rem3A = arith.remsi %scan3A_92, %jit3A : i32
      %ne3A_106 = arith.constant 0 : i32
      %ne3A_107 = arith.cmpi ne, %rem3A, %ne3A_106 : i32
      %and3A = arith.andi %ne3A, %ne3A_107 : i1
      %sub3A = arith.constant 1 : i32
      %sub3A_108 = arith.subi %div3A, %sub3A : i32
      %select_n3A = arith.select %and3A, %sub3A_108, %div3A : i32
      %jit3A_109 = arith.constant 8 : i32
      %eq3A_110 = arith.constant 0 : i32
      %eq3A_111 = arith.cmpi eq, %jit3A_109, %eq3A_110 : i32
      %jit3A_112 = arith.constant 1 : i32
      %select_n3A_113 = arith.select %eq3A_111, %jit3A_112, %jit3A_109 : i32
      %rem3A_114 = arith.remsi %scan3A_92, %select_n3A_113 : i32
      %ne3A_115 = arith.constant 0 : i32
      %ne3A_116 = arith.cmpi ne, %rem3A_114, %ne3A_115 : i32
      %lt3A = arith.constant 0 : i32
      %lt3A_117 = arith.cmpi slt, %rem3A_114, %lt3A : i32
      %lt3A_118 = arith.constant 0 : i32
      %lt3A_119 = arith.cmpi slt, %select_n3A_113, %lt3A_118 : i32
      %ne3A_120 = arith.xori %lt3A_117, %lt3A_119 : i1
      %and3A_121 = arith.andi %ne3A_120, %ne3A_116 : i1
      %add3A_122 = arith.addi %rem3A_114, %select_n3A_113 : i32
      %select_n3A_123 = arith.select %and3A_121, %add3A_122, %rem3A_114 : i32
      %mul3A_124 = arith.constant 16 : i32
      %mul3A_125 = arith.muli %select_n3A_123, %mul3A_124 : i32
      %broadcast_in_dim3A = arith.constant 0.000000e+00 : f32
      %broadcast_in_dim3A_126 = vector.broadcast %broadcast_in_dim3A : f32 to vector<16xf32>
      %swap3A = arith.index_cast %select_n3A : i32 to index
      %swap3A_127 = arith.index_cast %mul3A_125 : i32 to index
      %swap3A_128 = tpu.vector_load %arg11[%swap3A, %swap3A_127] {strides = array<i32>} : memref<64x128xf32, #tpu.memory_space<vmem>>, vector<1x16xf32>,
      %swap3A_129 = vector.shape_cast %swap3A_128 : vector<1x16xf32> to vector<16xf32>
      %swap3A_130 = vector.shape_cast %broadcast_in_dim3A_126 : vector<16xf32> to vector<1x16xf32>
      tpu.vector_store %arg11[%swap3A, %swap3A_127], %swap3A_130 {strides = array<i32>} : memref<64x128xf32, #tpu.memory_space<vmem>>, vector<1x16xf32>,
    }
    %scan3A_5 = arith.constant 512 : i32
    %mul3A_6 = arith.constant 624 : i32
    %mul3A_7 = arith.muli %arg1, %mul3A_6 : i32
    %add3A_8 = arith.constant 0 : i32
    %add3A_9 = arith.addi %mul3A_7, %add3A_8 : i32
    "tpu.region"() ({
      %run_scoped3A = tpu.sem_alloc : memref<!tpu.dma_semaphore, #tpu.memory_space<semaphore_mem>>
      %dma_start3A_92 = arith.constant 0 : i32
      %dma_start3A_93 = tpu.memref_slice %arg14[%add3A_9, %dma_start3A_92] : memref<10064x128xf32, #tpu.memory_space<vmem_shared>> -> memref<64x128xf32, #tpu.memory_space<vmem_shared>>
      %dma_start3A_94 = arith.constant 0 : i32
      %dma_start3A_95 = tpu.memref_slice %arg14[%add3A_9, %dma_start3A_94] : memref<10064x128xf32, #tpu.memory_space<vmem_shared>> -> memref<64x128xf32, #tpu.memory_space<vmem_shared>>
      tpu.enqueue_dma source(%arg11 : memref<64x128xf32, #tpu.memory_space<vmem>>) target(%dma_start3A_95 : memref<64x128xf32, #tpu.memory_space<vmem_shared>>) target_semaphore(%run_scoped3A : memref<!tpu.dma_semaphore, #tpu.memory_space<semaphore_mem>>)
      %dma_wait3A = arith.constant 0 : i32
      %dma_wait3A_96 = tpu.memref_slice %arg14[%add3A_9, %dma_wait3A] : memref<10064x128xf32, #tpu.memory_space<vmem_shared>> -> memref<64x128xf32, #tpu.memory_space<vmem_shared>>
      %dma_wait3A_97 = arith.constant 0 : i32
      %dma_wait3A_98 = tpu.memref_slice %arg14[%add3A_9, %dma_wait3A_97] : memref<10064x128xf32, #tpu.memory_space<vmem_shared>> -> memref<64x128xf32, #tpu.memory_space<vmem_shared>>
      tpu.wait_dma2 semaphore(%run_scoped3A : memref<!tpu.dma_semaphore, #tpu.memory_space<semaphore_mem>>) src(%arg11 : memref<64x128xf32, #tpu.memory_space<vmem>>) dst(%dma_wait3A_98 : memref<64x128xf32, #tpu.memory_space<vmem_shared>>)
      tpu.yield
    }) : () -> ()
    %add3A_10 = arith.constant 64 : i32
    %add3A_11 = arith.addi %mul3A_7, %add3A_10 : i32
    "tpu.region"() ({
      %run_scoped3A = tpu.sem_alloc : memref<!tpu.dma_semaphore, #tpu.memory_space<semaphore_mem>>
      %dma_start3A_92 = arith.constant 0 : i32
      %dma_start3A_93 = tpu.memref_slice %arg14[%add3A_11, %dma_start3A_92] : memref<10064x128xf32, #tpu.memory_space<vmem_shared>> -> memref<64x128xf32, #tpu.memory_space<vmem_shared>>
      %dma_start3A_94 = arith.constant 0 : i32
      %dma_start3A_95 = tpu.memref_slice %arg14[%add3A_11, %dma_start3A_94] : memref<10064x128xf32, #tpu.memory_space<vmem_shared>> -> memref<64x128xf32, #tpu.memory_space<vmem_shared>>
      tpu.enqueue_dma source(%arg11 : memref<64x128xf32, #tpu.memory_space<vmem>>) target(%dma_start3A_95 : memref<64x128xf32, #tpu.memory_space<vmem_shared>>) target_semaphore(%run_scoped3A : memref<!tpu.dma_semaphore, #tpu.memory_space<semaphore_mem>>)
      %dma_wait3A = arith.constant 0 : i32
      %dma_wait3A_96 = tpu.memref_slice %arg14[%add3A_11, %dma_wait3A] : memref<10064x128xf32, #tpu.memory_space<vmem_shared>> -> memref<64x128xf32, #tpu.memory_space<vmem_shared>>
      %dma_wait3A_97 = arith.constant 0 : i32
      %dma_wait3A_98 = tpu.memref_slice %arg14[%add3A_11, %dma_wait3A_97] : memref<10064x128xf32, #tpu.memory_space<vmem_shared>> -> memref<64x128xf32, #tpu.memory_space<vmem_shared>>
      tpu.wait_dma2 semaphore(%run_scoped3A : memref<!tpu.dma_semaphore, #tpu.memory_space<semaphore_mem>>) src(%arg11 : memref<64x128xf32, #tpu.memory_space<vmem>>) dst(%dma_wait3A_98 : memref<64x128xf32, #tpu.memory_space<vmem_shared>>)
      tpu.yield
    }) : () -> ()
    %add3A_12 = arith.constant 128 : i32
    %add3A_13 = arith.addi %mul3A_7, %add3A_12 : i32
    "tpu.region"() ({
      %run_scoped3A = tpu.sem_alloc : memref<!tpu.dma_semaphore, #tpu.memory_space<semaphore_mem>>
      %dma_start3A_92 = arith.constant 0 : i32
      %dma_start3A_93 = tpu.memref_slice %arg14[%add3A_13, %dma_start3A_92] : memref<10064x128xf32, #tpu.memory_space<vmem_shared>> -> memref<64x128xf32, #tpu.memory_space<vmem_shared>>
      %dma_start3A_94 = arith.constant 0 : i32
      %dma_start3A_95 = tpu.memref_slice %arg14[%add3A_13, %dma_start3A_94] : memref<10064x128xf32, #tpu.memory_space<vmem_shared>> -> memref<64x128xf32, #tpu.memory_space<vmem_shared>>
      tpu.enqueue_dma source(%arg11 : memref<64x128xf32, #tpu.memory_space<vmem>>) target(%dma_start3A_95 : memref<64x128xf32, #tpu.memory_space<vmem_shared>>) target_semaphore(%run_scoped3A : memref<!tpu.dma_semaphore, #tpu.memory_space<semaphore_mem>>)
      %dma_wait3A = arith.constant 0 : i32
      %dma_wait3A_96 = tpu.memref_slice %arg14[%add3A_13, %dma_wait3A] : memref<10064x128xf32, #tpu.memory_space<vmem_shared>> -> memref<64x128xf32, #tpu.memory_space<vmem_shared>>
      %dma_wait3A_97 = arith.constant 0 : i32
      %dma_wait3A_98 = tpu.memref_slice %arg14[%add3A_13, %dma_wait3A_97] : memref<10064x128xf32, #tpu.memory_space<vmem_shared>> -> memref<64x128xf32, #tpu.memory_space<vmem_shared>>
      tpu.wait_dma2 semaphore(%run_scoped3A : memref<!tpu.dma_semaphore, #tpu.memory_space<semaphore_mem>>) src(%arg11 : memref<64x128xf32, #tpu.memory_space<vmem>>) dst(%dma_wait3A_98 : memref<64x128xf32, #tpu.memory_space<vmem_shared>>)
      tpu.yield
    }) : () -> ()
    %add3A_14 = arith.constant 192 : i32
    %add3A_15 = arith.addi %mul3A_7, %add3A_14 : i32
    "tpu.region"() ({
      %run_scoped3A = tpu.sem_alloc : memref<!tpu.dma_semaphore, #tpu.memory_space<semaphore_mem>>
      %dma_start3A_92 = arith.constant 0 : i32
      %dma_start3A_93 = tpu.memref_slice %arg14[%add3A_15, %dma_start3A_92] : memref<10064x128xf32, #tpu.memory_space<vmem_shared>> -> memref<64x128xf32, #tpu.memory_space<vmem_shared>>
      %dma_start3A_94 = arith.constant 0 : i32
      %dma_start3A_95 = tpu.memref_slice %arg14[%add3A_15, %dma_start3A_94] : memref<10064x128xf32, #tpu.memory_space<vmem_shared>> -> memref<64x128xf32, #tpu.memory_space<vmem_shared>>
      tpu.enqueue_dma source(%arg11 : memref<64x128xf32, #tpu.memory_space<vmem>>) target(%dma_start3A_95 : memref<64x128xf32, #tpu.memory_space<vmem_shared>>) target_semaphore(%run_scoped3A : memref<!tpu.dma_semaphore, #tpu.memory_space<semaphore_mem>>)
      %dma_wait3A = arith.constant 0 : i32
      %dma_wait3A_96 = tpu.memref_slice %arg14[%add3A_15, %dma_wait3A] : memref<10064x128xf32, #tpu.memory_space<vmem_shared>> -> memref<64x128xf32, #tpu.memory_space<vmem_shared>>
      %dma_wait3A_97 = arith.constant 0 : i32
      %dma_wait3A_98 = tpu.memref_slice %arg14[%add3A_15, %dma_wait3A_97] : memref<10064x128xf32, #tpu.memory_space<vmem_shared>> -> memref<64x128xf32, #tpu.memory_space<vmem_shared>>
      tpu.wait_dma2 semaphore(%run_scoped3A : memref<!tpu.dma_semaphore, #tpu.memory_space<semaphore_mem>>) src(%arg11 : memref<64x128xf32, #tpu.memory_space<vmem>>) dst(%dma_wait3A_98 : memref<64x128xf32, #tpu.memory_space<vmem_shared>>)
      tpu.yield
    }) : () -> ()
    %add3A_16 = arith.constant 256 : i32
    %add3A_17 = arith.addi %mul3A_7, %add3A_16 : i32
    "tpu.region"() ({
      %run_scoped3A = tpu.sem_alloc : memref<!tpu.dma_semaphore, #tpu.memory_space<semaphore_mem>>
      %dma_start3A_92 = arith.constant 0 : i32
      %dma_start3A_93 = tpu.memref_slice %arg14[%add3A_17, %dma_start3A_92] : memref<10064x128xf32, #tpu.memory_space<vmem_shared>> -> memref<64x128xf32, #tpu.memory_space<vmem_shared>>
      %dma_start3A_94 = arith.constant 0 : i32
      %dma_start3A_95 = tpu.memref_slice %arg14[%add3A_17, %dma_start3A_94] : memref<10064x128xf32, #tpu.memory_space<vmem_shared>> -> memref<64x128xf32, #tpu.memory_space<vmem_shared>>
      tpu.enqueue_dma source(%arg11 : memref<64x128xf32, #tpu.memory_space<vmem>>) target(%dma_start3A_95 : memref<64x128xf32, #tpu.memory_space<vmem_shared>>) target_semaphore(%run_scoped3A : memref<!tpu.dma_semaphore, #tpu.memory_space<semaphore_mem>>)
      %dma_wait3A = arith.constant 0 : i32
      %dma_wait3A_96 = tpu.memref_slice %arg14[%add3A_17, %dma_wait3A] : memref<10064x128xf32, #tpu.memory_space<vmem_shared>> -> memref<64x128xf32, #tpu.memory_space<vmem_shared>>
      %dma_wait3A_97 = arith.constant 0 : i32
      %dma_wait3A_98 = tpu.memref_slice %arg14[%add3A_17, %dma_wait3A_97] : memref<10064x128xf32, #tpu.memory_space<vmem_shared>> -> memref<64x128xf32, #tpu.memory_space<vmem_shared>>
      tpu.wait_dma2 semaphore(%run_scoped3A : memref<!tpu.dma_semaphore, #tpu.memory_space<semaphore_mem>>) src(%arg11 : memref<64x128xf32, #tpu.memory_space<vmem>>) dst(%dma_wait3A_98 : memref<64x128xf32, #tpu.memory_space<vmem_shared>>)
      tpu.yield
    }) : () -> ()
    %add3A_18 = arith.constant 320 : i32
    %add3A_19 = arith.addi %mul3A_7, %add3A_18 : i32
    "tpu.region"() ({
      %run_scoped3A = tpu.sem_alloc : memref<!tpu.dma_semaphore, #tpu.memory_space<semaphore_mem>>
      %dma_start3A_92 = arith.constant 0 : i32
      %dma_start3A_93 = tpu.memref_slice %arg14[%add3A_19, %dma_start3A_92] : memref<10064x128xf32, #tpu.memory_space<vmem_shared>> -> memref<64x128xf32, #tpu.memory_space<vmem_shared>>
      %dma_start3A_94 = arith.constant 0 : i32
      %dma_start3A_95 = tpu.memref_slice %arg14[%add3A_19, %dma_start3A_94] : memref<10064x128xf32, #tpu.memory_space<vmem_shared>> -> memref<64x128xf32, #tpu.memory_space<vmem_shared>>
      tpu.enqueue_dma source(%arg11 : memref<64x128xf32, #tpu.memory_space<vmem>>) target(%dma_start3A_95 : memref<64x128xf32, #tpu.memory_space<vmem_shared>>) target_semaphore(%run_scoped3A : memref<!tpu.dma_semaphore, #tpu.memory_space<semaphore_mem>>)
      %dma_wait3A = arith.constant 0 : i32
      %dma_wait3A_96 = tpu.memref_slice %arg14[%add3A_19, %dma_wait3A] : memref<10064x128xf32, #tpu.memory_space<vmem_shared>> -> memref<64x128xf32, #tpu.memory_space<vmem_shared>>
      %dma_wait3A_97 = arith.constant 0 : i32
      %dma_wait3A_98 = tpu.memref_slice %arg14[%add3A_19, %dma_wait3A_97] : memref<10064x128xf32, #tpu.memory_space<vmem_shared>> -> memref<64x128xf32, #tpu.memory_space<vmem_shared>>
      tpu.wait_dma2 semaphore(%run_scoped3A : memref<!tpu.dma_semaphore, #tpu.memory_space<semaphore_mem>>) src(%arg11 : memref<64x128xf32, #tpu.memory_space<vmem>>) dst(%dma_wait3A_98 : memref<64x128xf32, #tpu.memory_space<vmem_shared>>)
      tpu.yield
    }) : () -> ()
    %add3A_20 = arith.constant 384 : i32
    %add3A_21 = arith.addi %mul3A_7, %add3A_20 : i32
    "tpu.region"() ({
      %run_scoped3A = tpu.sem_alloc : memref<!tpu.dma_semaphore, #tpu.memory_space<semaphore_mem>>
      %dma_start3A_92 = arith.constant 0 : i32
      %dma_start3A_93 = tpu.memref_slice %arg14[%add3A_21, %dma_start3A_92] : memref<10064x128xf32, #tpu.memory_space<vmem_shared>> -> memref<64x128xf32, #tpu.memory_space<vmem_shared>>
      %dma_start3A_94 = arith.constant 0 : i32
      %dma_start3A_95 = tpu.memref_slice %arg14[%add3A_21, %dma_start3A_94] : memref<10064x128xf32, #tpu.memory_space<vmem_shared>> -> memref<64x128xf32, #tpu.memory_space<vmem_shared>>
      tpu.enqueue_dma source(%arg11 : memref<64x128xf32, #tpu.memory_space<vmem>>) target(%dma_start3A_95 : memref<64x128xf32, #tpu.memory_space<vmem_shared>>) target_semaphore(%run_scoped3A : memref<!tpu.dma_semaphore, #tpu.memory_space<semaphore_mem>>)
      %dma_wait3A = arith.constant 0 : i32
      %dma_wait3A_96 = tpu.memref_slice %arg14[%add3A_21, %dma_wait3A] : memref<10064x128xf32, #tpu.memory_space<vmem_shared>> -> memref<64x128xf32, #tpu.memory_space<vmem_shared>>
      %dma_wait3A_97 = arith.constant 0 : i32
      %dma_wait3A_98 = tpu.memref_slice %arg14[%add3A_21, %dma_wait3A_97] : memref<10064x128xf32, #tpu.memory_space<vmem_shared>> -> memref<64x128xf32, #tpu.memory_space<vmem_shared>>
      tpu.wait_dma2 semaphore(%run_scoped3A : memref<!tpu.dma_semaphore, #tpu.memory_space<semaphore_mem>>) src(%arg11 : memref<64x128xf32, #tpu.memory_space<vmem>>) dst(%dma_wait3A_98 : memref<64x128xf32, #tpu.memory_space<vmem_shared>>)
      tpu.yield
    }) : () -> ()
    %add3A_22 = arith.constant 448 : i32
    %add3A_23 = arith.addi %mul3A_7, %add3A_22 : i32
    "tpu.region"() ({
      %run_scoped3A = tpu.sem_alloc : memref<!tpu.dma_semaphore, #tpu.memory_space<semaphore_mem>>
      %dma_start3A_92 = arith.constant 0 : i32
      %dma_start3A_93 = tpu.memref_slice %arg14[%add3A_23, %dma_start3A_92] : memref<10064x128xf32, #tpu.memory_space<vmem_shared>> -> memref<64x128xf32, #tpu.memory_space<vmem_shared>>
      %dma_start3A_94 = arith.constant 0 : i32
      %dma_start3A_95 = tpu.memref_slice %arg14[%add3A_23, %dma_start3A_94] : memref<10064x128xf32, #tpu.memory_space<vmem_shared>> -> memref<64x128xf32, #tpu.memory_space<vmem_shared>>
      tpu.enqueue_dma source(%arg11 : memref<64x128xf32, #tpu.memory_space<vmem>>) target(%dma_start3A_95 : memref<64x128xf32, #tpu.memory_space<vmem_shared>>) target_semaphore(%run_scoped3A : memref<!tpu.dma_semaphore, #tpu.memory_space<semaphore_mem>>)
      %dma_wait3A = arith.constant 0 : i32
      %dma_wait3A_96 = tpu.memref_slice %arg14[%add3A_23, %dma_wait3A] : memref<10064x128xf32, #tpu.memory_space<vmem_shared>> -> memref<64x128xf32, #tpu.memory_space<vmem_shared>>
      %dma_wait3A_97 = arith.constant 0 : i32
      %dma_wait3A_98 = tpu.memref_slice %arg14[%add3A_23, %dma_wait3A_97] : memref<10064x128xf32, #tpu.memory_space<vmem_shared>> -> memref<64x128xf32, #tpu.memory_space<vmem_shared>>
      tpu.wait_dma2 semaphore(%run_scoped3A : memref<!tpu.dma_semaphore, #tpu.memory_space<semaphore_mem>>) src(%arg11 : memref<64x128xf32, #tpu.memory_space<vmem>>) dst(%dma_wait3A_98 : memref<64x128xf32, #tpu.memory_space<vmem_shared>>)
      tpu.yield
    }) : () -> ()
    %add3A_24 = arith.constant 512 : i32
    %add3A_25 = arith.addi %mul3A_7, %add3A_24 : i32
    "tpu.region"() ({
      %run_scoped3A = tpu.sem_alloc : memref<!tpu.dma_semaphore, #tpu.memory_space<semaphore_mem>>
      %dma_start3A_92 = arith.constant 0 : i32
      %dma_start3A_93 = tpu.memref_slice %arg14[%add3A_25, %dma_start3A_92] : memref<10064x128xf32, #tpu.memory_space<vmem_shared>> -> memref<64x128xf32, #tpu.memory_space<vmem_shared>>
      %dma_start3A_94 = arith.constant 0 : i32
      %dma_start3A_95 = tpu.memref_slice %arg14[%add3A_25, %dma_start3A_94] : memref<10064x128xf32, #tpu.memory_space<vmem_shared>> -> memref<64x128xf32, #tpu.memory_space<vmem_shared>>
      tpu.enqueue_dma source(%arg11 : memref<64x128xf32, #tpu.memory_space<vmem>>) target(%dma_start3A_95 : memref<64x128xf32, #tpu.memory_space<vmem_shared>>) target_semaphore(%run_scoped3A : memref<!tpu.dma_semaphore, #tpu.memory_space<semaphore_mem>>)
      %dma_wait3A = arith.constant 0 : i32
      %dma_wait3A_96 = tpu.memref_slice %arg14[%add3A_25, %dma_wait3A] : memref<10064x128xf32, #tpu.memory_space<vmem_shared>> -> memref<64x128xf32, #tpu.memory_space<vmem_shared>>
      %dma_wait3A_97 = arith.constant 0 : i32
      %dma_wait3A_98 = tpu.memref_slice %arg14[%add3A_25, %dma_wait3A_97] : memref<10064x128xf32, #tpu.memory_space<vmem_shared>> -> memref<64x128xf32, #tpu.memory_space<vmem_shared>>
      tpu.wait_dma2 semaphore(%run_scoped3A : memref<!tpu.dma_semaphore, #tpu.memory_space<semaphore_mem>>) src(%arg11 : memref<64x128xf32, #tpu.memory_space<vmem>>) dst(%dma_wait3A_98 : memref<64x128xf32, #tpu.memory_space<vmem_shared>>)
      tpu.yield
    }) : () -> ()
    %add3A_26 = arith.constant 576 : i32
    %add3A_27 = arith.addi %mul3A_7, %add3A_26 : i32
    "tpu.region"() ({
      %run_scoped3A = tpu.sem_alloc : memref<!tpu.dma_semaphore, #tpu.memory_space<semaphore_mem>>
      %dma_start3A_92 = arith.constant 0 : i32
      %dma_start3A_93 = arith.constant 0 : i32
      %dma_start3A_94 = tpu.memref_slice %arg11[%dma_start3A_92, %dma_start3A_93] : memref<64x128xf32, #tpu.memory_space<vmem>> -> memref<48x128xf32, #tpu.memory_space<vmem>>
      %dma_start3A_95 = arith.constant 0 : i32
      %dma_start3A_96 = tpu.memref_slice %arg14[%add3A_27, %dma_start3A_95] : memref<10064x128xf32, #tpu.memory_space<vmem_shared>> -> memref<48x128xf32, #tpu.memory_space<vmem_shared>>
      %dma_start3A_97 = arith.constant 0 : i32
      %dma_start3A_98 = tpu.memref_slice %arg14[%add3A_27, %dma_start3A_97] : memref<10064x128xf32, #tpu.memory_space<vmem_shared>> -> memref<48x128xf32, #tpu.memory_space<vmem_shared>>
      %dma_start3A_99 = arith.constant 0 : i32
      %dma_start3A_100 = arith.constant 0 : i32
      %dma_start3A_101 = tpu.memref_slice %arg11[%dma_start3A_99, %dma_start3A_100] : memref<64x128xf32, #tpu.memory_space<vmem>> -> memref<48x128xf32, #tpu.memory_space<vmem>>
      tpu.enqueue_dma source(%dma_start3A_101 : memref<48x128xf32, #tpu.memory_space<vmem>>) target(%dma_start3A_98 : memref<48x128xf32, #tpu.memory_space<vmem_shared>>) target_semaphore(%run_scoped3A : memref<!tpu.dma_semaphore, #tpu.memory_space<semaphore_mem>>)
      %dma_wait3A = arith.constant 0 : i32
      %dma_wait3A_102 = arith.constant 0 : i32
      %dma_wait3A_103 = tpu.memref_slice %arg11[%dma_wait3A, %dma_wait3A_102] : memref<64x128xf32, #tpu.memory_space<vmem>> -> memref<48x128xf32, #tpu.memory_space<vmem>>
      %dma_wait3A_104 = arith.constant 0 : i32
      %dma_wait3A_105 = tpu.memref_slice %arg14[%add3A_27, %dma_wait3A_104] : memref<10064x128xf32, #tpu.memory_space<vmem_shared>> -> memref<48x128xf32, #tpu.memory_space<vmem_shared>>
      %dma_wait3A_106 = arith.constant 0 : i32
      %dma_wait3A_107 = tpu.memref_slice %arg14[%add3A_27, %dma_wait3A_106] : memref<10064x128xf32, #tpu.memory_space<vmem_shared>> -> memref<48x128xf32, #tpu.memory_space<vmem_shared>>
      %dma_wait3A_108 = arith.constant 0 : i32
      %dma_wait3A_109 = arith.constant 0 : i32
      %dma_wait3A_110 = tpu.memref_slice %arg11[%dma_wait3A_108, %dma_wait3A_109] : memref<64x128xf32, #tpu.memory_space<vmem>> -> memref<48x128xf32, #tpu.memory_space<vmem>>
      tpu.wait_dma2 semaphore(%run_scoped3A : memref<!tpu.dma_semaphore, #tpu.memory_space<semaphore_mem>>) src(%dma_wait3A_110 : memref<48x128xf32, #tpu.memory_space<vmem>>) dst(%dma_wait3A_107 : memref<48x128xf32, #tpu.memory_space<vmem_shared>>)
      tpu.yield
    }) : () -> ()
    %eq3A = arith.constant 15 : i32
    %eq3A_28 = arith.cmpi eq, %arg1, %eq3A : i32
    %convert_element_type3A = arith.extui %eq3A_28 : i1 to i32
    %cond3A = arith.constant 0 : i32
    %cond3A_29 = arith.cmpi ne, %convert_element_type3A, %cond3A : i32
    scf.if %cond3A_29 {
      "tpu.region"() ({
        %run_scoped3A = tpu.sem_alloc : memref<!tpu.dma_semaphore, #tpu.memory_space<semaphore_mem>>
        %dma_start3A_92 = arith.constant 0 : i32
        %dma_start3A_93 = arith.constant 0 : i32
        %dma_start3A_94 = tpu.memref_slice %arg11[%dma_start3A_92, %dma_start3A_93] : memref<64x128xf32, #tpu.memory_space<vmem>> -> memref<16x128xf32, #tpu.memory_space<vmem>>
        %dma_start3A_95 = arith.constant 9984 : i32
        %dma_start3A_96 = arith.constant 0 : i32
        %dma_start3A_97 = tpu.memref_slice %arg14[%dma_start3A_95, %dma_start3A_96] : memref<10064x128xf32, #tpu.memory_space<vmem_shared>> -> memref<16x128xf32, #tpu.memory_space<vmem_shared>>
        %dma_start3A_98 = arith.constant 9984 : i32
        %dma_start3A_99 = arith.constant 0 : i32
        %dma_start3A_100 = tpu.memref_slice %arg14[%dma_start3A_98, %dma_start3A_99] : memref<10064x128xf32, #tpu.memory_space<vmem_shared>> -> memref<16x128xf32, #tpu.memory_space<vmem_shared>>
        %dma_start3A_101 = arith.constant 0 : i32
        %dma_start3A_102 = arith.constant 0 : i32
        %dma_start3A_103 = tpu.memref_slice %arg11[%dma_start3A_101, %dma_start3A_102] : memref<64x128xf32, #tpu.memory_space<vmem>> -> memref<16x128xf32, #tpu.memory_space<vmem>>
        tpu.enqueue_dma source(%dma_start3A_103 : memref<16x128xf32, #tpu.memory_space<vmem>>) target(%dma_start3A_100 : memref<16x128xf32, #tpu.memory_space<vmem_shared>>) target_semaphore(%run_scoped3A : memref<!tpu.dma_semaphore, #tpu.memory_space<semaphore_mem>>)
        %dma_wait3A = arith.constant 0 : i32
        %dma_wait3A_104 = arith.constant 0 : i32
        %dma_wait3A_105 = tpu.memref_slice %arg11[%dma_wait3A, %dma_wait3A_104] : memref<64x128xf32, #tpu.memory_space<vmem>> -> memref<16x128xf32, #tpu.memory_space<vmem>>
        %dma_wait3A_106 = arith.constant 9984 : i32
        %dma_wait3A_107 = arith.constant 0 : i32
        %dma_wait3A_108 = tpu.memref_slice %arg14[%dma_wait3A_106, %dma_wait3A_107] : memref<10064x128xf32, #tpu.memory_space<vmem_shared>> -> memref<16x128xf32, #tpu.memory_space<vmem_shared>>
        %dma_wait3A_109 = arith.constant 9984 : i32
        %dma_wait3A_110 = arith.constant 0 : i32
        %dma_wait3A_111 = tpu.memref_slice %arg14[%dma_wait3A_109, %dma_wait3A_110] : memref<10064x128xf32, #tpu.memory_space<vmem_shared>> -> memref<16x128xf32, #tpu.memory_space<vmem_shared>>
        %dma_wait3A_112 = arith.constant 0 : i32
        %dma_wait3A_113 = arith.constant 0 : i32
        %dma_wait3A_114 = tpu.memref_slice %arg11[%dma_wait3A_112, %dma_wait3A_113] : memref<64x128xf32, #tpu.memory_space<vmem>> -> memref<16x128xf32, #tpu.memory_space<vmem>>
        tpu.wait_dma2 semaphore(%run_scoped3A : memref<!tpu.dma_semaphore, #tpu.memory_space<semaphore_mem>>) src(%dma_wait3A_114 : memref<16x128xf32, #tpu.memory_space<vmem>>) dst(%dma_wait3A_111 : memref<16x128xf32, #tpu.memory_space<vmem_shared>>)
        tpu.yield
      }) : () -> ()
    } else {
    }
    %scan3A_30 = arith.constant 0 : i32
    %scan3A_31 = arith.constant 0 : i32
    %scan3A_32 = arith.constant 64 : i32
    %scan3A_33 = arith.addi %scan3A_31, %scan3A_32 : i32
    %scan3A_34 = arith.constant 1 : i32
    scf.for %scan3A_92 = %scan3A_31 to %scan3A_33 step %scan3A_34  : i32 {
      %broadcast_in_dim3A = arith.constant 0.000000e+00 : f32
      %broadcast_in_dim3A_93 = vector.broadcast %broadcast_in_dim3A : f32 to vector<16xf32>
      %swap3A = arith.index_cast %scan3A_92 : i32 to index
      %swap3A_94 = arith.constant 0 : index
      %swap3A_95 = tpu.vector_load %arg13[%swap3A, %swap3A_94] {strides = array<i32>} : memref<64x16xf32, #tpu.memory_space<vmem>>, vector<1x16xf32>,
      %swap3A_96 = vector.shape_cast %swap3A_95 : vector<1x16xf32> to vector<16xf32>
      %swap3A_97 = vector.shape_cast %broadcast_in_dim3A_93 : vector<16xf32> to vector<1x16xf32>
      tpu.vector_store %arg13[%swap3A, %swap3A_94], %swap3A_97 {strides = array<i32>} : memref<64x16xf32, #tpu.memory_space<vmem>>, vector<1x16xf32>,
    }
    %scan3A_35 = arith.constant 64 : i32
    %add3A_36 = arith.constant 0 : i32
    %add3A_37 = arith.addi %mul3A_7, %add3A_36 : i32
    "tpu.region"() ({
      %run_scoped3A = tpu.sem_alloc : memref<!tpu.dma_semaphore, #tpu.memory_space<semaphore_mem>>
      %dma_start3A_92 = arith.constant 0 : i32
      %dma_start3A_93 = tpu.memref_slice %arg15[%add3A_37, %dma_start3A_92] : memref<10064x16xf32, #tpu.memory_space<vmem_shared>> -> memref<64x16xf32, #tpu.memory_space<vmem_shared>>
      %dma_start3A_94 = arith.constant 0 : i32
      %dma_start3A_95 = tpu.memref_slice %arg15[%add3A_37, %dma_start3A_94] : memref<10064x16xf32, #tpu.memory_space<vmem_shared>> -> memref<64x16xf32, #tpu.memory_space<vmem_shared>>
      tpu.enqueue_dma source(%arg13 : memref<64x16xf32, #tpu.memory_space<vmem>>) target(%dma_start3A_95 : memref<64x16xf32, #tpu.memory_space<vmem_shared>>) target_semaphore(%run_scoped3A : memref<!tpu.dma_semaphore, #tpu.memory_space<semaphore_mem>>)
      %dma_wait3A = arith.constant 0 : i32
      %dma_wait3A_96 = tpu.memref_slice %arg15[%add3A_37, %dma_wait3A] : memref<10064x16xf32, #tpu.memory_space<vmem_shared>> -> memref<64x16xf32, #tpu.memory_space<vmem_shared>>
      %dma_wait3A_97 = arith.constant 0 : i32
      %dma_wait3A_98 = tpu.memref_slice %arg15[%add3A_37, %dma_wait3A_97] : memref<10064x16xf32, #tpu.memory_space<vmem_shared>> -> memref<64x16xf32, #tpu.memory_space<vmem_shared>>
      tpu.wait_dma2 semaphore(%run_scoped3A : memref<!tpu.dma_semaphore, #tpu.memory_space<semaphore_mem>>) src(%arg13 : memref<64x16xf32, #tpu.memory_space<vmem>>) dst(%dma_wait3A_98 : memref<64x16xf32, #tpu.memory_space<vmem_shared>>)
      tpu.yield
    }) : () -> ()
    %add3A_38 = arith.constant 64 : i32
    %add3A_39 = arith.addi %mul3A_7, %add3A_38 : i32
    "tpu.region"() ({
      %run_scoped3A = tpu.sem_alloc : memref<!tpu.dma_semaphore, #tpu.memory_space<semaphore_mem>>
      %dma_start3A_92 = arith.constant 0 : i32
      %dma_start3A_93 = tpu.memref_slice %arg15[%add3A_39, %dma_start3A_92] : memref<10064x16xf32, #tpu.memory_space<vmem_shared>> -> memref<64x16xf32, #tpu.memory_space<vmem_shared>>
      %dma_start3A_94 = arith.constant 0 : i32
      %dma_start3A_95 = tpu.memref_slice %arg15[%add3A_39, %dma_start3A_94] : memref<10064x16xf32, #tpu.memory_space<vmem_shared>> -> memref<64x16xf32, #tpu.memory_space<vmem_shared>>
      tpu.enqueue_dma source(%arg13 : memref<64x16xf32, #tpu.memory_space<vmem>>) target(%dma_start3A_95 : memref<64x16xf32, #tpu.memory_space<vmem_shared>>) target_semaphore(%run_scoped3A : memref<!tpu.dma_semaphore, #tpu.memory_space<semaphore_mem>>)
      %dma_wait3A = arith.constant 0 : i32
      %dma_wait3A_96 = tpu.memref_slice %arg15[%add3A_39, %dma_wait3A] : memref<10064x16xf32, #tpu.memory_space<vmem_shared>> -> memref<64x16xf32, #tpu.memory_space<vmem_shared>>
      %dma_wait3A_97 = arith.constant 0 : i32
      %dma_wait3A_98 = tpu.memref_slice %arg15[%add3A_39, %dma_wait3A_97] : memref<10064x16xf32, #tpu.memory_space<vmem_shared>> -> memref<64x16xf32, #tpu.memory_space<vmem_shared>>
      tpu.wait_dma2 semaphore(%run_scoped3A : memref<!tpu.dma_semaphore, #tpu.memory_space<semaphore_mem>>) src(%arg13 : memref<64x16xf32, #tpu.memory_space<vmem>>) dst(%dma_wait3A_98 : memref<64x16xf32, #tpu.memory_space<vmem_shared>>)
      tpu.yield
    }) : () -> ()
    %add3A_40 = arith.constant 128 : i32
    %add3A_41 = arith.addi %mul3A_7, %add3A_40 : i32
    "tpu.region"() ({
      %run_scoped3A = tpu.sem_alloc : memref<!tpu.dma_semaphore, #tpu.memory_space<semaphore_mem>>
      %dma_start3A_92 = arith.constant 0 : i32
      %dma_start3A_93 = tpu.memref_slice %arg15[%add3A_41, %dma_start3A_92] : memref<10064x16xf32, #tpu.memory_space<vmem_shared>> -> memref<64x16xf32, #tpu.memory_space<vmem_shared>>
      %dma_start3A_94 = arith.constant 0 : i32
      %dma_start3A_95 = tpu.memref_slice %arg15[%add3A_41, %dma_start3A_94] : memref<10064x16xf32, #tpu.memory_space<vmem_shared>> -> memref<64x16xf32, #tpu.memory_space<vmem_shared>>
      tpu.enqueue_dma source(%arg13 : memref<64x16xf32, #tpu.memory_space<vmem>>) target(%dma_start3A_95 : memref<64x16xf32, #tpu.memory_space<vmem_shared>>) target_semaphore(%run_scoped3A : memref<!tpu.dma_semaphore, #tpu.memory_space<semaphore_mem>>)
      %dma_wait3A = arith.constant 0 : i32
      %dma_wait3A_96 = tpu.memref_slice %arg15[%add3A_41, %dma_wait3A] : memref<10064x16xf32, #tpu.memory_space<vmem_shared>> -> memref<64x16xf32, #tpu.memory_space<vmem_shared>>
      %dma_wait3A_97 = arith.constant 0 : i32
      %dma_wait3A_98 = tpu.memref_slice %arg15[%add3A_41, %dma_wait3A_97] : memref<10064x16xf32, #tpu.memory_space<vmem_shared>> -> memref<64x16xf32, #tpu.memory_space<vmem_shared>>
      tpu.wait_dma2 semaphore(%run_scoped3A : memref<!tpu.dma_semaphore, #tpu.memory_space<semaphore_mem>>) src(%arg13 : memref<64x16xf32, #tpu.memory_space<vmem>>) dst(%dma_wait3A_98 : memref<64x16xf32, #tpu.memory_space<vmem_shared>>)
      tpu.yield
    }) : () -> ()
    %add3A_42 = arith.constant 192 : i32
    %add3A_43 = arith.addi %mul3A_7, %add3A_42 : i32
    "tpu.region"() ({
      %run_scoped3A = tpu.sem_alloc : memref<!tpu.dma_semaphore, #tpu.memory_space<semaphore_mem>>
      %dma_start3A_92 = arith.constant 0 : i32
      %dma_start3A_93 = tpu.memref_slice %arg15[%add3A_43, %dma_start3A_92] : memref<10064x16xf32, #tpu.memory_space<vmem_shared>> -> memref<64x16xf32, #tpu.memory_space<vmem_shared>>
      %dma_start3A_94 = arith.constant 0 : i32
      %dma_start3A_95 = tpu.memref_slice %arg15[%add3A_43, %dma_start3A_94] : memref<10064x16xf32, #tpu.memory_space<vmem_shared>> -> memref<64x16xf32, #tpu.memory_space<vmem_shared>>
      tpu.enqueue_dma source(%arg13 : memref<64x16xf32, #tpu.memory_space<vmem>>) target(%dma_start3A_95 : memref<64x16xf32, #tpu.memory_space<vmem_shared>>) target_semaphore(%run_scoped3A : memref<!tpu.dma_semaphore, #tpu.memory_space<semaphore_mem>>)
      %dma_wait3A = arith.constant 0 : i32
      %dma_wait3A_96 = tpu.memref_slice %arg15[%add3A_43, %dma_wait3A] : memref<10064x16xf32, #tpu.memory_space<vmem_shared>> -> memref<64x16xf32, #tpu.memory_space<vmem_shared>>
      %dma_wait3A_97 = arith.constant 0 : i32
      %dma_wait3A_98 = tpu.memref_slice %arg15[%add3A_43, %dma_wait3A_97] : memref<10064x16xf32, #tpu.memory_space<vmem_shared>> -> memref<64x16xf32, #tpu.memory_space<vmem_shared>>
      tpu.wait_dma2 semaphore(%run_scoped3A : memref<!tpu.dma_semaphore, #tpu.memory_space<semaphore_mem>>) src(%arg13 : memref<64x16xf32, #tpu.memory_space<vmem>>) dst(%dma_wait3A_98 : memref<64x16xf32, #tpu.memory_space<vmem_shared>>)
      tpu.yield
    }) : () -> ()
    %add3A_44 = arith.constant 256 : i32
    %add3A_45 = arith.addi %mul3A_7, %add3A_44 : i32
    "tpu.region"() ({
      %run_scoped3A = tpu.sem_alloc : memref<!tpu.dma_semaphore, #tpu.memory_space<semaphore_mem>>
      %dma_start3A_92 = arith.constant 0 : i32
      %dma_start3A_93 = tpu.memref_slice %arg15[%add3A_45, %dma_start3A_92] : memref<10064x16xf32, #tpu.memory_space<vmem_shared>> -> memref<64x16xf32, #tpu.memory_space<vmem_shared>>
      %dma_start3A_94 = arith.constant 0 : i32
      %dma_start3A_95 = tpu.memref_slice %arg15[%add3A_45, %dma_start3A_94] : memref<10064x16xf32, #tpu.memory_space<vmem_shared>> -> memref<64x16xf32, #tpu.memory_space<vmem_shared>>
      tpu.enqueue_dma source(%arg13 : memref<64x16xf32, #tpu.memory_space<vmem>>) target(%dma_start3A_95 : memref<64x16xf32, #tpu.memory_space<vmem_shared>>) target_semaphore(%run_scoped3A : memref<!tpu.dma_semaphore, #tpu.memory_space<semaphore_mem>>)
      %dma_wait3A = arith.constant 0 : i32
      %dma_wait3A_96 = tpu.memref_slice %arg15[%add3A_45, %dma_wait3A] : memref<10064x16xf32, #tpu.memory_space<vmem_shared>> -> memref<64x16xf32, #tpu.memory_space<vmem_shared>>
      %dma_wait3A_97 = arith.constant 0 : i32
      %dma_wait3A_98 = tpu.memref_slice %arg15[%add3A_45, %dma_wait3A_97] : memref<10064x16xf32, #tpu.memory_space<vmem_shared>> -> memref<64x16xf32, #tpu.memory_space<vmem_shared>>
      tpu.wait_dma2 semaphore(%run_scoped3A : memref<!tpu.dma_semaphore, #tpu.memory_space<semaphore_mem>>) src(%arg13 : memref<64x16xf32, #tpu.memory_space<vmem>>) dst(%dma_wait3A_98 : memref<64x16xf32, #tpu.memory_space<vmem_shared>>)
      tpu.yield
    }) : () -> ()
    %add3A_46 = arith.constant 320 : i32
    %add3A_47 = arith.addi %mul3A_7, %add3A_46 : i32
    "tpu.region"() ({
      %run_scoped3A = tpu.sem_alloc : memref<!tpu.dma_semaphore, #tpu.memory_space<semaphore_mem>>
      %dma_start3A_92 = arith.constant 0 : i32
      %dma_start3A_93 = tpu.memref_slice %arg15[%add3A_47, %dma_start3A_92] : memref<10064x16xf32, #tpu.memory_space<vmem_shared>> -> memref<64x16xf32, #tpu.memory_space<vmem_shared>>
      %dma_start3A_94 = arith.constant 0 : i32
      %dma_start3A_95 = tpu.memref_slice %arg15[%add3A_47, %dma_start3A_94] : memref<10064x16xf32, #tpu.memory_space<vmem_shared>> -> memref<64x16xf32, #tpu.memory_space<vmem_shared>>
      tpu.enqueue_dma source(%arg13 : memref<64x16xf32, #tpu.memory_space<vmem>>) target(%dma_start3A_95 : memref<64x16xf32, #tpu.memory_space<vmem_shared>>) target_semaphore(%run_scoped3A : memref<!tpu.dma_semaphore, #tpu.memory_space<semaphore_mem>>)
      %dma_wait3A = arith.constant 0 : i32
      %dma_wait3A_96 = tpu.memref_slice %arg15[%add3A_47, %dma_wait3A] : memref<10064x16xf32, #tpu.memory_space<vmem_shared>> -> memref<64x16xf32, #tpu.memory_space<vmem_shared>>
      %dma_wait3A_97 = arith.constant 0 : i32
      %dma_wait3A_98 = tpu.memref_slice %arg15[%add3A_47, %dma_wait3A_97] : memref<10064x16xf32, #tpu.memory_space<vmem_shared>> -> memref<64x16xf32, #tpu.memory_space<vmem_shared>>
      tpu.wait_dma2 semaphore(%run_scoped3A : memref<!tpu.dma_semaphore, #tpu.memory_space<semaphore_mem>>) src(%arg13 : memref<64x16xf32, #tpu.memory_space<vmem>>) dst(%dma_wait3A_98 : memref<64x16xf32, #tpu.memory_space<vmem_shared>>)
      tpu.yield
    }) : () -> ()
    %add3A_48 = arith.constant 384 : i32
    %add3A_49 = arith.addi %mul3A_7, %add3A_48 : i32
    "tpu.region"() ({
      %run_scoped3A = tpu.sem_alloc : memref<!tpu.dma_semaphore, #tpu.memory_space<semaphore_mem>>
      %dma_start3A_92 = arith.constant 0 : i32
      %dma_start3A_93 = tpu.memref_slice %arg15[%add3A_49, %dma_start3A_92] : memref<10064x16xf32, #tpu.memory_space<vmem_shared>> -> memref<64x16xf32, #tpu.memory_space<vmem_shared>>
      %dma_start3A_94 = arith.constant 0 : i32
      %dma_start3A_95 = tpu.memref_slice %arg15[%add3A_49, %dma_start3A_94] : memref<10064x16xf32, #tpu.memory_space<vmem_shared>> -> memref<64x16xf32, #tpu.memory_space<vmem_shared>>
      tpu.enqueue_dma source(%arg13 : memref<64x16xf32, #tpu.memory_space<vmem>>) target(%dma_start3A_95 : memref<64x16xf32, #tpu.memory_space<vmem_shared>>) target_semaphore(%run_scoped3A : memref<!tpu.dma_semaphore, #tpu.memory_space<semaphore_mem>>)
      %dma_wait3A = arith.constant 0 : i32
      %dma_wait3A_96 = tpu.memref_slice %arg15[%add3A_49, %dma_wait3A] : memref<10064x16xf32, #tpu.memory_space<vmem_shared>> -> memref<64x16xf32, #tpu.memory_space<vmem_shared>>
      %dma_wait3A_97 = arith.constant 0 : i32
      %dma_wait3A_98 = tpu.memref_slice %arg15[%add3A_49, %dma_wait3A_97] : memref<10064x16xf32, #tpu.memory_space<vmem_shared>> -> memref<64x16xf32, #tpu.memory_space<vmem_shared>>
      tpu.wait_dma2 semaphore(%run_scoped3A : memref<!tpu.dma_semaphore, #tpu.memory_space<semaphore_mem>>) src(%arg13 : memref<64x16xf32, #tpu.memory_space<vmem>>) dst(%dma_wait3A_98 : memref<64x16xf32, #tpu.memory_space<vmem_shared>>)
      tpu.yield
    }) : () -> ()
    %add3A_50 = arith.constant 448 : i32
    %add3A_51 = arith.addi %mul3A_7, %add3A_50 : i32
    "tpu.region"() ({
      %run_scoped3A = tpu.sem_alloc : memref<!tpu.dma_semaphore, #tpu.memory_space<semaphore_mem>>
      %dma_start3A_92 = arith.constant 0 : i32
      %dma_start3A_93 = tpu.memref_slice %arg15[%add3A_51, %dma_start3A_92] : memref<10064x16xf32, #tpu.memory_space<vmem_shared>> -> memref<64x16xf32, #tpu.memory_space<vmem_shared>>
      %dma_start3A_94 = arith.constant 0 : i32
      %dma_start3A_95 = tpu.memref_slice %arg15[%add3A_51, %dma_start3A_94] : memref<10064x16xf32, #tpu.memory_space<vmem_shared>> -> memref<64x16xf32, #tpu.memory_space<vmem_shared>>
      tpu.enqueue_dma source(%arg13 : memref<64x16xf32, #tpu.memory_space<vmem>>) target(%dma_start3A_95 : memref<64x16xf32, #tpu.memory_space<vmem_shared>>) target_semaphore(%run_scoped3A : memref<!tpu.dma_semaphore, #tpu.memory_space<semaphore_mem>>)
      %dma_wait3A = arith.constant 0 : i32
      %dma_wait3A_96 = tpu.memref_slice %arg15[%add3A_51, %dma_wait3A] : memref<10064x16xf32, #tpu.memory_space<vmem_shared>> -> memref<64x16xf32, #tpu.memory_space<vmem_shared>>
      %dma_wait3A_97 = arith.constant 0 : i32
      %dma_wait3A_98 = tpu.memref_slice %arg15[%add3A_51, %dma_wait3A_97] : memref<10064x16xf32, #tpu.memory_space<vmem_shared>> -> memref<64x16xf32, #tpu.memory_space<vmem_shared>>
      tpu.wait_dma2 semaphore(%run_scoped3A : memref<!tpu.dma_semaphore, #tpu.memory_space<semaphore_mem>>) src(%arg13 : memref<64x16xf32, #tpu.memory_space<vmem>>) dst(%dma_wait3A_98 : memref<64x16xf32, #tpu.memory_space<vmem_shared>>)
      tpu.yield
    }) : () -> ()
    %add3A_52 = arith.constant 512 : i32
    %add3A_53 = arith.addi %mul3A_7, %add3A_52 : i32
    "tpu.region"() ({
      %run_scoped3A = tpu.sem_alloc : memref<!tpu.dma_semaphore, #tpu.memory_space<semaphore_mem>>
      %dma_start3A_92 = arith.constant 0 : i32
      %dma_start3A_93 = tpu.memref_slice %arg15[%add3A_53, %dma_start3A_92] : memref<10064x16xf32, #tpu.memory_space<vmem_shared>> -> memref<64x16xf32, #tpu.memory_space<vmem_shared>>
      %dma_start3A_94 = arith.constant 0 : i32
      %dma_start3A_95 = tpu.memref_slice %arg15[%add3A_53, %dma_start3A_94] : memref<10064x16xf32, #tpu.memory_space<vmem_shared>> -> memref<64x16xf32, #tpu.memory_space<vmem_shared>>
      tpu.enqueue_dma source(%arg13 : memref<64x16xf32, #tpu.memory_space<vmem>>) target(%dma_start3A_95 : memref<64x16xf32, #tpu.memory_space<vmem_shared>>) target_semaphore(%run_scoped3A : memref<!tpu.dma_semaphore, #tpu.memory_space<semaphore_mem>>)
      %dma_wait3A = arith.constant 0 : i32
      %dma_wait3A_96 = tpu.memref_slice %arg15[%add3A_53, %dma_wait3A] : memref<10064x16xf32, #tpu.memory_space<vmem_shared>> -> memref<64x16xf32, #tpu.memory_space<vmem_shared>>
      %dma_wait3A_97 = arith.constant 0 : i32
      %dma_wait3A_98 = tpu.memref_slice %arg15[%add3A_53, %dma_wait3A_97] : memref<10064x16xf32, #tpu.memory_space<vmem_shared>> -> memref<64x16xf32, #tpu.memory_space<vmem_shared>>
      tpu.wait_dma2 semaphore(%run_scoped3A : memref<!tpu.dma_semaphore, #tpu.memory_space<semaphore_mem>>) src(%arg13 : memref<64x16xf32, #tpu.memory_space<vmem>>) dst(%dma_wait3A_98 : memref<64x16xf32, #tpu.memory_space<vmem_shared>>)
      tpu.yield
    }) : () -> ()
    %add3A_54 = arith.constant 576 : i32
    %add3A_55 = arith.addi %mul3A_7, %add3A_54 : i32
    "tpu.region"() ({
      %run_scoped3A = tpu.sem_alloc : memref<!tpu.dma_semaphore, #tpu.memory_space<semaphore_mem>>
      %dma_start3A_92 = arith.constant 0 : i32
      %dma_start3A_93 = arith.constant 0 : i32
      %dma_start3A_94 = tpu.memref_slice %arg13[%dma_start3A_92, %dma_start3A_93] : memref<64x16xf32, #tpu.memory_space<vmem>> -> memref<48x16xf32, #tpu.memory_space<vmem>>
      %dma_start3A_95 = arith.constant 0 : i32
      %dma_start3A_96 = tpu.memref_slice %arg15[%add3A_55, %dma_start3A_95] : memref<10064x16xf32, #tpu.memory_space<vmem_shared>> -> memref<48x16xf32, #tpu.memory_space<vmem_shared>>
      %dma_start3A_97 = arith.constant 0 : i32
      %dma_start3A_98 = tpu.memref_slice %arg15[%add3A_55, %dma_start3A_97] : memref<10064x16xf32, #tpu.memory_space<vmem_shared>> -> memref<48x16xf32, #tpu.memory_space<vmem_shared>>
      %dma_start3A_99 = arith.constant 0 : i32
      %dma_start3A_100 = arith.constant 0 : i32
      %dma_start3A_101 = tpu.memref_slice %arg13[%dma_start3A_99, %dma_start3A_100] : memref<64x16xf32, #tpu.memory_space<vmem>> -> memref<48x16xf32, #tpu.memory_space<vmem>>
      tpu.enqueue_dma source(%dma_start3A_101 : memref<48x16xf32, #tpu.memory_space<vmem>>) target(%dma_start3A_98 : memref<48x16xf32, #tpu.memory_space<vmem_shared>>) target_semaphore(%run_scoped3A : memref<!tpu.dma_semaphore, #tpu.memory_space<semaphore_mem>>)
      %dma_wait3A = arith.constant 0 : i32
      %dma_wait3A_102 = arith.constant 0 : i32
      %dma_wait3A_103 = tpu.memref_slice %arg13[%dma_wait3A, %dma_wait3A_102] : memref<64x16xf32, #tpu.memory_space<vmem>> -> memref<48x16xf32, #tpu.memory_space<vmem>>
      %dma_wait3A_104 = arith.constant 0 : i32
      %dma_wait3A_105 = tpu.memref_slice %arg15[%add3A_55, %dma_wait3A_104] : memref<10064x16xf32, #tpu.memory_space<vmem_shared>> -> memref<48x16xf32, #tpu.memory_space<vmem_shared>>
      %dma_wait3A_106 = arith.constant 0 : i32
      %dma_wait3A_107 = tpu.memref_slice %arg15[%add3A_55, %dma_wait3A_106] : memref<10064x16xf32, #tpu.memory_space<vmem_shared>> -> memref<48x16xf32, #tpu.memory_space<vmem_shared>>
      %dma_wait3A_108 = arith.constant 0 : i32
      %dma_wait3A_109 = arith.constant 0 : i32
      %dma_wait3A_110 = tpu.memref_slice %arg13[%dma_wait3A_108, %dma_wait3A_109] : memref<64x16xf32, #tpu.memory_space<vmem>> -> memref<48x16xf32, #tpu.memory_space<vmem>>
      tpu.wait_dma2 semaphore(%run_scoped3A : memref<!tpu.dma_semaphore, #tpu.memory_space<semaphore_mem>>) src(%dma_wait3A_110 : memref<48x16xf32, #tpu.memory_space<vmem>>) dst(%dma_wait3A_107 : memref<48x16xf32, #tpu.memory_space<vmem_shared>>)
      tpu.yield
    }) : () -> ()
    %eq3A_56 = arith.constant 15 : i32
    %eq3A_57 = arith.cmpi eq, %arg1, %eq3A_56 : i32
    %convert_element_type3A_58 = arith.extui %eq3A_57 : i1 to i32
    %cond3A_59 = arith.constant 0 : i32
    %cond3A_60 = arith.cmpi ne, %convert_element_type3A_58, %cond3A_59 : i32
    scf.if %cond3A_60 {
      "tpu.region"() ({
        %run_scoped3A = tpu.sem_alloc : memref<!tpu.dma_semaphore, #tpu.memory_space<semaphore_mem>>
        %dma_start3A_92 = arith.constant 0 : i32
        %dma_start3A_93 = arith.constant 0 : i32
        %dma_start3A_94 = tpu.memref_slice %arg13[%dma_start3A_92, %dma_start3A_93] : memref<64x16xf32, #tpu.memory_space<vmem>> -> memref<16x16xf32, #tpu.memory_space<vmem>>
        %dma_start3A_95 = arith.constant 9984 : i32
        %dma_start3A_96 = arith.constant 0 : i32
        %dma_start3A_97 = tpu.memref_slice %arg15[%dma_start3A_95, %dma_start3A_96] : memref<10064x16xf32, #tpu.memory_space<vmem_shared>> -> memref<16x16xf32, #tpu.memory_space<vmem_shared>>
        %dma_start3A_98 = arith.constant 9984 : i32
        %dma_start3A_99 = arith.constant 0 : i32
        %dma_start3A_100 = tpu.memref_slice %arg15[%dma_start3A_98, %dma_start3A_99] : memref<10064x16xf32, #tpu.memory_space<vmem_shared>> -> memref<16x16xf32, #tpu.memory_space<vmem_shared>>
        %dma_start3A_101 = arith.constant 0 : i32
        %dma_start3A_102 = arith.constant 0 : i32
        %dma_start3A_103 = tpu.memref_slice %arg13[%dma_start3A_101, %dma_start3A_102] : memref<64x16xf32, #tpu.memory_space<vmem>> -> memref<16x16xf32, #tpu.memory_space<vmem>>
        tpu.enqueue_dma source(%dma_start3A_103 : memref<16x16xf32, #tpu.memory_space<vmem>>) target(%dma_start3A_100 : memref<16x16xf32, #tpu.memory_space<vmem_shared>>) target_semaphore(%run_scoped3A : memref<!tpu.dma_semaphore, #tpu.memory_space<semaphore_mem>>)
        %dma_wait3A = arith.constant 0 : i32
        %dma_wait3A_104 = arith.constant 0 : i32
        %dma_wait3A_105 = tpu.memref_slice %arg13[%dma_wait3A, %dma_wait3A_104] : memref<64x16xf32, #tpu.memory_space<vmem>> -> memref<16x16xf32, #tpu.memory_space<vmem>>
        %dma_wait3A_106 = arith.constant 9984 : i32
        %dma_wait3A_107 = arith.constant 0 : i32
        %dma_wait3A_108 = tpu.memref_slice %arg15[%dma_wait3A_106, %dma_wait3A_107] : memref<10064x16xf32, #tpu.memory_space<vmem_shared>> -> memref<16x16xf32, #tpu.memory_space<vmem_shared>>
        %dma_wait3A_109 = arith.constant 9984 : i32
        %dma_wait3A_110 = arith.constant 0 : i32
        %dma_wait3A_111 = tpu.memref_slice %arg15[%dma_wait3A_109, %dma_wait3A_110] : memref<10064x16xf32, #tpu.memory_space<vmem_shared>> -> memref<16x16xf32, #tpu.memory_space<vmem_shared>>
        %dma_wait3A_112 = arith.constant 0 : i32
        %dma_wait3A_113 = arith.constant 0 : i32
        %dma_wait3A_114 = tpu.memref_slice %arg13[%dma_wait3A_112, %dma_wait3A_113] : memref<64x16xf32, #tpu.memory_space<vmem>> -> memref<16x16xf32, #tpu.memory_space<vmem>>
        tpu.wait_dma2 semaphore(%run_scoped3A : memref<!tpu.dma_semaphore, #tpu.memory_space<semaphore_mem>>) src(%dma_wait3A_114 : memref<16x16xf32, #tpu.memory_space<vmem>>) dst(%dma_wait3A_111 : memref<16x16xf32, #tpu.memory_space<vmem_shared>>)
        tpu.yield
      }) : () -> ()
    } else {
    }
    %scan3A_61 = arith.constant 0 : i32
    %scan3A_62 = arith.constant 0 : i32
    %scan3A_63 = arith.constant 64 : i32
    %scan3A_64 = arith.addi %scan3A_62, %scan3A_63 : i32
    %scan3A_65 = arith.constant 1 : i32
    scf.for %scan3A_92 = %scan3A_62 to %scan3A_64 step %scan3A_65  : i32 {
      %broadcast_in_dim3A = arith.constant 1.000000e+00 : f32
      %broadcast_in_dim3A_93 = vector.broadcast %broadcast_in_dim3A : f32 to vector<16xf32>
      %swap3A = arith.index_cast %scan3A_92 : i32 to index
      %swap3A_94 = arith.constant 0 : index
      %swap3A_95 = tpu.vector_load %arg13[%swap3A, %swap3A_94] {strides = array<i32>} : memref<64x16xf32, #tpu.memory_space<vmem>>, vector<1x16xf32>,
      %swap3A_96 = vector.shape_cast %swap3A_95 : vector<1x16xf32> to vector<16xf32>
      %swap3A_97 = vector.shape_cast %broadcast_in_dim3A_93 : vector<16xf32> to vector<1x16xf32>
      tpu.vector_store %arg13[%swap3A, %swap3A_94], %swap3A_97 {strides = array<i32>} : memref<64x16xf32, #tpu.memory_space<vmem>>, vector<1x16xf32>,
    }
    %scan3A_66 = arith.constant 64 : i32
    %barrier3A = arith.constant 0 : index
    tpu.barrier barrier_id(%barrier3A)
    %mul3A_67 = arith.constant 158 : i32
    %mul3A_68 = arith.muli %add3A, %mul3A_67 : i32
    "tpu.region"() ({
      %run_scoped3A = tpu.sem_alloc : memref<!tpu.dma_semaphore, #tpu.memory_space<semaphore_mem>>
      %dma_start3A_92 = arith.constant 0 : i32
      %dma_start3A_93 = tpu.memref_slice %arg3[%mul3A_68, %dma_start3A_92] : memref<5056x64xi32, #tpu.memory_space<hbm>> -> memref<158x64xi32, #tpu.memory_space<hbm>>
      %dma_start3A_94 = arith.constant 0 : i32
      %dma_start3A_95 = tpu.memref_slice %arg3[%mul3A_68, %dma_start3A_94] : memref<5056x64xi32, #tpu.memory_space<hbm>> -> memref<158x64xi32, #tpu.memory_space<hbm>>
      tpu.enqueue_dma source(%dma_start3A_95 : memref<158x64xi32, #tpu.memory_space<hbm>>) target(%arg9 : memref<158x64xi32, #tpu.memory_space<vmem>>) target_semaphore(%run_scoped3A : memref<!tpu.dma_semaphore, #tpu.memory_space<semaphore_mem>>)
      %dma_wait3A = arith.constant 0 : i32
      %dma_wait3A_96 = tpu.memref_slice %arg3[%mul3A_68, %dma_wait3A] : memref<5056x64xi32, #tpu.memory_space<hbm>> -> memref<158x64xi32, #tpu.memory_space<hbm>>
      %dma_wait3A_97 = arith.constant 0 : i32
      %dma_wait3A_98 = tpu.memref_slice %arg3[%mul3A_68, %dma_wait3A_97] : memref<5056x64xi32, #tpu.memory_space<hbm>> -> memref<158x64xi32, #tpu.memory_space<hbm>>
      tpu.wait_dma2 semaphore(%run_scoped3A : memref<!tpu.dma_semaphore, #tpu.memory_space<semaphore_mem>>) src(%dma_wait3A_98 : memref<158x64xi32, #tpu.memory_space<hbm>>) dst(%arg9 : memref<158x64xi32, #tpu.memory_space<vmem>>)
      tpu.yield
    }) : () -> ()
    "tpu.region"() ({
      %run_scoped3A = tpu.sem_alloc : memref<!tpu.dma_semaphore, #tpu.memory_space<semaphore_mem>>
      %dma_start3A_92 = arith.constant 0 : i32
      %dma_start3A_93 = tpu.memref_slice %arg4[%mul3A_68, %dma_start3A_92] : memref<5056x64xi32, #tpu.memory_space<hbm>> -> memref<158x64xi32, #tpu.memory_space<hbm>>
      %dma_start3A_94 = arith.constant 0 : i32
      %dma_start3A_95 = tpu.memref_slice %arg4[%mul3A_68, %dma_start3A_94] : memref<5056x64xi32, #tpu.memory_space<hbm>> -> memref<158x64xi32, #tpu.memory_space<hbm>>
      tpu.enqueue_dma source(%dma_start3A_95 : memref<158x64xi32, #tpu.memory_space<hbm>>) target(%arg10 : memref<158x64xi32, #tpu.memory_space<vmem>>) target_semaphore(%run_scoped3A : memref<!tpu.dma_semaphore, #tpu.memory_space<semaphore_mem>>)
      %dma_wait3A = arith.constant 0 : i32
      %dma_wait3A_96 = tpu.memref_slice %arg4[%mul3A_68, %dma_wait3A] : memref<5056x64xi32, #tpu.memory_space<hbm>> -> memref<158x64xi32, #tpu.memory_space<hbm>>
      %dma_wait3A_97 = arith.constant 0 : i32
      %dma_wait3A_98 = tpu.memref_slice %arg4[%mul3A_68, %dma_wait3A_97] : memref<5056x64xi32, #tpu.memory_space<hbm>> -> memref<158x64xi32, #tpu.memory_space<hbm>>
      tpu.wait_dma2 semaphore(%run_scoped3A : memref<!tpu.dma_semaphore, #tpu.memory_space<semaphore_mem>>) src(%dma_wait3A_98 : memref<158x64xi32, #tpu.memory_space<hbm>>) dst(%arg10 : memref<158x64xi32, #tpu.memory_space<vmem>>)
      tpu.yield
    }) : () -> ()
    %dma_start3A = arith.constant 0 : i32
    %dma_start3A_69 = arith.constant 0 : i32
    %dma_start3A_70 = tpu.memref_slice %arg9[%dma_start3A, %dma_start3A_69] : memref<158x64xi32, #tpu.memory_space<vmem>> -> memref<1x64xi32, #tpu.memory_space<vmem>>
    %dma_start3A_71 = tpu.memref_squeeze %dma_start3A_70 : memref<1x64xi32, #tpu.memory_space<vmem>> -> memref<64xi32, #tpu.memory_space<vmem>>
    %dma_start3A_72 = arith.constant 0 : i32
    %dma_start3A_73 = arith.constant 0 : i32
    %dma_start3A_74 = tpu.memref_slice %arg2[%dma_start3A_72, %dma_start3A_73] : memref<10000x128xf32, #tpu.memory_space<hbm>> -> memref<10000x128xf32, #tpu.memory_space<hbm>>
    tpu.enqueue_indirect_dma source(%dma_start3A_74 : memref<10000x128xf32, #tpu.memory_space<hbm>>) target(%arg11 : memref<64x128xf32, #tpu.memory_space<vmem>>) offsets(%dma_start3A_71 : memref<64xi32, #tpu.memory_space<vmem>>) semaphore(%arg16 : memref<!tpu.dma_semaphore, #tpu.memory_space<semaphore_mem>>)
    %scan3A_75 = arith.constant 0 : i32
    %scan3A_76 = arith.constant 0 : i32
    %scan3A_77 = arith.constant 79 : i32
    %scan3A_78 = arith.addi %scan3A_76, %scan3A_77 : i32
    %scan3A_79 = arith.constant 1 : i32
    scf.for %scan3A_92 = %scan3A_76 to %scan3A_78 step %scan3A_79  : i32 {
      %mul3A_93 = arith.constant 2 : i32
      %mul3A_94 = arith.muli %mul3A_93, %scan3A_92 : i32
      %add3A_95 = arith.constant 1 : i32
      %add3A_96 = arith.addi %mul3A_94, %add3A_95 : i32
      %dma_start3A_97 = arith.constant 0 : i32
      %dma_start3A_98 = tpu.memref_slice %arg9[%add3A_96, %dma_start3A_97] : memref<158x64xi32, #tpu.memory_space<vmem>> -> memref<1x64xi32, #tpu.memory_space<vmem>>
      %dma_start3A_99 = tpu.memref_squeeze %dma_start3A_98 : memref<1x64xi32, #tpu.memory_space<vmem>> -> memref<64xi32, #tpu.memory_space<vmem>>
      %dma_start3A_100 = arith.constant 0 : i32
      %dma_start3A_101 = arith.constant 0 : i32
      %dma_start3A_102 = tpu.memref_slice %arg2[%dma_start3A_100, %dma_start3A_101] : memref<10000x128xf32, #tpu.memory_space<hbm>> -> memref<10000x128xf32, #tpu.memory_space<hbm>>
      tpu.enqueue_indirect_dma source(%dma_start3A_102 : memref<10000x128xf32, #tpu.memory_space<hbm>>) target(%arg12 : memref<64x128xf32, #tpu.memory_space<vmem>>) offsets(%dma_start3A_99 : memref<64xi32, #tpu.memory_space<vmem>>) semaphore(%arg17 : memref<!tpu.dma_semaphore, #tpu.memory_space<semaphore_mem>>)
      %dma_wait3A = arith.constant 0 : i32
      %dma_wait3A_103 = tpu.memref_slice %arg9[%mul3A_94, %dma_wait3A] : memref<158x64xi32, #tpu.memory_space<vmem>> -> memref<1x64xi32, #tpu.memory_space<vmem>>
      %dma_wait3A_104 = tpu.memref_squeeze %dma_wait3A_103 : memref<1x64xi32, #tpu.memory_space<vmem>> -> memref<64xi32, #tpu.memory_space<vmem>>
      %dma_wait3A_105 = arith.constant 0 : i32
      %dma_wait3A_106 = arith.constant 0 : i32
      %dma_wait3A_107 = tpu.memref_slice %arg2[%dma_wait3A_105, %dma_wait3A_106] : memref<10000x128xf32, #tpu.memory_space<hbm>> -> memref<10000x128xf32, #tpu.memory_space<hbm>>
      tpu.wait_indirect_dma semaphore(%arg16 : memref<!tpu.dma_semaphore, #tpu.memory_space<semaphore_mem>>) src(%dma_wait3A_107 : memref<10000x128xf32, #tpu.memory_space<hbm>>) dst(%arg11 : memref<64x128xf32, #tpu.memory_space<vmem>>)
      "tpu.region"() ({
        %run_scoped3A = tpu.sem_alloc : memref<!tpu.dma_semaphore, #tpu.memory_space<semaphore_mem>>
        %dma_start3A_122 = arith.constant 0 : i32
        %dma_start3A_123 = tpu.memref_slice %arg10[%mul3A_94, %dma_start3A_122] : memref<158x64xi32, #tpu.memory_space<vmem>> -> memref<1x64xi32, #tpu.memory_space<vmem>>
        %dma_start3A_124 = tpu.memref_squeeze %dma_start3A_123 : memref<1x64xi32, #tpu.memory_space<vmem>> -> memref<64xi32, #tpu.memory_space<vmem>>
        %dma_start3A_125 = arith.constant 0 : i32
        %dma_start3A_126 = arith.constant 0 : i32
        %dma_start3A_127 = tpu.memref_slice %arg14[%dma_start3A_125, %dma_start3A_126] : memref<10064x128xf32, #tpu.memory_space<vmem_shared>> -> memref<10064x128xf32, #tpu.memory_space<vmem_shared>>
        tpu.enqueue_indirect_dma source(%arg11 : memref<64x128xf32, #tpu.memory_space<vmem>>) target(%dma_start3A_127 : memref<10064x128xf32, #tpu.memory_space<vmem_shared>>) offsets(%dma_start3A_124 : memref<64xi32, #tpu.memory_space<vmem>>) semaphore(%run_scoped3A : memref<!tpu.dma_semaphore, #tpu.memory_space<semaphore_mem>>) {add = true}
        %dma_wait3A_128 = arith.constant 0 : i32
        %dma_wait3A_129 = tpu.memref_slice %arg10[%mul3A_94, %dma_wait3A_128] : memref<158x64xi32, #tpu.memory_space<vmem>> -> memref<1x64xi32, #tpu.memory_space<vmem>>
        %dma_wait3A_130 = tpu.memref_squeeze %dma_wait3A_129 : memref<1x64xi32, #tpu.memory_space<vmem>> -> memref<64xi32, #tpu.memory_space<vmem>>
        %dma_wait3A_131 = arith.constant 0 : i32
        %dma_wait3A_132 = arith.constant 0 : i32
        %dma_wait3A_133 = tpu.memref_slice %arg14[%dma_wait3A_131, %dma_wait3A_132] : memref<10064x128xf32, #tpu.memory_space<vmem_shared>> -> memref<10064x128xf32, #tpu.memory_space<vmem_shared>>
        tpu.wait_indirect_dma semaphore(%run_scoped3A : memref<!tpu.dma_semaphore, #tpu.memory_space<semaphore_mem>>) src(%arg11 : memref<64x128xf32, #tpu.memory_space<vmem>>) dst(%dma_wait3A_133 : memref<10064x128xf32, #tpu.memory_space<vmem_shared>>)
        tpu.yield
      }) : () -> ()
      "tpu.region"() ({
        %run_scoped3A = tpu.sem_alloc : memref<!tpu.dma_semaphore, #tpu.memory_space<semaphore_mem>>
        %dma_start3A_122 = arith.constant 0 : i32
        %dma_start3A_123 = tpu.memref_slice %arg10[%mul3A_94, %dma_start3A_122] : memref<158x64xi32, #tpu.memory_space<vmem>> -> memref<1x64xi32, #tpu.memory_space<vmem>>
        %dma_start3A_124 = tpu.memref_squeeze %dma_start3A_123 : memref<1x64xi32, #tpu.memory_space<vmem>> -> memref<64xi32, #tpu.memory_space<vmem>>
        %dma_start3A_125 = arith.constant 0 : i32
        %dma_start3A_126 = arith.constant 0 : i32
        %dma_start3A_127 = tpu.memref_slice %arg15[%dma_start3A_125, %dma_start3A_126] : memref<10064x16xf32, #tpu.memory_space<vmem_shared>> -> memref<10064x16xf32, #tpu.memory_space<vmem_shared>>
        tpu.enqueue_indirect_dma source(%arg13 : memref<64x16xf32, #tpu.memory_space<vmem>>) target(%dma_start3A_127 : memref<10064x16xf32, #tpu.memory_space<vmem_shared>>) offsets(%dma_start3A_124 : memref<64xi32, #tpu.memory_space<vmem>>) semaphore(%run_scoped3A : memref<!tpu.dma_semaphore, #tpu.memory_space<semaphore_mem>>) {add = true}
        %dma_wait3A_128 = arith.constant 0 : i32
        %dma_wait3A_129 = tpu.memref_slice %arg10[%mul3A_94, %dma_wait3A_128] : memref<158x64xi32, #tpu.memory_space<vmem>> -> memref<1x64xi32, #tpu.memory_space<vmem>>
        %dma_wait3A_130 = tpu.memref_squeeze %dma_wait3A_129 : memref<1x64xi32, #tpu.memory_space<vmem>> -> memref<64xi32, #tpu.memory_space<vmem>>
        %dma_wait3A_131 = arith.constant 0 : i32
        %dma_wait3A_132 = arith.constant 0 : i32
        %dma_wait3A_133 = tpu.memref_slice %arg15[%dma_wait3A_131, %dma_wait3A_132] : memref<10064x16xf32, #tpu.memory_space<vmem_shared>> -> memref<10064x16xf32, #tpu.memory_space<vmem_shared>>
        tpu.wait_indirect_dma semaphore(%run_scoped3A : memref<!tpu.dma_semaphore, #tpu.memory_space<semaphore_mem>>) src(%arg13 : memref<64x16xf32, #tpu.memory_space<vmem>>) dst(%dma_wait3A_133 : memref<10064x16xf32, #tpu.memory_space<vmem_shared>>)
        tpu.yield
      }) : () -> ()
      %lt3A = arith.constant 78 : i32
      %lt3A_108 = arith.cmpi slt, %scan3A_92, %lt3A : i32
      %convert_element_type3A_109 = arith.extui %lt3A_108 : i1 to i32
      %cond3A_110 = arith.constant 0 : i32
      %cond3A_111 = arith.cmpi ne, %convert_element_type3A_109, %cond3A_110 : i32
      scf.if %cond3A_111 {
        %add3A_122 = arith.constant 2 : i32
        %add3A_123 = arith.addi %mul3A_94, %add3A_122 : i32
        %dma_start3A_124 = arith.constant 0 : i32
        %dma_start3A_125 = tpu.memref_slice %arg9[%add3A_123, %dma_start3A_124] : memref<158x64xi32, #tpu.memory_space<vmem>> -> memref<1x64xi32, #tpu.memory_space<vmem>>
        %dma_start3A_126 = tpu.memref_squeeze %dma_start3A_125 : memref<1x64xi32, #tpu.memory_space<vmem>> -> memref<64xi32, #tpu.memory_space<vmem>>
        %dma_start3A_127 = arith.constant 0 : i32
        %dma_start3A_128 = arith.constant 0 : i32
        %dma_start3A_129 = tpu.memref_slice %arg2[%dma_start3A_127, %dma_start3A_128] : memref<10000x128xf32, #tpu.memory_space<hbm>> -> memref<10000x128xf32, #tpu.memory_space<hbm>>
        tpu.enqueue_indirect_dma source(%dma_start3A_129 : memref<10000x128xf32, #tpu.memory_space<hbm>>) target(%arg11 : memref<64x128xf32, #tpu.memory_space<vmem>>) offsets(%dma_start3A_126 : memref<64xi32, #tpu.memory_space<vmem>>) semaphore(%arg16 : memref<!tpu.dma_semaphore, #tpu.memory_space<semaphore_mem>>)
      } else {
      }
      %dma_wait3A_112 = arith.constant 0 : i32
      %dma_wait3A_113 = tpu.memref_slice %arg9[%add3A_96, %dma_wait3A_112] : memref<158x64xi32, #tpu.memory_space<vmem>> -> memref<1x64xi32, #tpu.memory_space<vmem>>
      %dma_wait3A_114 = tpu.memref_squeeze %dma_wait3A_113 : memref<1x64xi32, #tpu.memory_space<vmem>> -> memref<64xi32, #tpu.memory_space<vmem>>
      %dma_wait3A_115 = arith.constant 0 : i32
      %dma_wait3A_116 = arith.constant 0 : i32
      %dma_wait3A_117 = tpu.memref_slice %arg2[%dma_wait3A_115, %dma_wait3A_116] : memref<10000x128xf32, #tpu.memory_space<hbm>> -> memref<10000x128xf32, #tpu.memory_space<hbm>>
      tpu.wait_indirect_dma semaphore(%arg17 : memref<!tpu.dma_semaphore, #tpu.memory_space<semaphore_mem>>) src(%dma_wait3A_117 : memref<10000x128xf32, #tpu.memory_space<hbm>>) dst(%arg12 : memref<64x128xf32, #tpu.memory_space<vmem>>)
      %add3A_118 = arith.constant 1 : i32
      %add3A_119 = arith.addi %mul3A_94, %add3A_118 : i32
      "tpu.region"() ({
        %run_scoped3A = tpu.sem_alloc : memref<!tpu.dma_semaphore, #tpu.memory_space<semaphore_mem>>
        %dma_start3A_122 = arith.constant 0 : i32
        %dma_start3A_123 = tpu.memref_slice %arg10[%add3A_119, %dma_start3A_122] : memref<158x64xi32, #tpu.memory_space<vmem>> -> memref<1x64xi32, #tpu.memory_space<vmem>>
        %dma_start3A_124 = tpu.memref_squeeze %dma_start3A_123 : memref<1x64xi32, #tpu.memory_space<vmem>> -> memref<64xi32, #tpu.memory_space<vmem>>
        %dma_start3A_125 = arith.constant 0 : i32
        %dma_start3A_126 = arith.constant 0 : i32
        %dma_start3A_127 = tpu.memref_slice %arg14[%dma_start3A_125, %dma_start3A_126] : memref<10064x128xf32, #tpu.memory_space<vmem_shared>> -> memref<10064x128xf32, #tpu.memory_space<vmem_shared>>
        tpu.enqueue_indirect_dma source(%arg12 : memref<64x128xf32, #tpu.memory_space<vmem>>) target(%dma_start3A_127 : memref<10064x128xf32, #tpu.memory_space<vmem_shared>>) offsets(%dma_start3A_124 : memref<64xi32, #tpu.memory_space<vmem>>) semaphore(%run_scoped3A : memref<!tpu.dma_semaphore, #tpu.memory_space<semaphore_mem>>) {add = true}
        %dma_wait3A_128 = arith.constant 0 : i32
        %dma_wait3A_129 = tpu.memref_slice %arg10[%add3A_119, %dma_wait3A_128] : memref<158x64xi32, #tpu.memory_space<vmem>> -> memref<1x64xi32, #tpu.memory_space<vmem>>
        %dma_wait3A_130 = tpu.memref_squeeze %dma_wait3A_129 : memref<1x64xi32, #tpu.memory_space<vmem>> -> memref<64xi32, #tpu.memory_space<vmem>>
        %dma_wait3A_131 = arith.constant 0 : i32
        %dma_wait3A_132 = arith.constant 0 : i32
        %dma_wait3A_133 = tpu.memref_slice %arg14[%dma_wait3A_131, %dma_wait3A_132] : memref<10064x128xf32, #tpu.memory_space<vmem_shared>> -> memref<10064x128xf32, #tpu.memory_space<vmem_shared>>
        tpu.wait_indirect_dma semaphore(%run_scoped3A : memref<!tpu.dma_semaphore, #tpu.memory_space<semaphore_mem>>) src(%arg12 : memref<64x128xf32, #tpu.memory_space<vmem>>) dst(%dma_wait3A_133 : memref<10064x128xf32, #tpu.memory_space<vmem_shared>>)
        tpu.yield
      }) : () -> ()
      %add3A_120 = arith.constant 1 : i32
      %add3A_121 = arith.addi %mul3A_94, %add3A_120 : i32
      "tpu.region"() ({
        %run_scoped3A = tpu.sem_alloc : memref<!tpu.dma_semaphore, #tpu.memory_space<semaphore_mem>>
        %dma_start3A_122 = arith.constant 0 : i32
        %dma_start3A_123 = tpu.memref_slice %arg10[%add3A_121, %dma_start3A_122] : memref<158x64xi32, #tpu.memory_space<vmem>> -> memref<1x64xi32, #tpu.memory_space<vmem>>
        %dma_start3A_124 = tpu.memref_squeeze %dma_start3A_123 : memref<1x64xi32, #tpu.memory_space<vmem>> -> memref<64xi32, #tpu.memory_space<vmem>>
        %dma_start3A_125 = arith.constant 0 : i32
        %dma_start3A_126 = arith.constant 0 : i32
        %dma_start3A_127 = tpu.memref_slice %arg15[%dma_start3A_125, %dma_start3A_126] : memref<10064x16xf32, #tpu.memory_space<vmem_shared>> -> memref<10064x16xf32, #tpu.memory_space<vmem_shared>>
        tpu.enqueue_indirect_dma source(%arg13 : memref<64x16xf32, #tpu.memory_space<vmem>>) target(%dma_start3A_127 : memref<10064x16xf32, #tpu.memory_space<vmem_shared>>) offsets(%dma_start3A_124 : memref<64xi32, #tpu.memory_space<vmem>>) semaphore(%run_scoped3A : memref<!tpu.dma_semaphore, #tpu.memory_space<semaphore_mem>>) {add = true}
        %dma_wait3A_128 = arith.constant 0 : i32
        %dma_wait3A_129 = tpu.memref_slice %arg10[%add3A_121, %dma_wait3A_128] : memref<158x64xi32, #tpu.memory_space<vmem>> -> memref<1x64xi32, #tpu.memory_space<vmem>>
        %dma_wait3A_130 = tpu.memref_squeeze %dma_wait3A_129 : memref<1x64xi32, #tpu.memory_space<vmem>> -> memref<64xi32, #tpu.memory_space<vmem>>
        %dma_wait3A_131 = arith.constant 0 : i32
        %dma_wait3A_132 = arith.constant 0 : i32
        %dma_wait3A_133 = tpu.memref_slice %arg15[%dma_wait3A_131, %dma_wait3A_132] : memref<10064x16xf32, #tpu.memory_space<vmem_shared>> -> memref<10064x16xf32, #tpu.memory_space<vmem_shared>>
        tpu.wait_indirect_dma semaphore(%run_scoped3A : memref<!tpu.dma_semaphore, #tpu.memory_space<semaphore_mem>>) src(%arg13 : memref<64x16xf32, #tpu.memory_space<vmem>>) dst(%dma_wait3A_133 : memref<10064x16xf32, #tpu.memory_space<vmem_shared>>)
        tpu.yield
      }) : () -> ()
    }
    %scan3A_80 = arith.constant 79 : i32
    %barrier3A_81 = arith.constant 0 : index
    tpu.barrier barrier_id(%barrier3A_81)
    %eq3A_82 = arith.constant 0 : i32
    %eq3A_83 = arith.cmpi eq, %arg0, %eq3A_82 : i32
    %convert_element_type3A_84 = arith.extui %eq3A_83 : i1 to i32
    %cond3A_85 = arith.constant 0 : i32
    %cond3A_86 = arith.cmpi ne, %convert_element_type3A_84, %cond3A_85 : i32
    scf.if %cond3A_86 {
      "tpu.region"() ({
        %run_scoped3A = tpu.sem_alloc : memref<!tpu.dma_semaphore, #tpu.memory_space<semaphore_mem>>
        %dma_start3A_97 = arith.constant 0 : i32
        %dma_start3A_98 = tpu.memref_slice %arg5[%mul3A_7, %dma_start3A_97] : memref<10000x128xf32, #tpu.memory_space<hbm>> -> memref<624x128xf32, #tpu.memory_space<hbm>>
        %dma_start3A_99 = arith.constant 0 : i32
        %dma_start3A_100 = tpu.memref_slice %arg14[%mul3A_7, %dma_start3A_99] : memref<10064x128xf32, #tpu.memory_space<vmem_shared>> -> memref<624x128xf32, #tpu.memory_space<vmem_shared>>
        tpu.enqueue_dma source(%dma_start3A_100 : memref<624x128xf32, #tpu.memory_space<vmem_shared>>) target(%dma_start3A_98 : memref<624x128xf32, #tpu.memory_space<hbm>>) target_semaphore(%run_scoped3A : memref<!tpu.dma_semaphore, #tpu.memory_space<semaphore_mem>>)
        %dma_wait3A = arith.constant 0 : i32
        %dma_wait3A_101 = tpu.memref_slice %arg5[%mul3A_7, %dma_wait3A] : memref<10000x128xf32, #tpu.memory_space<hbm>> -> memref<624x128xf32, #tpu.memory_space<hbm>>
        %dma_wait3A_102 = arith.constant 0 : i32
        %dma_wait3A_103 = tpu.memref_slice %arg14[%mul3A_7, %dma_wait3A_102] : memref<10064x128xf32, #tpu.memory_space<vmem_shared>> -> memref<624x128xf32, #tpu.memory_space<vmem_shared>>
        tpu.wait_dma2 semaphore(%run_scoped3A : memref<!tpu.dma_semaphore, #tpu.memory_space<semaphore_mem>>) src(%dma_wait3A_103 : memref<624x128xf32, #tpu.memory_space<vmem_shared>>) dst(%dma_wait3A_101 : memref<624x128xf32, #tpu.memory_space<hbm>>)
        tpu.yield
      }) : () -> ()
      "tpu.region"() ({
        %run_scoped3A = tpu.sem_alloc : memref<!tpu.dma_semaphore, #tpu.memory_space<semaphore_mem>>
        %dma_start3A_97 = arith.constant 0 : i32
        %dma_start3A_98 = tpu.memref_slice %arg7[%mul3A_7, %dma_start3A_97] : memref<10000x16xf32, #tpu.memory_space<hbm>> -> memref<624x16xf32, #tpu.memory_space<hbm>>
        %dma_start3A_99 = arith.constant 0 : i32
        %dma_start3A_100 = tpu.memref_slice %arg15[%mul3A_7, %dma_start3A_99] : memref<10064x16xf32, #tpu.memory_space<vmem_shared>> -> memref<624x16xf32, #tpu.memory_space<vmem_shared>>
        tpu.enqueue_dma source(%dma_start3A_100 : memref<624x16xf32, #tpu.memory_space<vmem_shared>>) target(%dma_start3A_98 : memref<624x16xf32, #tpu.memory_space<hbm>>) target_semaphore(%run_scoped3A : memref<!tpu.dma_semaphore, #tpu.memory_space<semaphore_mem>>)
        %dma_wait3A = arith.constant 0 : i32
        %dma_wait3A_101 = tpu.memref_slice %arg7[%mul3A_7, %dma_wait3A] : memref<10000x16xf32, #tpu.memory_space<hbm>> -> memref<624x16xf32, #tpu.memory_space<hbm>>
        %dma_wait3A_102 = arith.constant 0 : i32
        %dma_wait3A_103 = tpu.memref_slice %arg15[%mul3A_7, %dma_wait3A_102] : memref<10064x16xf32, #tpu.memory_space<vmem_shared>> -> memref<624x16xf32, #tpu.memory_space<vmem_shared>>
        tpu.wait_dma2 semaphore(%run_scoped3A : memref<!tpu.dma_semaphore, #tpu.memory_space<semaphore_mem>>) src(%dma_wait3A_103 : memref<624x16xf32, #tpu.memory_space<vmem_shared>>) dst(%dma_wait3A_101 : memref<624x16xf32, #tpu.memory_space<hbm>>)
        tpu.yield
      }) : () -> ()
      %eq3A_92 = arith.constant 15 : i32
      %eq3A_93 = arith.cmpi eq, %arg1, %eq3A_92 : i32
      %convert_element_type3A_94 = arith.extui %eq3A_93 : i1 to i32
      %cond3A_95 = arith.constant 0 : i32
      %cond3A_96 = arith.cmpi ne, %convert_element_type3A_94, %cond3A_95 : i32
      scf.if %cond3A_96 {
        "tpu.region"() ({
          %run_scoped3A = tpu.sem_alloc : memref<!tpu.dma_semaphore, #tpu.memory_space<semaphore_mem>>
          %dma_start3A_97 = arith.constant 9984 : i32
          %dma_start3A_98 = arith.constant 0 : i32
          %dma_start3A_99 = tpu.memref_slice %arg5[%dma_start3A_97, %dma_start3A_98] : memref<10000x128xf32, #tpu.memory_space<hbm>> -> memref<16x128xf32, #tpu.memory_space<hbm>>
          %dma_start3A_100 = arith.constant 9984 : i32
          %dma_start3A_101 = arith.constant 0 : i32
          %dma_start3A_102 = tpu.memref_slice %arg14[%dma_start3A_100, %dma_start3A_101] : memref<10064x128xf32, #tpu.memory_space<vmem_shared>> -> memref<16x128xf32, #tpu.memory_space<vmem_shared>>
          tpu.enqueue_dma source(%dma_start3A_102 : memref<16x128xf32, #tpu.memory_space<vmem_shared>>) target(%dma_start3A_99 : memref<16x128xf32, #tpu.memory_space<hbm>>) target_semaphore(%run_scoped3A : memref<!tpu.dma_semaphore, #tpu.memory_space<semaphore_mem>>)
          %dma_wait3A = arith.constant 9984 : i32
          %dma_wait3A_103 = arith.constant 0 : i32
          %dma_wait3A_104 = tpu.memref_slice %arg5[%dma_wait3A, %dma_wait3A_103] : memref<10000x128xf32, #tpu.memory_space<hbm>> -> memref<16x128xf32, #tpu.memory_space<hbm>>
          %dma_wait3A_105 = arith.constant 9984 : i32
          %dma_wait3A_106 = arith.constant 0 : i32
          %dma_wait3A_107 = tpu.memref_slice %arg14[%dma_wait3A_105, %dma_wait3A_106] : memref<10064x128xf32, #tpu.memory_space<vmem_shared>> -> memref<16x128xf32, #tpu.memory_space<vmem_shared>>
          tpu.wait_dma2 semaphore(%run_scoped3A : memref<!tpu.dma_semaphore, #tpu.memory_space<semaphore_mem>>) src(%dma_wait3A_107 : memref<16x128xf32, #tpu.memory_space<vmem_shared>>) dst(%dma_wait3A_104 : memref<16x128xf32, #tpu.memory_space<hbm>>)
          tpu.yield
        }) : () -> ()
        "tpu.region"() ({
          %run_scoped3A = tpu.sem_alloc : memref<!tpu.dma_semaphore, #tpu.memory_space<semaphore_mem>>
          %dma_start3A_97 = arith.constant 9984 : i32
          %dma_start3A_98 = arith.constant 0 : i32
          %dma_start3A_99 = tpu.memref_slice %arg7[%dma_start3A_97, %dma_start3A_98] : memref<10000x16xf32, #tpu.memory_space<hbm>> -> memref<16x16xf32, #tpu.memory_space<hbm>>
          %dma_start3A_100 = arith.constant 9984 : i32
          %dma_start3A_101 = arith.constant 0 : i32
          %dma_start3A_102 = tpu.memref_slice %arg15[%dma_start3A_100, %dma_start3A_101] : memref<10064x16xf32, #tpu.memory_space<vmem_shared>> -> memref<16x16xf32, #tpu.memory_space<vmem_shared>>
          tpu.enqueue_dma source(%dma_start3A_102 : memref<16x16xf32, #tpu.memory_space<vmem_shared>>) target(%dma_start3A_99 : memref<16x16xf32, #tpu.memory_space<hbm>>) target_semaphore(%run_scoped3A : memref<!tpu.dma_semaphore, #tpu.memory_space<semaphore_mem>>)
          %dma_wait3A = arith.constant 9984 : i32
          %dma_wait3A_103 = arith.constant 0 : i32
          %dma_wait3A_104 = tpu.memref_slice %arg7[%dma_wait3A, %dma_wait3A_103] : memref<10000x16xf32, #tpu.memory_space<hbm>> -> memref<16x16xf32, #tpu.memory_space<hbm>>
          %dma_wait3A_105 = arith.constant 9984 : i32
          %dma_wait3A_106 = arith.constant 0 : i32
          %dma_wait3A_107 = tpu.memref_slice %arg15[%dma_wait3A_105, %dma_wait3A_106] : memref<10064x16xf32, #tpu.memory_space<vmem_shared>> -> memref<16x16xf32, #tpu.memory_space<vmem_shared>>
          tpu.wait_dma2 semaphore(%run_scoped3A : memref<!tpu.dma_semaphore, #tpu.memory_space<semaphore_mem>>) src(%dma_wait3A_107 : memref<16x16xf32, #tpu.memory_space<vmem_shared>>) dst(%dma_wait3A_104 : memref<16x16xf32, #tpu.memory_space<hbm>>)
          tpu.yield
        }) : () -> ()
      } else {
      }
    } else {
    }
    %eq3A_87 = arith.constant 1 : i32
    %eq3A_88 = arith.cmpi eq, %arg0, %eq3A_87 : i32
    %convert_element_type3A_89 = arith.extui %eq3A_88 : i1 to i32
    %cond3A_90 = arith.constant 0 : i32
    %cond3A_91 = arith.cmpi ne, %convert_element_type3A_89, %cond3A_90 : i32
    scf.if %cond3A_91 {
      "tpu.region"() ({
        %run_scoped3A = tpu.sem_alloc : memref<!tpu.dma_semaphore, #tpu.memory_space<semaphore_mem>>
        %dma_start3A_97 = arith.constant 0 : i32
        %dma_start3A_98 = tpu.memref_slice %arg6[%mul3A_7, %dma_start3A_97] : memref<10000x128xf32, #tpu.memory_space<hbm>> -> memref<624x128xf32, #tpu.memory_space<hbm>>
        %dma_start3A_99 = arith.constant 0 : i32
        %dma_start3A_100 = tpu.memref_slice %arg14[%mul3A_7, %dma_start3A_99] : memref<10064x128xf32, #tpu.memory_space<vmem_shared>> -> memref<624x128xf32, #tpu.memory_space<vmem_shared>>
        tpu.enqueue_dma source(%dma_start3A_100 : memref<624x128xf32, #tpu.memory_space<vmem_shared>>) target(%dma_start3A_98 : memref<624x128xf32, #tpu.memory_space<hbm>>) target_semaphore(%run_scoped3A : memref<!tpu.dma_semaphore, #tpu.memory_space<semaphore_mem>>)
        %dma_wait3A = arith.constant 0 : i32
        %dma_wait3A_101 = tpu.memref_slice %arg6[%mul3A_7, %dma_wait3A] : memref<10000x128xf32, #tpu.memory_space<hbm>> -> memref<624x128xf32, #tpu.memory_space<hbm>>
        %dma_wait3A_102 = arith.constant 0 : i32
        %dma_wait3A_103 = tpu.memref_slice %arg14[%mul3A_7, %dma_wait3A_102] : memref<10064x128xf32, #tpu.memory_space<vmem_shared>> -> memref<624x128xf32, #tpu.memory_space<vmem_shared>>
        tpu.wait_dma2 semaphore(%run_scoped3A : memref<!tpu.dma_semaphore, #tpu.memory_space<semaphore_mem>>) src(%dma_wait3A_103 : memref<624x128xf32, #tpu.memory_space<vmem_shared>>) dst(%dma_wait3A_101 : memref<624x128xf32, #tpu.memory_space<hbm>>)
        tpu.yield
      }) : () -> ()
      "tpu.region"() ({
        %run_scoped3A = tpu.sem_alloc : memref<!tpu.dma_semaphore, #tpu.memory_space<semaphore_mem>>
        %dma_start3A_97 = arith.constant 0 : i32
        %dma_start3A_98 = tpu.memref_slice %arg8[%mul3A_7, %dma_start3A_97] : memref<10000x16xf32, #tpu.memory_space<hbm>> -> memref<624x16xf32, #tpu.memory_space<hbm>>
        %dma_start3A_99 = arith.constant 0 : i32
        %dma_start3A_100 = tpu.memref_slice %arg15[%mul3A_7, %dma_start3A_99] : memref<10064x16xf32, #tpu.memory_space<vmem_shared>> -> memref<624x16xf32, #tpu.memory_space<vmem_shared>>
        tpu.enqueue_dma source(%dma_start3A_100 : memref<624x16xf32, #tpu.memory_space<vmem_shared>>) target(%dma_start3A_98 : memref<624x16xf32, #tpu.memory_space<hbm>>) target_semaphore(%run_scoped3A : memref<!tpu.dma_semaphore, #tpu.memory_space<semaphore_mem>>)
        %dma_wait3A = arith.constant 0 : i32
        %dma_wait3A_101 = tpu.memref_slice %arg8[%mul3A_7, %dma_wait3A] : memref<10000x16xf32, #tpu.memory_space<hbm>> -> memref<624x16xf32, #tpu.memory_space<hbm>>
        %dma_wait3A_102 = arith.constant 0 : i32
        %dma_wait3A_103 = tpu.memref_slice %arg15[%mul3A_7, %dma_wait3A_102] : memref<10064x16xf32, #tpu.memory_space<vmem_shared>> -> memref<624x16xf32, #tpu.memory_space<vmem_shared>>
        tpu.wait_dma2 semaphore(%run_scoped3A : memref<!tpu.dma_semaphore, #tpu.memory_space<semaphore_mem>>) src(%dma_wait3A_103 : memref<624x16xf32, #tpu.memory_space<vmem_shared>>) dst(%dma_wait3A_101 : memref<624x16xf32, #tpu.memory_space<hbm>>)
        tpu.yield
      }) : () -> ()
      %eq3A_92 = arith.constant 15 : i32
      %eq3A_93 = arith.cmpi eq, %arg1, %eq3A_92 : i32
      %convert_element_type3A_94 = arith.extui %eq3A_93 : i1 to i32
      %cond3A_95 = arith.constant 0 : i32
      %cond3A_96 = arith.cmpi ne, %convert_element_type3A_94, %cond3A_95 : i32
      scf.if %cond3A_96 {
        "tpu.region"() ({
          %run_scoped3A = tpu.sem_alloc : memref<!tpu.dma_semaphore, #tpu.memory_space<semaphore_mem>>
          %dma_start3A_97 = arith.constant 9984 : i32
          %dma_start3A_98 = arith.constant 0 : i32
          %dma_start3A_99 = tpu.memref_slice %arg6[%dma_start3A_97, %dma_start3A_98] : memref<10000x128xf32, #tpu.memory_space<hbm>> -> memref<16x128xf32, #tpu.memory_space<hbm>>
          %dma_start3A_100 = arith.constant 9984 : i32
          %dma_start3A_101 = arith.constant 0 : i32
          %dma_start3A_102 = tpu.memref_slice %arg14[%dma_start3A_100, %dma_start3A_101] : memref<10064x128xf32, #tpu.memory_space<vmem_shared>> -> memref<16x128xf32, #tpu.memory_space<vmem_shared>>
          tpu.enqueue_dma source(%dma_start3A_102 : memref<16x128xf32, #tpu.memory_space<vmem_shared>>) target(%dma_start3A_99 : memref<16x128xf32, #tpu.memory_space<hbm>>) target_semaphore(%run_scoped3A : memref<!tpu.dma_semaphore, #tpu.memory_space<semaphore_mem>>)
          %dma_wait3A = arith.constant 9984 : i32
          %dma_wait3A_103 = arith.constant 0 : i32
          %dma_wait3A_104 = tpu.memref_slice %arg6[%dma_wait3A, %dma_wait3A_103] : memref<10000x128xf32, #tpu.memory_space<hbm>> -> memref<16x128xf32, #tpu.memory_space<hbm>>
          %dma_wait3A_105 = arith.constant 9984 : i32
          %dma_wait3A_106 = arith.constant 0 : i32
          %dma_wait3A_107 = tpu.memref_slice %arg14[%dma_wait3A_105, %dma_wait3A_106] : memref<10064x128xf32, #tpu.memory_space<vmem_shared>> -> memref<16x128xf32, #tpu.memory_space<vmem_shared>>
          tpu.wait_dma2 semaphore(%run_scoped3A : memref<!tpu.dma_semaphore, #tpu.memory_space<semaphore_mem>>) src(%dma_wait3A_107 : memref<16x128xf32, #tpu.memory_space<vmem_shared>>) dst(%dma_wait3A_104 : memref<16x128xf32, #tpu.memory_space<hbm>>)
          tpu.yield
        }) : () -> ()
        "tpu.region"() ({
          %run_scoped3A = tpu.sem_alloc : memref<!tpu.dma_semaphore, #tpu.memory_space<semaphore_mem>>
          %dma_start3A_97 = arith.constant 9984 : i32
          %dma_start3A_98 = arith.constant 0 : i32
          %dma_start3A_99 = tpu.memref_slice %arg8[%dma_start3A_97, %dma_start3A_98] : memref<10000x16xf32, #tpu.memory_space<hbm>> -> memref<16x16xf32, #tpu.memory_space<hbm>>
          %dma_start3A_100 = arith.constant 9984 : i32
          %dma_start3A_101 = arith.constant 0 : i32
          %dma_start3A_102 = tpu.memref_slice %arg15[%dma_start3A_100, %dma_start3A_101] : memref<10064x16xf32, #tpu.memory_space<vmem_shared>> -> memref<16x16xf32, #tpu.memory_space<vmem_shared>>
          tpu.enqueue_dma source(%dma_start3A_102 : memref<16x16xf32, #tpu.memory_space<vmem_shared>>) target(%dma_start3A_99 : memref<16x16xf32, #tpu.memory_space<hbm>>) target_semaphore(%run_scoped3A : memref<!tpu.dma_semaphore, #tpu.memory_space<semaphore_mem>>)
          %dma_wait3A = arith.constant 9984 : i32
          %dma_wait3A_103 = arith.constant 0 : i32
          %dma_wait3A_104 = tpu.memref_slice %arg8[%dma_wait3A, %dma_wait3A_103] : memref<10000x16xf32, #tpu.memory_space<hbm>> -> memref<16x16xf32, #tpu.memory_space<hbm>>
          %dma_wait3A_105 = arith.constant 9984 : i32
          %dma_wait3A_106 = arith.constant 0 : i32
          %dma_wait3A_107 = tpu.memref_slice %arg15[%dma_wait3A_105, %dma_wait3A_106] : memref<10064x16xf32, #tpu.memory_space<vmem_shared>> -> memref<16x16xf32, #tpu.memory_space<vmem_shared>>
          tpu.wait_dma2 semaphore(%run_scoped3A : memref<!tpu.dma_semaphore, #tpu.memory_space<semaphore_mem>>) src(%dma_wait3A_107 : memref<16x16xf32, #tpu.memory_space<vmem_shared>>) dst(%dma_wait3A_104 : memref<16x16xf32, #tpu.memory_space<hbm>>)
          tpu.yield
        }) : () -> ()
      } else {
      }
    } else {
    }
    return
  }
}

#map = affine_map<(d0, d1) -> (0, 0)>
module attributes {stable_mosaic.version = 14 : i64} {
  func.func @body(%arg0: i32, %arg1: i32, %arg2: memref<10000x128xf32, #tpu.memory_space<hbm>>, %arg3: memref<5056x64xi32, #tpu.memory_space<hbm>>, %arg4: memref<5056x64xi32, #tpu.memory_space<hbm>>, %arg5: memref<10000x128xf32, #tpu.memory_space<hbm>>, %arg6: memref<10000x128xf32, #tpu.memory_space<hbm>>, %arg7: memref<158x64xi32, #tpu.memory_space<vmem>>, %arg8: memref<158x64xi32, #tpu.memory_space<vmem>>, %arg9: memref<64x128xf32, #tpu.memory_space<vmem>>, %arg10: memref<64x128xf32, #tpu.memory_space<vmem>>, %arg11: memref<10064x128xf32, #tpu.memory_space<vmem_shared>>, %arg12: memref<!tpu.dma_semaphore, #tpu.memory_space<semaphore_mem>>, %arg13: memref<!tpu.dma_semaphore, #tpu.memory_space<semaphore_mem>>) attributes {dimension_semantics = [#tpu.dimension_semantics<core_parallel>, #tpu.dimension_semantics<subcore_parallel>], iteration_bounds = array<i64: 2, 16>, scalar_prefetch = 0 : i64, scratch_operands = 7 : i64, tpu.core_type = #tpu.core_type<sc_vector_subcore>, window_params = [{transform_indices = #map}, {transform_indices = #map}, {transform_indices = #map}, {transform_indices = #map}, {transform_indices = #map}]} {
    %mul3A = arith.constant 16 : i32
    %mul3A_0 = arith.muli %arg0, %mul3A : i32
    %add3A = arith.addi %mul3A_0, %arg1 : i32
    %scan3A = arith.constant 0 : i32
    %scan3A_1 = arith.constant 0 : i32
    %scan3A_2 = arith.constant 512 : i32
    %scan3A_3 = arith.addi %scan3A_1, %scan3A_2 : i32
    %scan3A_4 = arith.constant 1 : i32
    scf.for %scan3A_55 = %scan3A_1 to %scan3A_3 step %scan3A_4  : i32 {
      %jit3A = arith.constant 8 : i32
      %div3A = arith.divsi %scan3A_55, %jit3A : i32
      %sign3A = arith.constant 0 : i32
      %sign3A_56 = arith.cmpi sgt, %scan3A_55, %sign3A : i32
      %sign3A_57 = arith.extui %sign3A_56 : i1 to i32
      %sign3A_58 = arith.constant 0 : i32
      %sign3A_59 = arith.cmpi slt, %scan3A_55, %sign3A_58 : i32
      %sign3A_60 = arith.extui %sign3A_59 : i1 to i32
      %sign3A_61 = arith.subi %sign3A_57, %sign3A_60 : i32
      %sign3A_62 = arith.constant 0 : i32
      %sign3A_63 = arith.cmpi sgt, %jit3A, %sign3A_62 : i32
      %sign3A_64 = arith.extui %sign3A_63 : i1 to i32
      %sign3A_65 = arith.constant 0 : i32
      %sign3A_66 = arith.cmpi slt, %jit3A, %sign3A_65 : i32
      %sign3A_67 = arith.extui %sign3A_66 : i1 to i32
      %sign3A_68 = arith.subi %sign3A_64, %sign3A_67 : i32
      %ne3A = arith.cmpi ne, %sign3A_61, %sign3A_68 : i32
      %rem3A = arith.remsi %scan3A_55, %jit3A : i32
      %ne3A_69 = arith.constant 0 : i32
      %ne3A_70 = arith.cmpi ne, %rem3A, %ne3A_69 : i32
      %and3A = arith.andi %ne3A, %ne3A_70 : i1
      %sub3A = arith.constant 1 : i32
      %sub3A_71 = arith.subi %div3A, %sub3A : i32
      %select_n3A = arith.select %and3A, %sub3A_71, %div3A : i32
      %jit3A_72 = arith.constant 8 : i32
      %eq3A_73 = arith.constant 0 : i32
      %eq3A_74 = arith.cmpi eq, %jit3A_72, %eq3A_73 : i32
      %jit3A_75 = arith.constant 1 : i32
      %select_n3A_76 = arith.select %eq3A_74, %jit3A_75, %jit3A_72 : i32
      %rem3A_77 = arith.remsi %scan3A_55, %select_n3A_76 : i32
      %ne3A_78 = arith.constant 0 : i32
      %ne3A_79 = arith.cmpi ne, %rem3A_77, %ne3A_78 : i32
      %lt3A = arith.constant 0 : i32
      %lt3A_80 = arith.cmpi slt, %rem3A_77, %lt3A : i32
      %lt3A_81 = arith.constant 0 : i32
      %lt3A_82 = arith.cmpi slt, %select_n3A_76, %lt3A_81 : i32
      %ne3A_83 = arith.xori %lt3A_80, %lt3A_82 : i1
      %and3A_84 = arith.andi %ne3A_83, %ne3A_79 : i1
      %add3A_85 = arith.addi %rem3A_77, %select_n3A_76 : i32
      %select_n3A_86 = arith.select %and3A_84, %add3A_85, %rem3A_77 : i32
      %mul3A_87 = arith.constant 16 : i32
      %mul3A_88 = arith.muli %select_n3A_86, %mul3A_87 : i32
      %broadcast_in_dim3A = arith.constant 0.000000e+00 : f32
      %broadcast_in_dim3A_89 = vector.broadcast %broadcast_in_dim3A : f32 to vector<16xf32>
      %swap3A = arith.index_cast %select_n3A : i32 to index
      %swap3A_90 = arith.index_cast %mul3A_88 : i32 to index
      %swap3A_91 = tpu.vector_load %arg9[%swap3A, %swap3A_90] {strides = array<i32>} : memref<64x128xf32, #tpu.memory_space<vmem>>, vector<1x16xf32>,
      %swap3A_92 = vector.shape_cast %swap3A_91 : vector<1x16xf32> to vector<16xf32>
      %swap3A_93 = vector.shape_cast %broadcast_in_dim3A_89 : vector<16xf32> to vector<1x16xf32>
      tpu.vector_store %arg9[%swap3A, %swap3A_90], %swap3A_93 {strides = array<i32>} : memref<64x128xf32, #tpu.memory_space<vmem>>, vector<1x16xf32>,
    }
    %scan3A_5 = arith.constant 512 : i32
    %mul3A_6 = arith.constant 624 : i32
    %mul3A_7 = arith.muli %arg1, %mul3A_6 : i32
    %add3A_8 = arith.constant 0 : i32
    %add3A_9 = arith.addi %mul3A_7, %add3A_8 : i32
    "tpu.region"() ({
      %run_scoped3A = tpu.sem_alloc : memref<!tpu.dma_semaphore, #tpu.memory_space<semaphore_mem>>
      %dma_start3A_55 = arith.constant 0 : i32
      %dma_start3A_56 = tpu.memref_slice %arg11[%add3A_9, %dma_start3A_55] : memref<10064x128xf32, #tpu.memory_space<vmem_shared>> -> memref<64x128xf32, #tpu.memory_space<vmem_shared>>
      %dma_start3A_57 = arith.constant 0 : i32
      %dma_start3A_58 = tpu.memref_slice %arg11[%add3A_9, %dma_start3A_57] : memref<10064x128xf32, #tpu.memory_space<vmem_shared>> -> memref<64x128xf32, #tpu.memory_space<vmem_shared>>
      tpu.enqueue_dma source(%arg9 : memref<64x128xf32, #tpu.memory_space<vmem>>) target(%dma_start3A_58 : memref<64x128xf32, #tpu.memory_space<vmem_shared>>) target_semaphore(%run_scoped3A : memref<!tpu.dma_semaphore, #tpu.memory_space<semaphore_mem>>)
      %dma_wait3A = arith.constant 0 : i32
      %dma_wait3A_59 = tpu.memref_slice %arg11[%add3A_9, %dma_wait3A] : memref<10064x128xf32, #tpu.memory_space<vmem_shared>> -> memref<64x128xf32, #tpu.memory_space<vmem_shared>>
      %dma_wait3A_60 = arith.constant 0 : i32
      %dma_wait3A_61 = tpu.memref_slice %arg11[%add3A_9, %dma_wait3A_60] : memref<10064x128xf32, #tpu.memory_space<vmem_shared>> -> memref<64x128xf32, #tpu.memory_space<vmem_shared>>
      tpu.wait_dma2 semaphore(%run_scoped3A : memref<!tpu.dma_semaphore, #tpu.memory_space<semaphore_mem>>) src(%arg9 : memref<64x128xf32, #tpu.memory_space<vmem>>) dst(%dma_wait3A_61 : memref<64x128xf32, #tpu.memory_space<vmem_shared>>)
      tpu.yield
    }) : () -> ()
    %add3A_10 = arith.constant 64 : i32
    %add3A_11 = arith.addi %mul3A_7, %add3A_10 : i32
    "tpu.region"() ({
      %run_scoped3A = tpu.sem_alloc : memref<!tpu.dma_semaphore, #tpu.memory_space<semaphore_mem>>
      %dma_start3A_55 = arith.constant 0 : i32
      %dma_start3A_56 = tpu.memref_slice %arg11[%add3A_11, %dma_start3A_55] : memref<10064x128xf32, #tpu.memory_space<vmem_shared>> -> memref<64x128xf32, #tpu.memory_space<vmem_shared>>
      %dma_start3A_57 = arith.constant 0 : i32
      %dma_start3A_58 = tpu.memref_slice %arg11[%add3A_11, %dma_start3A_57] : memref<10064x128xf32, #tpu.memory_space<vmem_shared>> -> memref<64x128xf32, #tpu.memory_space<vmem_shared>>
      tpu.enqueue_dma source(%arg9 : memref<64x128xf32, #tpu.memory_space<vmem>>) target(%dma_start3A_58 : memref<64x128xf32, #tpu.memory_space<vmem_shared>>) target_semaphore(%run_scoped3A : memref<!tpu.dma_semaphore, #tpu.memory_space<semaphore_mem>>)
      %dma_wait3A = arith.constant 0 : i32
      %dma_wait3A_59 = tpu.memref_slice %arg11[%add3A_11, %dma_wait3A] : memref<10064x128xf32, #tpu.memory_space<vmem_shared>> -> memref<64x128xf32, #tpu.memory_space<vmem_shared>>
      %dma_wait3A_60 = arith.constant 0 : i32
      %dma_wait3A_61 = tpu.memref_slice %arg11[%add3A_11, %dma_wait3A_60] : memref<10064x128xf32, #tpu.memory_space<vmem_shared>> -> memref<64x128xf32, #tpu.memory_space<vmem_shared>>
      tpu.wait_dma2 semaphore(%run_scoped3A : memref<!tpu.dma_semaphore, #tpu.memory_space<semaphore_mem>>) src(%arg9 : memref<64x128xf32, #tpu.memory_space<vmem>>) dst(%dma_wait3A_61 : memref<64x128xf32, #tpu.memory_space<vmem_shared>>)
      tpu.yield
    }) : () -> ()
    %add3A_12 = arith.constant 128 : i32
    %add3A_13 = arith.addi %mul3A_7, %add3A_12 : i32
    "tpu.region"() ({
      %run_scoped3A = tpu.sem_alloc : memref<!tpu.dma_semaphore, #tpu.memory_space<semaphore_mem>>
      %dma_start3A_55 = arith.constant 0 : i32
      %dma_start3A_56 = tpu.memref_slice %arg11[%add3A_13, %dma_start3A_55] : memref<10064x128xf32, #tpu.memory_space<vmem_shared>> -> memref<64x128xf32, #tpu.memory_space<vmem_shared>>
      %dma_start3A_57 = arith.constant 0 : i32
      %dma_start3A_58 = tpu.memref_slice %arg11[%add3A_13, %dma_start3A_57] : memref<10064x128xf32, #tpu.memory_space<vmem_shared>> -> memref<64x128xf32, #tpu.memory_space<vmem_shared>>
      tpu.enqueue_dma source(%arg9 : memref<64x128xf32, #tpu.memory_space<vmem>>) target(%dma_start3A_58 : memref<64x128xf32, #tpu.memory_space<vmem_shared>>) target_semaphore(%run_scoped3A : memref<!tpu.dma_semaphore, #tpu.memory_space<semaphore_mem>>)
      %dma_wait3A = arith.constant 0 : i32
      %dma_wait3A_59 = tpu.memref_slice %arg11[%add3A_13, %dma_wait3A] : memref<10064x128xf32, #tpu.memory_space<vmem_shared>> -> memref<64x128xf32, #tpu.memory_space<vmem_shared>>
      %dma_wait3A_60 = arith.constant 0 : i32
      %dma_wait3A_61 = tpu.memref_slice %arg11[%add3A_13, %dma_wait3A_60] : memref<10064x128xf32, #tpu.memory_space<vmem_shared>> -> memref<64x128xf32, #tpu.memory_space<vmem_shared>>
      tpu.wait_dma2 semaphore(%run_scoped3A : memref<!tpu.dma_semaphore, #tpu.memory_space<semaphore_mem>>) src(%arg9 : memref<64x128xf32, #tpu.memory_space<vmem>>) dst(%dma_wait3A_61 : memref<64x128xf32, #tpu.memory_space<vmem_shared>>)
      tpu.yield
    }) : () -> ()
    %add3A_14 = arith.constant 192 : i32
    %add3A_15 = arith.addi %mul3A_7, %add3A_14 : i32
    "tpu.region"() ({
      %run_scoped3A = tpu.sem_alloc : memref<!tpu.dma_semaphore, #tpu.memory_space<semaphore_mem>>
      %dma_start3A_55 = arith.constant 0 : i32
      %dma_start3A_56 = tpu.memref_slice %arg11[%add3A_15, %dma_start3A_55] : memref<10064x128xf32, #tpu.memory_space<vmem_shared>> -> memref<64x128xf32, #tpu.memory_space<vmem_shared>>
      %dma_start3A_57 = arith.constant 0 : i32
      %dma_start3A_58 = tpu.memref_slice %arg11[%add3A_15, %dma_start3A_57] : memref<10064x128xf32, #tpu.memory_space<vmem_shared>> -> memref<64x128xf32, #tpu.memory_space<vmem_shared>>
      tpu.enqueue_dma source(%arg9 : memref<64x128xf32, #tpu.memory_space<vmem>>) target(%dma_start3A_58 : memref<64x128xf32, #tpu.memory_space<vmem_shared>>) target_semaphore(%run_scoped3A : memref<!tpu.dma_semaphore, #tpu.memory_space<semaphore_mem>>)
      %dma_wait3A = arith.constant 0 : i32
      %dma_wait3A_59 = tpu.memref_slice %arg11[%add3A_15, %dma_wait3A] : memref<10064x128xf32, #tpu.memory_space<vmem_shared>> -> memref<64x128xf32, #tpu.memory_space<vmem_shared>>
      %dma_wait3A_60 = arith.constant 0 : i32
      %dma_wait3A_61 = tpu.memref_slice %arg11[%add3A_15, %dma_wait3A_60] : memref<10064x128xf32, #tpu.memory_space<vmem_shared>> -> memref<64x128xf32, #tpu.memory_space<vmem_shared>>
      tpu.wait_dma2 semaphore(%run_scoped3A : memref<!tpu.dma_semaphore, #tpu.memory_space<semaphore_mem>>) src(%arg9 : memref<64x128xf32, #tpu.memory_space<vmem>>) dst(%dma_wait3A_61 : memref<64x128xf32, #tpu.memory_space<vmem_shared>>)
      tpu.yield
    }) : () -> ()
    %add3A_16 = arith.constant 256 : i32
    %add3A_17 = arith.addi %mul3A_7, %add3A_16 : i32
    "tpu.region"() ({
      %run_scoped3A = tpu.sem_alloc : memref<!tpu.dma_semaphore, #tpu.memory_space<semaphore_mem>>
      %dma_start3A_55 = arith.constant 0 : i32
      %dma_start3A_56 = tpu.memref_slice %arg11[%add3A_17, %dma_start3A_55] : memref<10064x128xf32, #tpu.memory_space<vmem_shared>> -> memref<64x128xf32, #tpu.memory_space<vmem_shared>>
      %dma_start3A_57 = arith.constant 0 : i32
      %dma_start3A_58 = tpu.memref_slice %arg11[%add3A_17, %dma_start3A_57] : memref<10064x128xf32, #tpu.memory_space<vmem_shared>> -> memref<64x128xf32, #tpu.memory_space<vmem_shared>>
      tpu.enqueue_dma source(%arg9 : memref<64x128xf32, #tpu.memory_space<vmem>>) target(%dma_start3A_58 : memref<64x128xf32, #tpu.memory_space<vmem_shared>>) target_semaphore(%run_scoped3A : memref<!tpu.dma_semaphore, #tpu.memory_space<semaphore_mem>>)
      %dma_wait3A = arith.constant 0 : i32
      %dma_wait3A_59 = tpu.memref_slice %arg11[%add3A_17, %dma_wait3A] : memref<10064x128xf32, #tpu.memory_space<vmem_shared>> -> memref<64x128xf32, #tpu.memory_space<vmem_shared>>
      %dma_wait3A_60 = arith.constant 0 : i32
      %dma_wait3A_61 = tpu.memref_slice %arg11[%add3A_17, %dma_wait3A_60] : memref<10064x128xf32, #tpu.memory_space<vmem_shared>> -> memref<64x128xf32, #tpu.memory_space<vmem_shared>>
      tpu.wait_dma2 semaphore(%run_scoped3A : memref<!tpu.dma_semaphore, #tpu.memory_space<semaphore_mem>>) src(%arg9 : memref<64x128xf32, #tpu.memory_space<vmem>>) dst(%dma_wait3A_61 : memref<64x128xf32, #tpu.memory_space<vmem_shared>>)
      tpu.yield
    }) : () -> ()
    %add3A_18 = arith.constant 320 : i32
    %add3A_19 = arith.addi %mul3A_7, %add3A_18 : i32
    "tpu.region"() ({
      %run_scoped3A = tpu.sem_alloc : memref<!tpu.dma_semaphore, #tpu.memory_space<semaphore_mem>>
      %dma_start3A_55 = arith.constant 0 : i32
      %dma_start3A_56 = tpu.memref_slice %arg11[%add3A_19, %dma_start3A_55] : memref<10064x128xf32, #tpu.memory_space<vmem_shared>> -> memref<64x128xf32, #tpu.memory_space<vmem_shared>>
      %dma_start3A_57 = arith.constant 0 : i32
      %dma_start3A_58 = tpu.memref_slice %arg11[%add3A_19, %dma_start3A_57] : memref<10064x128xf32, #tpu.memory_space<vmem_shared>> -> memref<64x128xf32, #tpu.memory_space<vmem_shared>>
      tpu.enqueue_dma source(%arg9 : memref<64x128xf32, #tpu.memory_space<vmem>>) target(%dma_start3A_58 : memref<64x128xf32, #tpu.memory_space<vmem_shared>>) target_semaphore(%run_scoped3A : memref<!tpu.dma_semaphore, #tpu.memory_space<semaphore_mem>>)
      %dma_wait3A = arith.constant 0 : i32
      %dma_wait3A_59 = tpu.memref_slice %arg11[%add3A_19, %dma_wait3A] : memref<10064x128xf32, #tpu.memory_space<vmem_shared>> -> memref<64x128xf32, #tpu.memory_space<vmem_shared>>
      %dma_wait3A_60 = arith.constant 0 : i32
      %dma_wait3A_61 = tpu.memref_slice %arg11[%add3A_19, %dma_wait3A_60] : memref<10064x128xf32, #tpu.memory_space<vmem_shared>> -> memref<64x128xf32, #tpu.memory_space<vmem_shared>>
      tpu.wait_dma2 semaphore(%run_scoped3A : memref<!tpu.dma_semaphore, #tpu.memory_space<semaphore_mem>>) src(%arg9 : memref<64x128xf32, #tpu.memory_space<vmem>>) dst(%dma_wait3A_61 : memref<64x128xf32, #tpu.memory_space<vmem_shared>>)
      tpu.yield
    }) : () -> ()
    %add3A_20 = arith.constant 384 : i32
    %add3A_21 = arith.addi %mul3A_7, %add3A_20 : i32
    "tpu.region"() ({
      %run_scoped3A = tpu.sem_alloc : memref<!tpu.dma_semaphore, #tpu.memory_space<semaphore_mem>>
      %dma_start3A_55 = arith.constant 0 : i32
      %dma_start3A_56 = tpu.memref_slice %arg11[%add3A_21, %dma_start3A_55] : memref<10064x128xf32, #tpu.memory_space<vmem_shared>> -> memref<64x128xf32, #tpu.memory_space<vmem_shared>>
      %dma_start3A_57 = arith.constant 0 : i32
      %dma_start3A_58 = tpu.memref_slice %arg11[%add3A_21, %dma_start3A_57] : memref<10064x128xf32, #tpu.memory_space<vmem_shared>> -> memref<64x128xf32, #tpu.memory_space<vmem_shared>>
      tpu.enqueue_dma source(%arg9 : memref<64x128xf32, #tpu.memory_space<vmem>>) target(%dma_start3A_58 : memref<64x128xf32, #tpu.memory_space<vmem_shared>>) target_semaphore(%run_scoped3A : memref<!tpu.dma_semaphore, #tpu.memory_space<semaphore_mem>>)
      %dma_wait3A = arith.constant 0 : i32
      %dma_wait3A_59 = tpu.memref_slice %arg11[%add3A_21, %dma_wait3A] : memref<10064x128xf32, #tpu.memory_space<vmem_shared>> -> memref<64x128xf32, #tpu.memory_space<vmem_shared>>
      %dma_wait3A_60 = arith.constant 0 : i32
      %dma_wait3A_61 = tpu.memref_slice %arg11[%add3A_21, %dma_wait3A_60] : memref<10064x128xf32, #tpu.memory_space<vmem_shared>> -> memref<64x128xf32, #tpu.memory_space<vmem_shared>>
      tpu.wait_dma2 semaphore(%run_scoped3A : memref<!tpu.dma_semaphore, #tpu.memory_space<semaphore_mem>>) src(%arg9 : memref<64x128xf32, #tpu.memory_space<vmem>>) dst(%dma_wait3A_61 : memref<64x128xf32, #tpu.memory_space<vmem_shared>>)
      tpu.yield
    }) : () -> ()
    %add3A_22 = arith.constant 448 : i32
    %add3A_23 = arith.addi %mul3A_7, %add3A_22 : i32
    "tpu.region"() ({
      %run_scoped3A = tpu.sem_alloc : memref<!tpu.dma_semaphore, #tpu.memory_space<semaphore_mem>>
      %dma_start3A_55 = arith.constant 0 : i32
      %dma_start3A_56 = tpu.memref_slice %arg11[%add3A_23, %dma_start3A_55] : memref<10064x128xf32, #tpu.memory_space<vmem_shared>> -> memref<64x128xf32, #tpu.memory_space<vmem_shared>>
      %dma_start3A_57 = arith.constant 0 : i32
      %dma_start3A_58 = tpu.memref_slice %arg11[%add3A_23, %dma_start3A_57] : memref<10064x128xf32, #tpu.memory_space<vmem_shared>> -> memref<64x128xf32, #tpu.memory_space<vmem_shared>>
      tpu.enqueue_dma source(%arg9 : memref<64x128xf32, #tpu.memory_space<vmem>>) target(%dma_start3A_58 : memref<64x128xf32, #tpu.memory_space<vmem_shared>>) target_semaphore(%run_scoped3A : memref<!tpu.dma_semaphore, #tpu.memory_space<semaphore_mem>>)
      %dma_wait3A = arith.constant 0 : i32
      %dma_wait3A_59 = tpu.memref_slice %arg11[%add3A_23, %dma_wait3A] : memref<10064x128xf32, #tpu.memory_space<vmem_shared>> -> memref<64x128xf32, #tpu.memory_space<vmem_shared>>
      %dma_wait3A_60 = arith.constant 0 : i32
      %dma_wait3A_61 = tpu.memref_slice %arg11[%add3A_23, %dma_wait3A_60] : memref<10064x128xf32, #tpu.memory_space<vmem_shared>> -> memref<64x128xf32, #tpu.memory_space<vmem_shared>>
      tpu.wait_dma2 semaphore(%run_scoped3A : memref<!tpu.dma_semaphore, #tpu.memory_space<semaphore_mem>>) src(%arg9 : memref<64x128xf32, #tpu.memory_space<vmem>>) dst(%dma_wait3A_61 : memref<64x128xf32, #tpu.memory_space<vmem_shared>>)
      tpu.yield
    }) : () -> ()
    %add3A_24 = arith.constant 512 : i32
    %add3A_25 = arith.addi %mul3A_7, %add3A_24 : i32
    "tpu.region"() ({
      %run_scoped3A = tpu.sem_alloc : memref<!tpu.dma_semaphore, #tpu.memory_space<semaphore_mem>>
      %dma_start3A_55 = arith.constant 0 : i32
      %dma_start3A_56 = tpu.memref_slice %arg11[%add3A_25, %dma_start3A_55] : memref<10064x128xf32, #tpu.memory_space<vmem_shared>> -> memref<64x128xf32, #tpu.memory_space<vmem_shared>>
      %dma_start3A_57 = arith.constant 0 : i32
      %dma_start3A_58 = tpu.memref_slice %arg11[%add3A_25, %dma_start3A_57] : memref<10064x128xf32, #tpu.memory_space<vmem_shared>> -> memref<64x128xf32, #tpu.memory_space<vmem_shared>>
      tpu.enqueue_dma source(%arg9 : memref<64x128xf32, #tpu.memory_space<vmem>>) target(%dma_start3A_58 : memref<64x128xf32, #tpu.memory_space<vmem_shared>>) target_semaphore(%run_scoped3A : memref<!tpu.dma_semaphore, #tpu.memory_space<semaphore_mem>>)
      %dma_wait3A = arith.constant 0 : i32
      %dma_wait3A_59 = tpu.memref_slice %arg11[%add3A_25, %dma_wait3A] : memref<10064x128xf32, #tpu.memory_space<vmem_shared>> -> memref<64x128xf32, #tpu.memory_space<vmem_shared>>
      %dma_wait3A_60 = arith.constant 0 : i32
      %dma_wait3A_61 = tpu.memref_slice %arg11[%add3A_25, %dma_wait3A_60] : memref<10064x128xf32, #tpu.memory_space<vmem_shared>> -> memref<64x128xf32, #tpu.memory_space<vmem_shared>>
      tpu.wait_dma2 semaphore(%run_scoped3A : memref<!tpu.dma_semaphore, #tpu.memory_space<semaphore_mem>>) src(%arg9 : memref<64x128xf32, #tpu.memory_space<vmem>>) dst(%dma_wait3A_61 : memref<64x128xf32, #tpu.memory_space<vmem_shared>>)
      tpu.yield
    }) : () -> ()
    %add3A_26 = arith.constant 576 : i32
    %add3A_27 = arith.addi %mul3A_7, %add3A_26 : i32
    "tpu.region"() ({
      %run_scoped3A = tpu.sem_alloc : memref<!tpu.dma_semaphore, #tpu.memory_space<semaphore_mem>>
      %dma_start3A_55 = arith.constant 0 : i32
      %dma_start3A_56 = arith.constant 0 : i32
      %dma_start3A_57 = tpu.memref_slice %arg9[%dma_start3A_55, %dma_start3A_56] : memref<64x128xf32, #tpu.memory_space<vmem>> -> memref<48x128xf32, #tpu.memory_space<vmem>>
      %dma_start3A_58 = arith.constant 0 : i32
      %dma_start3A_59 = tpu.memref_slice %arg11[%add3A_27, %dma_start3A_58] : memref<10064x128xf32, #tpu.memory_space<vmem_shared>> -> memref<48x128xf32, #tpu.memory_space<vmem_shared>>
      %dma_start3A_60 = arith.constant 0 : i32
      %dma_start3A_61 = tpu.memref_slice %arg11[%add3A_27, %dma_start3A_60] : memref<10064x128xf32, #tpu.memory_space<vmem_shared>> -> memref<48x128xf32, #tpu.memory_space<vmem_shared>>
      %dma_start3A_62 = arith.constant 0 : i32
      %dma_start3A_63 = arith.constant 0 : i32
      %dma_start3A_64 = tpu.memref_slice %arg9[%dma_start3A_62, %dma_start3A_63] : memref<64x128xf32, #tpu.memory_space<vmem>> -> memref<48x128xf32, #tpu.memory_space<vmem>>
      tpu.enqueue_dma source(%dma_start3A_64 : memref<48x128xf32, #tpu.memory_space<vmem>>) target(%dma_start3A_61 : memref<48x128xf32, #tpu.memory_space<vmem_shared>>) target_semaphore(%run_scoped3A : memref<!tpu.dma_semaphore, #tpu.memory_space<semaphore_mem>>)
      %dma_wait3A = arith.constant 0 : i32
      %dma_wait3A_65 = arith.constant 0 : i32
      %dma_wait3A_66 = tpu.memref_slice %arg9[%dma_wait3A, %dma_wait3A_65] : memref<64x128xf32, #tpu.memory_space<vmem>> -> memref<48x128xf32, #tpu.memory_space<vmem>>
      %dma_wait3A_67 = arith.constant 0 : i32
      %dma_wait3A_68 = tpu.memref_slice %arg11[%add3A_27, %dma_wait3A_67] : memref<10064x128xf32, #tpu.memory_space<vmem_shared>> -> memref<48x128xf32, #tpu.memory_space<vmem_shared>>
      %dma_wait3A_69 = arith.constant 0 : i32
      %dma_wait3A_70 = tpu.memref_slice %arg11[%add3A_27, %dma_wait3A_69] : memref<10064x128xf32, #tpu.memory_space<vmem_shared>> -> memref<48x128xf32, #tpu.memory_space<vmem_shared>>
      %dma_wait3A_71 = arith.constant 0 : i32
      %dma_wait3A_72 = arith.constant 0 : i32
      %dma_wait3A_73 = tpu.memref_slice %arg9[%dma_wait3A_71, %dma_wait3A_72] : memref<64x128xf32, #tpu.memory_space<vmem>> -> memref<48x128xf32, #tpu.memory_space<vmem>>
      tpu.wait_dma2 semaphore(%run_scoped3A : memref<!tpu.dma_semaphore, #tpu.memory_space<semaphore_mem>>) src(%dma_wait3A_73 : memref<48x128xf32, #tpu.memory_space<vmem>>) dst(%dma_wait3A_70 : memref<48x128xf32, #tpu.memory_space<vmem_shared>>)
      tpu.yield
    }) : () -> ()
    %eq3A = arith.constant 15 : i32
    %eq3A_28 = arith.cmpi eq, %arg1, %eq3A : i32
    %convert_element_type3A = arith.extui %eq3A_28 : i1 to i32
    %cond3A = arith.constant 0 : i32
    %cond3A_29 = arith.cmpi ne, %convert_element_type3A, %cond3A : i32
    scf.if %cond3A_29 {
      "tpu.region"() ({
        %run_scoped3A = tpu.sem_alloc : memref<!tpu.dma_semaphore, #tpu.memory_space<semaphore_mem>>
        %dma_start3A_55 = arith.constant 0 : i32
        %dma_start3A_56 = arith.constant 0 : i32
        %dma_start3A_57 = tpu.memref_slice %arg9[%dma_start3A_55, %dma_start3A_56] : memref<64x128xf32, #tpu.memory_space<vmem>> -> memref<16x128xf32, #tpu.memory_space<vmem>>
        %dma_start3A_58 = arith.constant 9984 : i32
        %dma_start3A_59 = arith.constant 0 : i32
        %dma_start3A_60 = tpu.memref_slice %arg11[%dma_start3A_58, %dma_start3A_59] : memref<10064x128xf32, #tpu.memory_space<vmem_shared>> -> memref<16x128xf32, #tpu.memory_space<vmem_shared>>
        %dma_start3A_61 = arith.constant 9984 : i32
        %dma_start3A_62 = arith.constant 0 : i32
        %dma_start3A_63 = tpu.memref_slice %arg11[%dma_start3A_61, %dma_start3A_62] : memref<10064x128xf32, #tpu.memory_space<vmem_shared>> -> memref<16x128xf32, #tpu.memory_space<vmem_shared>>
        %dma_start3A_64 = arith.constant 0 : i32
        %dma_start3A_65 = arith.constant 0 : i32
        %dma_start3A_66 = tpu.memref_slice %arg9[%dma_start3A_64, %dma_start3A_65] : memref<64x128xf32, #tpu.memory_space<vmem>> -> memref<16x128xf32, #tpu.memory_space<vmem>>
        tpu.enqueue_dma source(%dma_start3A_66 : memref<16x128xf32, #tpu.memory_space<vmem>>) target(%dma_start3A_63 : memref<16x128xf32, #tpu.memory_space<vmem_shared>>) target_semaphore(%run_scoped3A : memref<!tpu.dma_semaphore, #tpu.memory_space<semaphore_mem>>)
        %dma_wait3A = arith.constant 0 : i32
        %dma_wait3A_67 = arith.constant 0 : i32
        %dma_wait3A_68 = tpu.memref_slice %arg9[%dma_wait3A, %dma_wait3A_67] : memref<64x128xf32, #tpu.memory_space<vmem>> -> memref<16x128xf32, #tpu.memory_space<vmem>>
        %dma_wait3A_69 = arith.constant 9984 : i32
        %dma_wait3A_70 = arith.constant 0 : i32
        %dma_wait3A_71 = tpu.memref_slice %arg11[%dma_wait3A_69, %dma_wait3A_70] : memref<10064x128xf32, #tpu.memory_space<vmem_shared>> -> memref<16x128xf32, #tpu.memory_space<vmem_shared>>
        %dma_wait3A_72 = arith.constant 9984 : i32
        %dma_wait3A_73 = arith.constant 0 : i32
        %dma_wait3A_74 = tpu.memref_slice %arg11[%dma_wait3A_72, %dma_wait3A_73] : memref<10064x128xf32, #tpu.memory_space<vmem_shared>> -> memref<16x128xf32, #tpu.memory_space<vmem_shared>>
        %dma_wait3A_75 = arith.constant 0 : i32
        %dma_wait3A_76 = arith.constant 0 : i32
        %dma_wait3A_77 = tpu.memref_slice %arg9[%dma_wait3A_75, %dma_wait3A_76] : memref<64x128xf32, #tpu.memory_space<vmem>> -> memref<16x128xf32, #tpu.memory_space<vmem>>
        tpu.wait_dma2 semaphore(%run_scoped3A : memref<!tpu.dma_semaphore, #tpu.memory_space<semaphore_mem>>) src(%dma_wait3A_77 : memref<16x128xf32, #tpu.memory_space<vmem>>) dst(%dma_wait3A_74 : memref<16x128xf32, #tpu.memory_space<vmem_shared>>)
        tpu.yield
      }) : () -> ()
    } else {
    }
    %barrier3A = arith.constant 0 : index
    tpu.barrier barrier_id(%barrier3A)
    %mul3A_30 = arith.constant 158 : i32
    %mul3A_31 = arith.muli %add3A, %mul3A_30 : i32
    "tpu.region"() ({
      %run_scoped3A = tpu.sem_alloc : memref<!tpu.dma_semaphore, #tpu.memory_space<semaphore_mem>>
      %dma_start3A_55 = arith.constant 0 : i32
      %dma_start3A_56 = tpu.memref_slice %arg3[%mul3A_31, %dma_start3A_55] : memref<5056x64xi32, #tpu.memory_space<hbm>> -> memref<158x64xi32, #tpu.memory_space<hbm>>
      %dma_start3A_57 = arith.constant 0 : i32
      %dma_start3A_58 = tpu.memref_slice %arg3[%mul3A_31, %dma_start3A_57] : memref<5056x64xi32, #tpu.memory_space<hbm>> -> memref<158x64xi32, #tpu.memory_space<hbm>>
      tpu.enqueue_dma source(%dma_start3A_58 : memref<158x64xi32, #tpu.memory_space<hbm>>) target(%arg7 : memref<158x64xi32, #tpu.memory_space<vmem>>) target_semaphore(%run_scoped3A : memref<!tpu.dma_semaphore, #tpu.memory_space<semaphore_mem>>)
      %dma_wait3A = arith.constant 0 : i32
      %dma_wait3A_59 = tpu.memref_slice %arg3[%mul3A_31, %dma_wait3A] : memref<5056x64xi32, #tpu.memory_space<hbm>> -> memref<158x64xi32, #tpu.memory_space<hbm>>
      %dma_wait3A_60 = arith.constant 0 : i32
      %dma_wait3A_61 = tpu.memref_slice %arg3[%mul3A_31, %dma_wait3A_60] : memref<5056x64xi32, #tpu.memory_space<hbm>> -> memref<158x64xi32, #tpu.memory_space<hbm>>
      tpu.wait_dma2 semaphore(%run_scoped3A : memref<!tpu.dma_semaphore, #tpu.memory_space<semaphore_mem>>) src(%dma_wait3A_61 : memref<158x64xi32, #tpu.memory_space<hbm>>) dst(%arg7 : memref<158x64xi32, #tpu.memory_space<vmem>>)
      tpu.yield
    }) : () -> ()
    "tpu.region"() ({
      %run_scoped3A = tpu.sem_alloc : memref<!tpu.dma_semaphore, #tpu.memory_space<semaphore_mem>>
      %dma_start3A_55 = arith.constant 0 : i32
      %dma_start3A_56 = tpu.memref_slice %arg4[%mul3A_31, %dma_start3A_55] : memref<5056x64xi32, #tpu.memory_space<hbm>> -> memref<158x64xi32, #tpu.memory_space<hbm>>
      %dma_start3A_57 = arith.constant 0 : i32
      %dma_start3A_58 = tpu.memref_slice %arg4[%mul3A_31, %dma_start3A_57] : memref<5056x64xi32, #tpu.memory_space<hbm>> -> memref<158x64xi32, #tpu.memory_space<hbm>>
      tpu.enqueue_dma source(%dma_start3A_58 : memref<158x64xi32, #tpu.memory_space<hbm>>) target(%arg8 : memref<158x64xi32, #tpu.memory_space<vmem>>) target_semaphore(%run_scoped3A : memref<!tpu.dma_semaphore, #tpu.memory_space<semaphore_mem>>)
      %dma_wait3A = arith.constant 0 : i32
      %dma_wait3A_59 = tpu.memref_slice %arg4[%mul3A_31, %dma_wait3A] : memref<5056x64xi32, #tpu.memory_space<hbm>> -> memref<158x64xi32, #tpu.memory_space<hbm>>
      %dma_wait3A_60 = arith.constant 0 : i32
      %dma_wait3A_61 = tpu.memref_slice %arg4[%mul3A_31, %dma_wait3A_60] : memref<5056x64xi32, #tpu.memory_space<hbm>> -> memref<158x64xi32, #tpu.memory_space<hbm>>
      tpu.wait_dma2 semaphore(%run_scoped3A : memref<!tpu.dma_semaphore, #tpu.memory_space<semaphore_mem>>) src(%dma_wait3A_61 : memref<158x64xi32, #tpu.memory_space<hbm>>) dst(%arg8 : memref<158x64xi32, #tpu.memory_space<vmem>>)
      tpu.yield
    }) : () -> ()
    %dma_start3A = arith.constant 0 : i32
    %dma_start3A_32 = arith.constant 0 : i32
    %dma_start3A_33 = tpu.memref_slice %arg7[%dma_start3A, %dma_start3A_32] : memref<158x64xi32, #tpu.memory_space<vmem>> -> memref<1x64xi32, #tpu.memory_space<vmem>>
    %dma_start3A_34 = tpu.memref_squeeze %dma_start3A_33 : memref<1x64xi32, #tpu.memory_space<vmem>> -> memref<64xi32, #tpu.memory_space<vmem>>
    %dma_start3A_35 = arith.constant 0 : i32
    %dma_start3A_36 = arith.constant 0 : i32
    %dma_start3A_37 = tpu.memref_slice %arg2[%dma_start3A_35, %dma_start3A_36] : memref<10000x128xf32, #tpu.memory_space<hbm>> -> memref<10000x128xf32, #tpu.memory_space<hbm>>
    tpu.enqueue_indirect_dma source(%dma_start3A_37 : memref<10000x128xf32, #tpu.memory_space<hbm>>) target(%arg9 : memref<64x128xf32, #tpu.memory_space<vmem>>) offsets(%dma_start3A_34 : memref<64xi32, #tpu.memory_space<vmem>>) semaphore(%arg12 : memref<!tpu.dma_semaphore, #tpu.memory_space<semaphore_mem>>)
    %scan3A_38 = arith.constant 0 : i32
    %scan3A_39 = arith.constant 0 : i32
    %scan3A_40 = arith.constant 79 : i32
    %scan3A_41 = arith.addi %scan3A_39, %scan3A_40 : i32
    %scan3A_42 = arith.constant 1 : i32
    scf.for %scan3A_55 = %scan3A_39 to %scan3A_41 step %scan3A_42  : i32 {
      %mul3A_56 = arith.constant 2 : i32
      %mul3A_57 = arith.muli %mul3A_56, %scan3A_55 : i32
      %add3A_58 = arith.constant 1 : i32
      %add3A_59 = arith.addi %mul3A_57, %add3A_58 : i32
      %dma_start3A_60 = arith.constant 0 : i32
      %dma_start3A_61 = tpu.memref_slice %arg7[%add3A_59, %dma_start3A_60] : memref<158x64xi32, #tpu.memory_space<vmem>> -> memref<1x64xi32, #tpu.memory_space<vmem>>
      %dma_start3A_62 = tpu.memref_squeeze %dma_start3A_61 : memref<1x64xi32, #tpu.memory_space<vmem>> -> memref<64xi32, #tpu.memory_space<vmem>>
      %dma_start3A_63 = arith.constant 0 : i32
      %dma_start3A_64 = arith.constant 0 : i32
      %dma_start3A_65 = tpu.memref_slice %arg2[%dma_start3A_63, %dma_start3A_64] : memref<10000x128xf32, #tpu.memory_space<hbm>> -> memref<10000x128xf32, #tpu.memory_space<hbm>>
      tpu.enqueue_indirect_dma source(%dma_start3A_65 : memref<10000x128xf32, #tpu.memory_space<hbm>>) target(%arg10 : memref<64x128xf32, #tpu.memory_space<vmem>>) offsets(%dma_start3A_62 : memref<64xi32, #tpu.memory_space<vmem>>) semaphore(%arg13 : memref<!tpu.dma_semaphore, #tpu.memory_space<semaphore_mem>>)
      %dma_wait3A = arith.constant 0 : i32
      %dma_wait3A_66 = tpu.memref_slice %arg7[%mul3A_57, %dma_wait3A] : memref<158x64xi32, #tpu.memory_space<vmem>> -> memref<1x64xi32, #tpu.memory_space<vmem>>
      %dma_wait3A_67 = tpu.memref_squeeze %dma_wait3A_66 : memref<1x64xi32, #tpu.memory_space<vmem>> -> memref<64xi32, #tpu.memory_space<vmem>>
      %dma_wait3A_68 = arith.constant 0 : i32
      %dma_wait3A_69 = arith.constant 0 : i32
      %dma_wait3A_70 = tpu.memref_slice %arg2[%dma_wait3A_68, %dma_wait3A_69] : memref<10000x128xf32, #tpu.memory_space<hbm>> -> memref<10000x128xf32, #tpu.memory_space<hbm>>
      tpu.wait_indirect_dma semaphore(%arg12 : memref<!tpu.dma_semaphore, #tpu.memory_space<semaphore_mem>>) src(%dma_wait3A_70 : memref<10000x128xf32, #tpu.memory_space<hbm>>) dst(%arg9 : memref<64x128xf32, #tpu.memory_space<vmem>>)
      "tpu.region"() ({
        %run_scoped3A = tpu.sem_alloc : memref<!tpu.dma_semaphore, #tpu.memory_space<semaphore_mem>>
        %dma_start3A_83 = arith.constant 0 : i32
        %dma_start3A_84 = tpu.memref_slice %arg8[%mul3A_57, %dma_start3A_83] : memref<158x64xi32, #tpu.memory_space<vmem>> -> memref<1x64xi32, #tpu.memory_space<vmem>>
        %dma_start3A_85 = tpu.memref_squeeze %dma_start3A_84 : memref<1x64xi32, #tpu.memory_space<vmem>> -> memref<64xi32, #tpu.memory_space<vmem>>
        %dma_start3A_86 = arith.constant 0 : i32
        %dma_start3A_87 = arith.constant 0 : i32
        %dma_start3A_88 = tpu.memref_slice %arg11[%dma_start3A_86, %dma_start3A_87] : memref<10064x128xf32, #tpu.memory_space<vmem_shared>> -> memref<10064x128xf32, #tpu.memory_space<vmem_shared>>
        tpu.enqueue_indirect_dma source(%arg9 : memref<64x128xf32, #tpu.memory_space<vmem>>) target(%dma_start3A_88 : memref<10064x128xf32, #tpu.memory_space<vmem_shared>>) offsets(%dma_start3A_85 : memref<64xi32, #tpu.memory_space<vmem>>) semaphore(%run_scoped3A : memref<!tpu.dma_semaphore, #tpu.memory_space<semaphore_mem>>) {add = true}
        %dma_wait3A_89 = arith.constant 0 : i32
        %dma_wait3A_90 = tpu.memref_slice %arg8[%mul3A_57, %dma_wait3A_89] : memref<158x64xi32, #tpu.memory_space<vmem>> -> memref<1x64xi32, #tpu.memory_space<vmem>>
        %dma_wait3A_91 = tpu.memref_squeeze %dma_wait3A_90 : memref<1x64xi32, #tpu.memory_space<vmem>> -> memref<64xi32, #tpu.memory_space<vmem>>
        %dma_wait3A_92 = arith.constant 0 : i32
        %dma_wait3A_93 = arith.constant 0 : i32
        %dma_wait3A_94 = tpu.memref_slice %arg11[%dma_wait3A_92, %dma_wait3A_93] : memref<10064x128xf32, #tpu.memory_space<vmem_shared>> -> memref<10064x128xf32, #tpu.memory_space<vmem_shared>>
        tpu.wait_indirect_dma semaphore(%run_scoped3A : memref<!tpu.dma_semaphore, #tpu.memory_space<semaphore_mem>>) src(%arg9 : memref<64x128xf32, #tpu.memory_space<vmem>>) dst(%dma_wait3A_94 : memref<10064x128xf32, #tpu.memory_space<vmem_shared>>)
        tpu.yield
      }) : () -> ()
      %lt3A = arith.constant 78 : i32
      %lt3A_71 = arith.cmpi slt, %scan3A_55, %lt3A : i32
      %convert_element_type3A_72 = arith.extui %lt3A_71 : i1 to i32
      %cond3A_73 = arith.constant 0 : i32
      %cond3A_74 = arith.cmpi ne, %convert_element_type3A_72, %cond3A_73 : i32
      scf.if %cond3A_74 {
        %add3A_83 = arith.constant 2 : i32
        %add3A_84 = arith.addi %mul3A_57, %add3A_83 : i32
        %dma_start3A_85 = arith.constant 0 : i32
        %dma_start3A_86 = tpu.memref_slice %arg7[%add3A_84, %dma_start3A_85] : memref<158x64xi32, #tpu.memory_space<vmem>> -> memref<1x64xi32, #tpu.memory_space<vmem>>
        %dma_start3A_87 = tpu.memref_squeeze %dma_start3A_86 : memref<1x64xi32, #tpu.memory_space<vmem>> -> memref<64xi32, #tpu.memory_space<vmem>>
        %dma_start3A_88 = arith.constant 0 : i32
        %dma_start3A_89 = arith.constant 0 : i32
        %dma_start3A_90 = tpu.memref_slice %arg2[%dma_start3A_88, %dma_start3A_89] : memref<10000x128xf32, #tpu.memory_space<hbm>> -> memref<10000x128xf32, #tpu.memory_space<hbm>>
        tpu.enqueue_indirect_dma source(%dma_start3A_90 : memref<10000x128xf32, #tpu.memory_space<hbm>>) target(%arg9 : memref<64x128xf32, #tpu.memory_space<vmem>>) offsets(%dma_start3A_87 : memref<64xi32, #tpu.memory_space<vmem>>) semaphore(%arg12 : memref<!tpu.dma_semaphore, #tpu.memory_space<semaphore_mem>>)
      } else {
      }
      %dma_wait3A_75 = arith.constant 0 : i32
      %dma_wait3A_76 = tpu.memref_slice %arg7[%add3A_59, %dma_wait3A_75] : memref<158x64xi32, #tpu.memory_space<vmem>> -> memref<1x64xi32, #tpu.memory_space<vmem>>
      %dma_wait3A_77 = tpu.memref_squeeze %dma_wait3A_76 : memref<1x64xi32, #tpu.memory_space<vmem>> -> memref<64xi32, #tpu.memory_space<vmem>>
      %dma_wait3A_78 = arith.constant 0 : i32
      %dma_wait3A_79 = arith.constant 0 : i32
      %dma_wait3A_80 = tpu.memref_slice %arg2[%dma_wait3A_78, %dma_wait3A_79] : memref<10000x128xf32, #tpu.memory_space<hbm>> -> memref<10000x128xf32, #tpu.memory_space<hbm>>
      tpu.wait_indirect_dma semaphore(%arg13 : memref<!tpu.dma_semaphore, #tpu.memory_space<semaphore_mem>>) src(%dma_wait3A_80 : memref<10000x128xf32, #tpu.memory_space<hbm>>) dst(%arg10 : memref<64x128xf32, #tpu.memory_space<vmem>>)
      %add3A_81 = arith.constant 1 : i32
      %add3A_82 = arith.addi %mul3A_57, %add3A_81 : i32
      "tpu.region"() ({
        %run_scoped3A = tpu.sem_alloc : memref<!tpu.dma_semaphore, #tpu.memory_space<semaphore_mem>>
        %dma_start3A_83 = arith.constant 0 : i32
        %dma_start3A_84 = tpu.memref_slice %arg8[%add3A_82, %dma_start3A_83] : memref<158x64xi32, #tpu.memory_space<vmem>> -> memref<1x64xi32, #tpu.memory_space<vmem>>
        %dma_start3A_85 = tpu.memref_squeeze %dma_start3A_84 : memref<1x64xi32, #tpu.memory_space<vmem>> -> memref<64xi32, #tpu.memory_space<vmem>>
        %dma_start3A_86 = arith.constant 0 : i32
        %dma_start3A_87 = arith.constant 0 : i32
        %dma_start3A_88 = tpu.memref_slice %arg11[%dma_start3A_86, %dma_start3A_87] : memref<10064x128xf32, #tpu.memory_space<vmem_shared>> -> memref<10064x128xf32, #tpu.memory_space<vmem_shared>>
        tpu.enqueue_indirect_dma source(%arg10 : memref<64x128xf32, #tpu.memory_space<vmem>>) target(%dma_start3A_88 : memref<10064x128xf32, #tpu.memory_space<vmem_shared>>) offsets(%dma_start3A_85 : memref<64xi32, #tpu.memory_space<vmem>>) semaphore(%run_scoped3A : memref<!tpu.dma_semaphore, #tpu.memory_space<semaphore_mem>>) {add = true}
        %dma_wait3A_89 = arith.constant 0 : i32
        %dma_wait3A_90 = tpu.memref_slice %arg8[%add3A_82, %dma_wait3A_89] : memref<158x64xi32, #tpu.memory_space<vmem>> -> memref<1x64xi32, #tpu.memory_space<vmem>>
        %dma_wait3A_91 = tpu.memref_squeeze %dma_wait3A_90 : memref<1x64xi32, #tpu.memory_space<vmem>> -> memref<64xi32, #tpu.memory_space<vmem>>
        %dma_wait3A_92 = arith.constant 0 : i32
        %dma_wait3A_93 = arith.constant 0 : i32
        %dma_wait3A_94 = tpu.memref_slice %arg11[%dma_wait3A_92, %dma_wait3A_93] : memref<10064x128xf32, #tpu.memory_space<vmem_shared>> -> memref<10064x128xf32, #tpu.memory_space<vmem_shared>>
        tpu.wait_indirect_dma semaphore(%run_scoped3A : memref<!tpu.dma_semaphore, #tpu.memory_space<semaphore_mem>>) src(%arg10 : memref<64x128xf32, #tpu.memory_space<vmem>>) dst(%dma_wait3A_94 : memref<10064x128xf32, #tpu.memory_space<vmem_shared>>)
        tpu.yield
      }) : () -> ()
    }
    %scan3A_43 = arith.constant 79 : i32
    %barrier3A_44 = arith.constant 0 : index
    tpu.barrier barrier_id(%barrier3A_44)
    %eq3A_45 = arith.constant 0 : i32
    %eq3A_46 = arith.cmpi eq, %arg0, %eq3A_45 : i32
    %convert_element_type3A_47 = arith.extui %eq3A_46 : i1 to i32
    %cond3A_48 = arith.constant 0 : i32
    %cond3A_49 = arith.cmpi ne, %convert_element_type3A_47, %cond3A_48 : i32
    scf.if %cond3A_49 {
      "tpu.region"() ({
        %run_scoped3A = tpu.sem_alloc : memref<!tpu.dma_semaphore, #tpu.memory_space<semaphore_mem>>
        %dma_start3A_60 = arith.constant 0 : i32
        %dma_start3A_61 = tpu.memref_slice %arg5[%mul3A_7, %dma_start3A_60] : memref<10000x128xf32, #tpu.memory_space<hbm>> -> memref<624x128xf32, #tpu.memory_space<hbm>>
        %dma_start3A_62 = arith.constant 0 : i32
        %dma_start3A_63 = tpu.memref_slice %arg11[%mul3A_7, %dma_start3A_62] : memref<10064x128xf32, #tpu.memory_space<vmem_shared>> -> memref<624x128xf32, #tpu.memory_space<vmem_shared>>
        tpu.enqueue_dma source(%dma_start3A_63 : memref<624x128xf32, #tpu.memory_space<vmem_shared>>) target(%dma_start3A_61 : memref<624x128xf32, #tpu.memory_space<hbm>>) target_semaphore(%run_scoped3A : memref<!tpu.dma_semaphore, #tpu.memory_space<semaphore_mem>>)
        %dma_wait3A = arith.constant 0 : i32
        %dma_wait3A_64 = tpu.memref_slice %arg5[%mul3A_7, %dma_wait3A] : memref<10000x128xf32, #tpu.memory_space<hbm>> -> memref<624x128xf32, #tpu.memory_space<hbm>>
        %dma_wait3A_65 = arith.constant 0 : i32
        %dma_wait3A_66 = tpu.memref_slice %arg11[%mul3A_7, %dma_wait3A_65] : memref<10064x128xf32, #tpu.memory_space<vmem_shared>> -> memref<624x128xf32, #tpu.memory_space<vmem_shared>>
        tpu.wait_dma2 semaphore(%run_scoped3A : memref<!tpu.dma_semaphore, #tpu.memory_space<semaphore_mem>>) src(%dma_wait3A_66 : memref<624x128xf32, #tpu.memory_space<vmem_shared>>) dst(%dma_wait3A_64 : memref<624x128xf32, #tpu.memory_space<hbm>>)
        tpu.yield
      }) : () -> ()
      %eq3A_55 = arith.constant 15 : i32
      %eq3A_56 = arith.cmpi eq, %arg1, %eq3A_55 : i32
      %convert_element_type3A_57 = arith.extui %eq3A_56 : i1 to i32
      %cond3A_58 = arith.constant 0 : i32
      %cond3A_59 = arith.cmpi ne, %convert_element_type3A_57, %cond3A_58 : i32
      scf.if %cond3A_59 {
        "tpu.region"() ({
          %run_scoped3A = tpu.sem_alloc : memref<!tpu.dma_semaphore, #tpu.memory_space<semaphore_mem>>
          %dma_start3A_60 = arith.constant 9984 : i32
          %dma_start3A_61 = arith.constant 0 : i32
          %dma_start3A_62 = tpu.memref_slice %arg5[%dma_start3A_60, %dma_start3A_61] : memref<10000x128xf32, #tpu.memory_space<hbm>> -> memref<16x128xf32, #tpu.memory_space<hbm>>
          %dma_start3A_63 = arith.constant 9984 : i32
          %dma_start3A_64 = arith.constant 0 : i32
          %dma_start3A_65 = tpu.memref_slice %arg11[%dma_start3A_63, %dma_start3A_64] : memref<10064x128xf32, #tpu.memory_space<vmem_shared>> -> memref<16x128xf32, #tpu.memory_space<vmem_shared>>
          tpu.enqueue_dma source(%dma_start3A_65 : memref<16x128xf32, #tpu.memory_space<vmem_shared>>) target(%dma_start3A_62 : memref<16x128xf32, #tpu.memory_space<hbm>>) target_semaphore(%run_scoped3A : memref<!tpu.dma_semaphore, #tpu.memory_space<semaphore_mem>>)
          %dma_wait3A = arith.constant 9984 : i32
          %dma_wait3A_66 = arith.constant 0 : i32
          %dma_wait3A_67 = tpu.memref_slice %arg5[%dma_wait3A, %dma_wait3A_66] : memref<10000x128xf32, #tpu.memory_space<hbm>> -> memref<16x128xf32, #tpu.memory_space<hbm>>
          %dma_wait3A_68 = arith.constant 9984 : i32
          %dma_wait3A_69 = arith.constant 0 : i32
          %dma_wait3A_70 = tpu.memref_slice %arg11[%dma_wait3A_68, %dma_wait3A_69] : memref<10064x128xf32, #tpu.memory_space<vmem_shared>> -> memref<16x128xf32, #tpu.memory_space<vmem_shared>>
          tpu.wait_dma2 semaphore(%run_scoped3A : memref<!tpu.dma_semaphore, #tpu.memory_space<semaphore_mem>>) src(%dma_wait3A_70 : memref<16x128xf32, #tpu.memory_space<vmem_shared>>) dst(%dma_wait3A_67 : memref<16x128xf32, #tpu.memory_space<hbm>>)
          tpu.yield
        }) : () -> ()
      } else {
      }
    } else {
    }
    %eq3A_50 = arith.constant 1 : i32
    %eq3A_51 = arith.cmpi eq, %arg0, %eq3A_50 : i32
    %convert_element_type3A_52 = arith.extui %eq3A_51 : i1 to i32
    %cond3A_53 = arith.constant 0 : i32
    %cond3A_54 = arith.cmpi ne, %convert_element_type3A_52, %cond3A_53 : i32
    scf.if %cond3A_54 {
      "tpu.region"() ({
        %run_scoped3A = tpu.sem_alloc : memref<!tpu.dma_semaphore, #tpu.memory_space<semaphore_mem>>
        %dma_start3A_60 = arith.constant 0 : i32
        %dma_start3A_61 = tpu.memref_slice %arg6[%mul3A_7, %dma_start3A_60] : memref<10000x128xf32, #tpu.memory_space<hbm>> -> memref<624x128xf32, #tpu.memory_space<hbm>>
        %dma_start3A_62 = arith.constant 0 : i32
        %dma_start3A_63 = tpu.memref_slice %arg11[%mul3A_7, %dma_start3A_62] : memref<10064x128xf32, #tpu.memory_space<vmem_shared>> -> memref<624x128xf32, #tpu.memory_space<vmem_shared>>
        tpu.enqueue_dma source(%dma_start3A_63 : memref<624x128xf32, #tpu.memory_space<vmem_shared>>) target(%dma_start3A_61 : memref<624x128xf32, #tpu.memory_space<hbm>>) target_semaphore(%run_scoped3A : memref<!tpu.dma_semaphore, #tpu.memory_space<semaphore_mem>>)
        %dma_wait3A = arith.constant 0 : i32
        %dma_wait3A_64 = tpu.memref_slice %arg6[%mul3A_7, %dma_wait3A] : memref<10000x128xf32, #tpu.memory_space<hbm>> -> memref<624x128xf32, #tpu.memory_space<hbm>>
        %dma_wait3A_65 = arith.constant 0 : i32
        %dma_wait3A_66 = tpu.memref_slice %arg11[%mul3A_7, %dma_wait3A_65] : memref<10064x128xf32, #tpu.memory_space<vmem_shared>> -> memref<624x128xf32, #tpu.memory_space<vmem_shared>>
        tpu.wait_dma2 semaphore(%run_scoped3A : memref<!tpu.dma_semaphore, #tpu.memory_space<semaphore_mem>>) src(%dma_wait3A_66 : memref<624x128xf32, #tpu.memory_space<vmem_shared>>) dst(%dma_wait3A_64 : memref<624x128xf32, #tpu.memory_space<hbm>>)
        tpu.yield
      }) : () -> ()
      %eq3A_55 = arith.constant 15 : i32
      %eq3A_56 = arith.cmpi eq, %arg1, %eq3A_55 : i32
      %convert_element_type3A_57 = arith.extui %eq3A_56 : i1 to i32
      %cond3A_58 = arith.constant 0 : i32
      %cond3A_59 = arith.cmpi ne, %convert_element_type3A_57, %cond3A_58 : i32
      scf.if %cond3A_59 {
        "tpu.region"() ({
          %run_scoped3A = tpu.sem_alloc : memref<!tpu.dma_semaphore, #tpu.memory_space<semaphore_mem>>
          %dma_start3A_60 = arith.constant 9984 : i32
          %dma_start3A_61 = arith.constant 0 : i32
          %dma_start3A_62 = tpu.memref_slice %arg6[%dma_start3A_60, %dma_start3A_61] : memref<10000x128xf32, #tpu.memory_space<hbm>> -> memref<16x128xf32, #tpu.memory_space<hbm>>
          %dma_start3A_63 = arith.constant 9984 : i32
          %dma_start3A_64 = arith.constant 0 : i32
          %dma_start3A_65 = tpu.memref_slice %arg11[%dma_start3A_63, %dma_start3A_64] : memref<10064x128xf32, #tpu.memory_space<vmem_shared>> -> memref<16x128xf32, #tpu.memory_space<vmem_shared>>
          tpu.enqueue_dma source(%dma_start3A_65 : memref<16x128xf32, #tpu.memory_space<vmem_shared>>) target(%dma_start3A_62 : memref<16x128xf32, #tpu.memory_space<hbm>>) target_semaphore(%run_scoped3A : memref<!tpu.dma_semaphore, #tpu.memory_space<semaphore_mem>>)
          %dma_wait3A = arith.constant 9984 : i32
          %dma_wait3A_66 = arith.constant 0 : i32
          %dma_wait3A_67 = tpu.memref_slice %arg6[%dma_wait3A, %dma_wait3A_66] : memref<10000x128xf32, #tpu.memory_space<hbm>> -> memref<16x128xf32, #tpu.memory_space<hbm>>
          %dma_wait3A_68 = arith.constant 9984 : i32
          %dma_wait3A_69 = arith.constant 0 : i32
          %dma_wait3A_70 = tpu.memref_slice %arg11[%dma_wait3A_68, %dma_wait3A_69] : memref<10064x128xf32, #tpu.memory_space<vmem_shared>> -> memref<16x128xf32, #tpu.memory_space<vmem_shared>>
          tpu.wait_dma2 semaphore(%run_scoped3A : memref<!tpu.dma_semaphore, #tpu.memory_space<semaphore_mem>>) src(%dma_wait3A_70 : memref<16x128xf32, #tpu.memory_space<vmem_shared>>) dst(%dma_wait3A_67 : memref<16x128xf32, #tpu.memory_space<hbm>>)
          tpu.yield
        }) : () -> ()
      } else {
      }
    } else {
    }
    return
  }
}

#map = affine_map<(d0, d1) -> (0, 0)>
module attributes {stable_mosaic.version = 14 : i64} {
  func.func @body(%arg0: i32, %arg1: i32, %arg2: memref<10000x64xf32, #tpu.memory_space<hbm>>, %arg3: memref<5056x64xi32, #tpu.memory_space<hbm>>, %arg4: memref<5056x64xi32, #tpu.memory_space<hbm>>, %arg5: memref<10000x64xf32, #tpu.memory_space<hbm>>, %arg6: memref<10000x64xf32, #tpu.memory_space<hbm>>, %arg7: memref<158x64xi32, #tpu.memory_space<vmem>>, %arg8: memref<158x64xi32, #tpu.memory_space<vmem>>, %arg9: memref<64x64xf32, #tpu.memory_space<vmem>>, %arg10: memref<64x64xf32, #tpu.memory_space<vmem>>, %arg11: memref<10064x64xf32, #tpu.memory_space<vmem_shared>>, %arg12: memref<!tpu.dma_semaphore, #tpu.memory_space<semaphore_mem>>, %arg13: memref<!tpu.dma_semaphore, #tpu.memory_space<semaphore_mem>>) attributes {dimension_semantics = [#tpu.dimension_semantics<core_parallel>, #tpu.dimension_semantics<subcore_parallel>], iteration_bounds = array<i64: 2, 16>, scalar_prefetch = 0 : i64, scratch_operands = 7 : i64, tpu.core_type = #tpu.core_type<sc_vector_subcore>, window_params = [{transform_indices = #map}, {transform_indices = #map}, {transform_indices = #map}, {transform_indices = #map}, {transform_indices = #map}]} {
    %mul3A = arith.constant 16 : i32
    %mul3A_0 = arith.muli %arg0, %mul3A : i32
    %add3A = arith.addi %mul3A_0, %arg1 : i32
    %scan3A = arith.constant 0 : i32
    %scan3A_1 = arith.constant 0 : i32
    %scan3A_2 = arith.constant 256 : i32
    %scan3A_3 = arith.addi %scan3A_1, %scan3A_2 : i32
    %scan3A_4 = arith.constant 1 : i32
    scf.for %scan3A_55 = %scan3A_1 to %scan3A_3 step %scan3A_4  : i32 {
      %jit3A = arith.constant 4 : i32
      %div3A = arith.divsi %scan3A_55, %jit3A : i32
      %sign3A = arith.constant 0 : i32
      %sign3A_56 = arith.cmpi sgt, %scan3A_55, %sign3A : i32
      %sign3A_57 = arith.extui %sign3A_56 : i1 to i32
      %sign3A_58 = arith.constant 0 : i32
      %sign3A_59 = arith.cmpi slt, %scan3A_55, %sign3A_58 : i32
      %sign3A_60 = arith.extui %sign3A_59 : i1 to i32
      %sign3A_61 = arith.subi %sign3A_57, %sign3A_60 : i32
      %sign3A_62 = arith.constant 0 : i32
      %sign3A_63 = arith.cmpi sgt, %jit3A, %sign3A_62 : i32
      %sign3A_64 = arith.extui %sign3A_63 : i1 to i32
      %sign3A_65 = arith.constant 0 : i32
      %sign3A_66 = arith.cmpi slt, %jit3A, %sign3A_65 : i32
      %sign3A_67 = arith.extui %sign3A_66 : i1 to i32
      %sign3A_68 = arith.subi %sign3A_64, %sign3A_67 : i32
      %ne3A = arith.cmpi ne, %sign3A_61, %sign3A_68 : i32
      %rem3A = arith.remsi %scan3A_55, %jit3A : i32
      %ne3A_69 = arith.constant 0 : i32
      %ne3A_70 = arith.cmpi ne, %rem3A, %ne3A_69 : i32
      %and3A = arith.andi %ne3A, %ne3A_70 : i1
      %sub3A = arith.constant 1 : i32
      %sub3A_71 = arith.subi %div3A, %sub3A : i32
      %select_n3A = arith.select %and3A, %sub3A_71, %div3A : i32
      %jit3A_72 = arith.constant 4 : i32
      %eq3A_73 = arith.constant 0 : i32
      %eq3A_74 = arith.cmpi eq, %jit3A_72, %eq3A_73 : i32
      %jit3A_75 = arith.constant 1 : i32
      %select_n3A_76 = arith.select %eq3A_74, %jit3A_75, %jit3A_72 : i32
      %rem3A_77 = arith.remsi %scan3A_55, %select_n3A_76 : i32
      %ne3A_78 = arith.constant 0 : i32
      %ne3A_79 = arith.cmpi ne, %rem3A_77, %ne3A_78 : i32
      %lt3A = arith.constant 0 : i32
      %lt3A_80 = arith.cmpi slt, %rem3A_77, %lt3A : i32
      %lt3A_81 = arith.constant 0 : i32
      %lt3A_82 = arith.cmpi slt, %select_n3A_76, %lt3A_81 : i32
      %ne3A_83 = arith.xori %lt3A_80, %lt3A_82 : i1
      %and3A_84 = arith.andi %ne3A_83, %ne3A_79 : i1
      %add3A_85 = arith.addi %rem3A_77, %select_n3A_76 : i32
      %select_n3A_86 = arith.select %and3A_84, %add3A_85, %rem3A_77 : i32
      %mul3A_87 = arith.constant 16 : i32
      %mul3A_88 = arith.muli %select_n3A_86, %mul3A_87 : i32
      %broadcast_in_dim3A = arith.constant 0.000000e+00 : f32
      %broadcast_in_dim3A_89 = vector.broadcast %broadcast_in_dim3A : f32 to vector<16xf32>
      %swap3A = arith.index_cast %select_n3A : i32 to index
      %swap3A_90 = arith.index_cast %mul3A_88 : i32 to index
      %swap3A_91 = tpu.vector_load %arg9[%swap3A, %swap3A_90] {strides = array<i32>} : memref<64x64xf32, #tpu.memory_space<vmem>>, vector<1x16xf32>,
      %swap3A_92 = vector.shape_cast %swap3A_91 : vector<1x16xf32> to vector<16xf32>
      %swap3A_93 = vector.shape_cast %broadcast_in_dim3A_89 : vector<16xf32> to vector<1x16xf32>
      tpu.vector_store %arg9[%swap3A, %swap3A_90], %swap3A_93 {strides = array<i32>} : memref<64x64xf32, #tpu.memory_space<vmem>>, vector<1x16xf32>,
    }
    %scan3A_5 = arith.constant 256 : i32
    %mul3A_6 = arith.constant 624 : i32
    %mul3A_7 = arith.muli %arg1, %mul3A_6 : i32
    %add3A_8 = arith.constant 0 : i32
    %add3A_9 = arith.addi %mul3A_7, %add3A_8 : i32
    "tpu.region"() ({
      %run_scoped3A = tpu.sem_alloc : memref<!tpu.dma_semaphore, #tpu.memory_space<semaphore_mem>>
      %dma_start3A_55 = arith.constant 0 : i32
      %dma_start3A_56 = tpu.memref_slice %arg11[%add3A_9, %dma_start3A_55] : memref<10064x64xf32, #tpu.memory_space<vmem_shared>> -> memref<64x64xf32, #tpu.memory_space<vmem_shared>>
      %dma_start3A_57 = arith.constant 0 : i32
      %dma_start3A_58 = tpu.memref_slice %arg11[%add3A_9, %dma_start3A_57] : memref<10064x64xf32, #tpu.memory_space<vmem_shared>> -> memref<64x64xf32, #tpu.memory_space<vmem_shared>>
      tpu.enqueue_dma source(%arg9 : memref<64x64xf32, #tpu.memory_space<vmem>>) target(%dma_start3A_58 : memref<64x64xf32, #tpu.memory_space<vmem_shared>>) target_semaphore(%run_scoped3A : memref<!tpu.dma_semaphore, #tpu.memory_space<semaphore_mem>>)
      %dma_wait3A = arith.constant 0 : i32
      %dma_wait3A_59 = tpu.memref_slice %arg11[%add3A_9, %dma_wait3A] : memref<10064x64xf32, #tpu.memory_space<vmem_shared>> -> memref<64x64xf32, #tpu.memory_space<vmem_shared>>
      %dma_wait3A_60 = arith.constant 0 : i32
      %dma_wait3A_61 = tpu.memref_slice %arg11[%add3A_9, %dma_wait3A_60] : memref<10064x64xf32, #tpu.memory_space<vmem_shared>> -> memref<64x64xf32, #tpu.memory_space<vmem_shared>>
      tpu.wait_dma2 semaphore(%run_scoped3A : memref<!tpu.dma_semaphore, #tpu.memory_space<semaphore_mem>>) src(%arg9 : memref<64x64xf32, #tpu.memory_space<vmem>>) dst(%dma_wait3A_61 : memref<64x64xf32, #tpu.memory_space<vmem_shared>>)
      tpu.yield
    }) : () -> ()
    %add3A_10 = arith.constant 64 : i32
    %add3A_11 = arith.addi %mul3A_7, %add3A_10 : i32
    "tpu.region"() ({
      %run_scoped3A = tpu.sem_alloc : memref<!tpu.dma_semaphore, #tpu.memory_space<semaphore_mem>>
      %dma_start3A_55 = arith.constant 0 : i32
      %dma_start3A_56 = tpu.memref_slice %arg11[%add3A_11, %dma_start3A_55] : memref<10064x64xf32, #tpu.memory_space<vmem_shared>> -> memref<64x64xf32, #tpu.memory_space<vmem_shared>>
      %dma_start3A_57 = arith.constant 0 : i32
      %dma_start3A_58 = tpu.memref_slice %arg11[%add3A_11, %dma_start3A_57] : memref<10064x64xf32, #tpu.memory_space<vmem_shared>> -> memref<64x64xf32, #tpu.memory_space<vmem_shared>>
      tpu.enqueue_dma source(%arg9 : memref<64x64xf32, #tpu.memory_space<vmem>>) target(%dma_start3A_58 : memref<64x64xf32, #tpu.memory_space<vmem_shared>>) target_semaphore(%run_scoped3A : memref<!tpu.dma_semaphore, #tpu.memory_space<semaphore_mem>>)
      %dma_wait3A = arith.constant 0 : i32
      %dma_wait3A_59 = tpu.memref_slice %arg11[%add3A_11, %dma_wait3A] : memref<10064x64xf32, #tpu.memory_space<vmem_shared>> -> memref<64x64xf32, #tpu.memory_space<vmem_shared>>
      %dma_wait3A_60 = arith.constant 0 : i32
      %dma_wait3A_61 = tpu.memref_slice %arg11[%add3A_11, %dma_wait3A_60] : memref<10064x64xf32, #tpu.memory_space<vmem_shared>> -> memref<64x64xf32, #tpu.memory_space<vmem_shared>>
      tpu.wait_dma2 semaphore(%run_scoped3A : memref<!tpu.dma_semaphore, #tpu.memory_space<semaphore_mem>>) src(%arg9 : memref<64x64xf32, #tpu.memory_space<vmem>>) dst(%dma_wait3A_61 : memref<64x64xf32, #tpu.memory_space<vmem_shared>>)
      tpu.yield
    }) : () -> ()
    %add3A_12 = arith.constant 128 : i32
    %add3A_13 = arith.addi %mul3A_7, %add3A_12 : i32
    "tpu.region"() ({
      %run_scoped3A = tpu.sem_alloc : memref<!tpu.dma_semaphore, #tpu.memory_space<semaphore_mem>>
      %dma_start3A_55 = arith.constant 0 : i32
      %dma_start3A_56 = tpu.memref_slice %arg11[%add3A_13, %dma_start3A_55] : memref<10064x64xf32, #tpu.memory_space<vmem_shared>> -> memref<64x64xf32, #tpu.memory_space<vmem_shared>>
      %dma_start3A_57 = arith.constant 0 : i32
      %dma_start3A_58 = tpu.memref_slice %arg11[%add3A_13, %dma_start3A_57] : memref<10064x64xf32, #tpu.memory_space<vmem_shared>> -> memref<64x64xf32, #tpu.memory_space<vmem_shared>>
      tpu.enqueue_dma source(%arg9 : memref<64x64xf32, #tpu.memory_space<vmem>>) target(%dma_start3A_58 : memref<64x64xf32, #tpu.memory_space<vmem_shared>>) target_semaphore(%run_scoped3A : memref<!tpu.dma_semaphore, #tpu.memory_space<semaphore_mem>>)
      %dma_wait3A = arith.constant 0 : i32
      %dma_wait3A_59 = tpu.memref_slice %arg11[%add3A_13, %dma_wait3A] : memref<10064x64xf32, #tpu.memory_space<vmem_shared>> -> memref<64x64xf32, #tpu.memory_space<vmem_shared>>
      %dma_wait3A_60 = arith.constant 0 : i32
      %dma_wait3A_61 = tpu.memref_slice %arg11[%add3A_13, %dma_wait3A_60] : memref<10064x64xf32, #tpu.memory_space<vmem_shared>> -> memref<64x64xf32, #tpu.memory_space<vmem_shared>>
      tpu.wait_dma2 semaphore(%run_scoped3A : memref<!tpu.dma_semaphore, #tpu.memory_space<semaphore_mem>>) src(%arg9 : memref<64x64xf32, #tpu.memory_space<vmem>>) dst(%dma_wait3A_61 : memref<64x64xf32, #tpu.memory_space<vmem_shared>>)
      tpu.yield
    }) : () -> ()
    %add3A_14 = arith.constant 192 : i32
    %add3A_15 = arith.addi %mul3A_7, %add3A_14 : i32
    "tpu.region"() ({
      %run_scoped3A = tpu.sem_alloc : memref<!tpu.dma_semaphore, #tpu.memory_space<semaphore_mem>>
      %dma_start3A_55 = arith.constant 0 : i32
      %dma_start3A_56 = tpu.memref_slice %arg11[%add3A_15, %dma_start3A_55] : memref<10064x64xf32, #tpu.memory_space<vmem_shared>> -> memref<64x64xf32, #tpu.memory_space<vmem_shared>>
      %dma_start3A_57 = arith.constant 0 : i32
      %dma_start3A_58 = tpu.memref_slice %arg11[%add3A_15, %dma_start3A_57] : memref<10064x64xf32, #tpu.memory_space<vmem_shared>> -> memref<64x64xf32, #tpu.memory_space<vmem_shared>>
      tpu.enqueue_dma source(%arg9 : memref<64x64xf32, #tpu.memory_space<vmem>>) target(%dma_start3A_58 : memref<64x64xf32, #tpu.memory_space<vmem_shared>>) target_semaphore(%run_scoped3A : memref<!tpu.dma_semaphore, #tpu.memory_space<semaphore_mem>>)
      %dma_wait3A = arith.constant 0 : i32
      %dma_wait3A_59 = tpu.memref_slice %arg11[%add3A_15, %dma_wait3A] : memref<10064x64xf32, #tpu.memory_space<vmem_shared>> -> memref<64x64xf32, #tpu.memory_space<vmem_shared>>
      %dma_wait3A_60 = arith.constant 0 : i32
      %dma_wait3A_61 = tpu.memref_slice %arg11[%add3A_15, %dma_wait3A_60] : memref<10064x64xf32, #tpu.memory_space<vmem_shared>> -> memref<64x64xf32, #tpu.memory_space<vmem_shared>>
      tpu.wait_dma2 semaphore(%run_scoped3A : memref<!tpu.dma_semaphore, #tpu.memory_space<semaphore_mem>>) src(%arg9 : memref<64x64xf32, #tpu.memory_space<vmem>>) dst(%dma_wait3A_61 : memref<64x64xf32, #tpu.memory_space<vmem_shared>>)
      tpu.yield
    }) : () -> ()
    %add3A_16 = arith.constant 256 : i32
    %add3A_17 = arith.addi %mul3A_7, %add3A_16 : i32
    "tpu.region"() ({
      %run_scoped3A = tpu.sem_alloc : memref<!tpu.dma_semaphore, #tpu.memory_space<semaphore_mem>>
      %dma_start3A_55 = arith.constant 0 : i32
      %dma_start3A_56 = tpu.memref_slice %arg11[%add3A_17, %dma_start3A_55] : memref<10064x64xf32, #tpu.memory_space<vmem_shared>> -> memref<64x64xf32, #tpu.memory_space<vmem_shared>>
      %dma_start3A_57 = arith.constant 0 : i32
      %dma_start3A_58 = tpu.memref_slice %arg11[%add3A_17, %dma_start3A_57] : memref<10064x64xf32, #tpu.memory_space<vmem_shared>> -> memref<64x64xf32, #tpu.memory_space<vmem_shared>>
      tpu.enqueue_dma source(%arg9 : memref<64x64xf32, #tpu.memory_space<vmem>>) target(%dma_start3A_58 : memref<64x64xf32, #tpu.memory_space<vmem_shared>>) target_semaphore(%run_scoped3A : memref<!tpu.dma_semaphore, #tpu.memory_space<semaphore_mem>>)
      %dma_wait3A = arith.constant 0 : i32
      %dma_wait3A_59 = tpu.memref_slice %arg11[%add3A_17, %dma_wait3A] : memref<10064x64xf32, #tpu.memory_space<vmem_shared>> -> memref<64x64xf32, #tpu.memory_space<vmem_shared>>
      %dma_wait3A_60 = arith.constant 0 : i32
      %dma_wait3A_61 = tpu.memref_slice %arg11[%add3A_17, %dma_wait3A_60] : memref<10064x64xf32, #tpu.memory_space<vmem_shared>> -> memref<64x64xf32, #tpu.memory_space<vmem_shared>>
      tpu.wait_dma2 semaphore(%run_scoped3A : memref<!tpu.dma_semaphore, #tpu.memory_space<semaphore_mem>>) src(%arg9 : memref<64x64xf32, #tpu.memory_space<vmem>>) dst(%dma_wait3A_61 : memref<64x64xf32, #tpu.memory_space<vmem_shared>>)
      tpu.yield
    }) : () -> ()
    %add3A_18 = arith.constant 320 : i32
    %add3A_19 = arith.addi %mul3A_7, %add3A_18 : i32
    "tpu.region"() ({
      %run_scoped3A = tpu.sem_alloc : memref<!tpu.dma_semaphore, #tpu.memory_space<semaphore_mem>>
      %dma_start3A_55 = arith.constant 0 : i32
      %dma_start3A_56 = tpu.memref_slice %arg11[%add3A_19, %dma_start3A_55] : memref<10064x64xf32, #tpu.memory_space<vmem_shared>> -> memref<64x64xf32, #tpu.memory_space<vmem_shared>>
      %dma_start3A_57 = arith.constant 0 : i32
      %dma_start3A_58 = tpu.memref_slice %arg11[%add3A_19, %dma_start3A_57] : memref<10064x64xf32, #tpu.memory_space<vmem_shared>> -> memref<64x64xf32, #tpu.memory_space<vmem_shared>>
      tpu.enqueue_dma source(%arg9 : memref<64x64xf32, #tpu.memory_space<vmem>>) target(%dma_start3A_58 : memref<64x64xf32, #tpu.memory_space<vmem_shared>>) target_semaphore(%run_scoped3A : memref<!tpu.dma_semaphore, #tpu.memory_space<semaphore_mem>>)
      %dma_wait3A = arith.constant 0 : i32
      %dma_wait3A_59 = tpu.memref_slice %arg11[%add3A_19, %dma_wait3A] : memref<10064x64xf32, #tpu.memory_space<vmem_shared>> -> memref<64x64xf32, #tpu.memory_space<vmem_shared>>
      %dma_wait3A_60 = arith.constant 0 : i32
      %dma_wait3A_61 = tpu.memref_slice %arg11[%add3A_19, %dma_wait3A_60] : memref<10064x64xf32, #tpu.memory_space<vmem_shared>> -> memref<64x64xf32, #tpu.memory_space<vmem_shared>>
      tpu.wait_dma2 semaphore(%run_scoped3A : memref<!tpu.dma_semaphore, #tpu.memory_space<semaphore_mem>>) src(%arg9 : memref<64x64xf32, #tpu.memory_space<vmem>>) dst(%dma_wait3A_61 : memref<64x64xf32, #tpu.memory_space<vmem_shared>>)
      tpu.yield
    }) : () -> ()
    %add3A_20 = arith.constant 384 : i32
    %add3A_21 = arith.addi %mul3A_7, %add3A_20 : i32
    "tpu.region"() ({
      %run_scoped3A = tpu.sem_alloc : memref<!tpu.dma_semaphore, #tpu.memory_space<semaphore_mem>>
      %dma_start3A_55 = arith.constant 0 : i32
      %dma_start3A_56 = tpu.memref_slice %arg11[%add3A_21, %dma_start3A_55] : memref<10064x64xf32, #tpu.memory_space<vmem_shared>> -> memref<64x64xf32, #tpu.memory_space<vmem_shared>>
      %dma_start3A_57 = arith.constant 0 : i32
      %dma_start3A_58 = tpu.memref_slice %arg11[%add3A_21, %dma_start3A_57] : memref<10064x64xf32, #tpu.memory_space<vmem_shared>> -> memref<64x64xf32, #tpu.memory_space<vmem_shared>>
      tpu.enqueue_dma source(%arg9 : memref<64x64xf32, #tpu.memory_space<vmem>>) target(%dma_start3A_58 : memref<64x64xf32, #tpu.memory_space<vmem_shared>>) target_semaphore(%run_scoped3A : memref<!tpu.dma_semaphore, #tpu.memory_space<semaphore_mem>>)
      %dma_wait3A = arith.constant 0 : i32
      %dma_wait3A_59 = tpu.memref_slice %arg11[%add3A_21, %dma_wait3A] : memref<10064x64xf32, #tpu.memory_space<vmem_shared>> -> memref<64x64xf32, #tpu.memory_space<vmem_shared>>
      %dma_wait3A_60 = arith.constant 0 : i32
      %dma_wait3A_61 = tpu.memref_slice %arg11[%add3A_21, %dma_wait3A_60] : memref<10064x64xf32, #tpu.memory_space<vmem_shared>> -> memref<64x64xf32, #tpu.memory_space<vmem_shared>>
      tpu.wait_dma2 semaphore(%run_scoped3A : memref<!tpu.dma_semaphore, #tpu.memory_space<semaphore_mem>>) src(%arg9 : memref<64x64xf32, #tpu.memory_space<vmem>>) dst(%dma_wait3A_61 : memref<64x64xf32, #tpu.memory_space<vmem_shared>>)
      tpu.yield
    }) : () -> ()
    %add3A_22 = arith.constant 448 : i32
    %add3A_23 = arith.addi %mul3A_7, %add3A_22 : i32
    "tpu.region"() ({
      %run_scoped3A = tpu.sem_alloc : memref<!tpu.dma_semaphore, #tpu.memory_space<semaphore_mem>>
      %dma_start3A_55 = arith.constant 0 : i32
      %dma_start3A_56 = tpu.memref_slice %arg11[%add3A_23, %dma_start3A_55] : memref<10064x64xf32, #tpu.memory_space<vmem_shared>> -> memref<64x64xf32, #tpu.memory_space<vmem_shared>>
      %dma_start3A_57 = arith.constant 0 : i32
      %dma_start3A_58 = tpu.memref_slice %arg11[%add3A_23, %dma_start3A_57] : memref<10064x64xf32, #tpu.memory_space<vmem_shared>> -> memref<64x64xf32, #tpu.memory_space<vmem_shared>>
      tpu.enqueue_dma source(%arg9 : memref<64x64xf32, #tpu.memory_space<vmem>>) target(%dma_start3A_58 : memref<64x64xf32, #tpu.memory_space<vmem_shared>>) target_semaphore(%run_scoped3A : memref<!tpu.dma_semaphore, #tpu.memory_space<semaphore_mem>>)
      %dma_wait3A = arith.constant 0 : i32
      %dma_wait3A_59 = tpu.memref_slice %arg11[%add3A_23, %dma_wait3A] : memref<10064x64xf32, #tpu.memory_space<vmem_shared>> -> memref<64x64xf32, #tpu.memory_space<vmem_shared>>
      %dma_wait3A_60 = arith.constant 0 : i32
      %dma_wait3A_61 = tpu.memref_slice %arg11[%add3A_23, %dma_wait3A_60] : memref<10064x64xf32, #tpu.memory_space<vmem_shared>> -> memref<64x64xf32, #tpu.memory_space<vmem_shared>>
      tpu.wait_dma2 semaphore(%run_scoped3A : memref<!tpu.dma_semaphore, #tpu.memory_space<semaphore_mem>>) src(%arg9 : memref<64x64xf32, #tpu.memory_space<vmem>>) dst(%dma_wait3A_61 : memref<64x64xf32, #tpu.memory_space<vmem_shared>>)
      tpu.yield
    }) : () -> ()
    %add3A_24 = arith.constant 512 : i32
    %add3A_25 = arith.addi %mul3A_7, %add3A_24 : i32
    "tpu.region"() ({
      %run_scoped3A = tpu.sem_alloc : memref<!tpu.dma_semaphore, #tpu.memory_space<semaphore_mem>>
      %dma_start3A_55 = arith.constant 0 : i32
      %dma_start3A_56 = tpu.memref_slice %arg11[%add3A_25, %dma_start3A_55] : memref<10064x64xf32, #tpu.memory_space<vmem_shared>> -> memref<64x64xf32, #tpu.memory_space<vmem_shared>>
      %dma_start3A_57 = arith.constant 0 : i32
      %dma_start3A_58 = tpu.memref_slice %arg11[%add3A_25, %dma_start3A_57] : memref<10064x64xf32, #tpu.memory_space<vmem_shared>> -> memref<64x64xf32, #tpu.memory_space<vmem_shared>>
      tpu.enqueue_dma source(%arg9 : memref<64x64xf32, #tpu.memory_space<vmem>>) target(%dma_start3A_58 : memref<64x64xf32, #tpu.memory_space<vmem_shared>>) target_semaphore(%run_scoped3A : memref<!tpu.dma_semaphore, #tpu.memory_space<semaphore_mem>>)
      %dma_wait3A = arith.constant 0 : i32
      %dma_wait3A_59 = tpu.memref_slice %arg11[%add3A_25, %dma_wait3A] : memref<10064x64xf32, #tpu.memory_space<vmem_shared>> -> memref<64x64xf32, #tpu.memory_space<vmem_shared>>
      %dma_wait3A_60 = arith.constant 0 : i32
      %dma_wait3A_61 = tpu.memref_slice %arg11[%add3A_25, %dma_wait3A_60] : memref<10064x64xf32, #tpu.memory_space<vmem_shared>> -> memref<64x64xf32, #tpu.memory_space<vmem_shared>>
      tpu.wait_dma2 semaphore(%run_scoped3A : memref<!tpu.dma_semaphore, #tpu.memory_space<semaphore_mem>>) src(%arg9 : memref<64x64xf32, #tpu.memory_space<vmem>>) dst(%dma_wait3A_61 : memref<64x64xf32, #tpu.memory_space<vmem_shared>>)
      tpu.yield
    }) : () -> ()
    %add3A_26 = arith.constant 576 : i32
    %add3A_27 = arith.addi %mul3A_7, %add3A_26 : i32
    "tpu.region"() ({
      %run_scoped3A = tpu.sem_alloc : memref<!tpu.dma_semaphore, #tpu.memory_space<semaphore_mem>>
      %dma_start3A_55 = arith.constant 0 : i32
      %dma_start3A_56 = arith.constant 0 : i32
      %dma_start3A_57 = tpu.memref_slice %arg9[%dma_start3A_55, %dma_start3A_56] : memref<64x64xf32, #tpu.memory_space<vmem>> -> memref<48x64xf32, #tpu.memory_space<vmem>>
      %dma_start3A_58 = arith.constant 0 : i32
      %dma_start3A_59 = tpu.memref_slice %arg11[%add3A_27, %dma_start3A_58] : memref<10064x64xf32, #tpu.memory_space<vmem_shared>> -> memref<48x64xf32, #tpu.memory_space<vmem_shared>>
      %dma_start3A_60 = arith.constant 0 : i32
      %dma_start3A_61 = tpu.memref_slice %arg11[%add3A_27, %dma_start3A_60] : memref<10064x64xf32, #tpu.memory_space<vmem_shared>> -> memref<48x64xf32, #tpu.memory_space<vmem_shared>>
      %dma_start3A_62 = arith.constant 0 : i32
      %dma_start3A_63 = arith.constant 0 : i32
      %dma_start3A_64 = tpu.memref_slice %arg9[%dma_start3A_62, %dma_start3A_63] : memref<64x64xf32, #tpu.memory_space<vmem>> -> memref<48x64xf32, #tpu.memory_space<vmem>>
      tpu.enqueue_dma source(%dma_start3A_64 : memref<48x64xf32, #tpu.memory_space<vmem>>) target(%dma_start3A_61 : memref<48x64xf32, #tpu.memory_space<vmem_shared>>) target_semaphore(%run_scoped3A : memref<!tpu.dma_semaphore, #tpu.memory_space<semaphore_mem>>)
      %dma_wait3A = arith.constant 0 : i32
      %dma_wait3A_65 = arith.constant 0 : i32
      %dma_wait3A_66 = tpu.memref_slice %arg9[%dma_wait3A, %dma_wait3A_65] : memref<64x64xf32, #tpu.memory_space<vmem>> -> memref<48x64xf32, #tpu.memory_space<vmem>>
      %dma_wait3A_67 = arith.constant 0 : i32
      %dma_wait3A_68 = tpu.memref_slice %arg11[%add3A_27, %dma_wait3A_67] : memref<10064x64xf32, #tpu.memory_space<vmem_shared>> -> memref<48x64xf32, #tpu.memory_space<vmem_shared>>
      %dma_wait3A_69 = arith.constant 0 : i32
      %dma_wait3A_70 = tpu.memref_slice %arg11[%add3A_27, %dma_wait3A_69] : memref<10064x64xf32, #tpu.memory_space<vmem_shared>> -> memref<48x64xf32, #tpu.memory_space<vmem_shared>>
      %dma_wait3A_71 = arith.constant 0 : i32
      %dma_wait3A_72 = arith.constant 0 : i32
      %dma_wait3A_73 = tpu.memref_slice %arg9[%dma_wait3A_71, %dma_wait3A_72] : memref<64x64xf32, #tpu.memory_space<vmem>> -> memref<48x64xf32, #tpu.memory_space<vmem>>
      tpu.wait_dma2 semaphore(%run_scoped3A : memref<!tpu.dma_semaphore, #tpu.memory_space<semaphore_mem>>) src(%dma_wait3A_73 : memref<48x64xf32, #tpu.memory_space<vmem>>) dst(%dma_wait3A_70 : memref<48x64xf32, #tpu.memory_space<vmem_shared>>)
      tpu.yield
    }) : () -> ()
    %eq3A = arith.constant 15 : i32
    %eq3A_28 = arith.cmpi eq, %arg1, %eq3A : i32
    %convert_element_type3A = arith.extui %eq3A_28 : i1 to i32
    %cond3A = arith.constant 0 : i32
    %cond3A_29 = arith.cmpi ne, %convert_element_type3A, %cond3A : i32
    scf.if %cond3A_29 {
      "tpu.region"() ({
        %run_scoped3A = tpu.sem_alloc : memref<!tpu.dma_semaphore, #tpu.memory_space<semaphore_mem>>
        %dma_start3A_55 = arith.constant 0 : i32
        %dma_start3A_56 = arith.constant 0 : i32
        %dma_start3A_57 = tpu.memref_slice %arg9[%dma_start3A_55, %dma_start3A_56] : memref<64x64xf32, #tpu.memory_space<vmem>> -> memref<16x64xf32, #tpu.memory_space<vmem>>
        %dma_start3A_58 = arith.constant 9984 : i32
        %dma_start3A_59 = arith.constant 0 : i32
        %dma_start3A_60 = tpu.memref_slice %arg11[%dma_start3A_58, %dma_start3A_59] : memref<10064x64xf32, #tpu.memory_space<vmem_shared>> -> memref<16x64xf32, #tpu.memory_space<vmem_shared>>
        %dma_start3A_61 = arith.constant 9984 : i32
        %dma_start3A_62 = arith.constant 0 : i32
        %dma_start3A_63 = tpu.memref_slice %arg11[%dma_start3A_61, %dma_start3A_62] : memref<10064x64xf32, #tpu.memory_space<vmem_shared>> -> memref<16x64xf32, #tpu.memory_space<vmem_shared>>
        %dma_start3A_64 = arith.constant 0 : i32
        %dma_start3A_65 = arith.constant 0 : i32
        %dma_start3A_66 = tpu.memref_slice %arg9[%dma_start3A_64, %dma_start3A_65] : memref<64x64xf32, #tpu.memory_space<vmem>> -> memref<16x64xf32, #tpu.memory_space<vmem>>
        tpu.enqueue_dma source(%dma_start3A_66 : memref<16x64xf32, #tpu.memory_space<vmem>>) target(%dma_start3A_63 : memref<16x64xf32, #tpu.memory_space<vmem_shared>>) target_semaphore(%run_scoped3A : memref<!tpu.dma_semaphore, #tpu.memory_space<semaphore_mem>>)
        %dma_wait3A = arith.constant 0 : i32
        %dma_wait3A_67 = arith.constant 0 : i32
        %dma_wait3A_68 = tpu.memref_slice %arg9[%dma_wait3A, %dma_wait3A_67] : memref<64x64xf32, #tpu.memory_space<vmem>> -> memref<16x64xf32, #tpu.memory_space<vmem>>
        %dma_wait3A_69 = arith.constant 9984 : i32
        %dma_wait3A_70 = arith.constant 0 : i32
        %dma_wait3A_71 = tpu.memref_slice %arg11[%dma_wait3A_69, %dma_wait3A_70] : memref<10064x64xf32, #tpu.memory_space<vmem_shared>> -> memref<16x64xf32, #tpu.memory_space<vmem_shared>>
        %dma_wait3A_72 = arith.constant 9984 : i32
        %dma_wait3A_73 = arith.constant 0 : i32
        %dma_wait3A_74 = tpu.memref_slice %arg11[%dma_wait3A_72, %dma_wait3A_73] : memref<10064x64xf32, #tpu.memory_space<vmem_shared>> -> memref<16x64xf32, #tpu.memory_space<vmem_shared>>
        %dma_wait3A_75 = arith.constant 0 : i32
        %dma_wait3A_76 = arith.constant 0 : i32
        %dma_wait3A_77 = tpu.memref_slice %arg9[%dma_wait3A_75, %dma_wait3A_76] : memref<64x64xf32, #tpu.memory_space<vmem>> -> memref<16x64xf32, #tpu.memory_space<vmem>>
        tpu.wait_dma2 semaphore(%run_scoped3A : memref<!tpu.dma_semaphore, #tpu.memory_space<semaphore_mem>>) src(%dma_wait3A_77 : memref<16x64xf32, #tpu.memory_space<vmem>>) dst(%dma_wait3A_74 : memref<16x64xf32, #tpu.memory_space<vmem_shared>>)
        tpu.yield
      }) : () -> ()
    } else {
    }
    %barrier3A = arith.constant 0 : index
    tpu.barrier barrier_id(%barrier3A)
    %mul3A_30 = arith.constant 158 : i32
    %mul3A_31 = arith.muli %add3A, %mul3A_30 : i32
    "tpu.region"() ({
      %run_scoped3A = tpu.sem_alloc : memref<!tpu.dma_semaphore, #tpu.memory_space<semaphore_mem>>
      %dma_start3A_55 = arith.constant 0 : i32
      %dma_start3A_56 = tpu.memref_slice %arg3[%mul3A_31, %dma_start3A_55] : memref<5056x64xi32, #tpu.memory_space<hbm>> -> memref<158x64xi32, #tpu.memory_space<hbm>>
      %dma_start3A_57 = arith.constant 0 : i32
      %dma_start3A_58 = tpu.memref_slice %arg3[%mul3A_31, %dma_start3A_57] : memref<5056x64xi32, #tpu.memory_space<hbm>> -> memref<158x64xi32, #tpu.memory_space<hbm>>
      tpu.enqueue_dma source(%dma_start3A_58 : memref<158x64xi32, #tpu.memory_space<hbm>>) target(%arg7 : memref<158x64xi32, #tpu.memory_space<vmem>>) target_semaphore(%run_scoped3A : memref<!tpu.dma_semaphore, #tpu.memory_space<semaphore_mem>>)
      %dma_wait3A = arith.constant 0 : i32
      %dma_wait3A_59 = tpu.memref_slice %arg3[%mul3A_31, %dma_wait3A] : memref<5056x64xi32, #tpu.memory_space<hbm>> -> memref<158x64xi32, #tpu.memory_space<hbm>>
      %dma_wait3A_60 = arith.constant 0 : i32
      %dma_wait3A_61 = tpu.memref_slice %arg3[%mul3A_31, %dma_wait3A_60] : memref<5056x64xi32, #tpu.memory_space<hbm>> -> memref<158x64xi32, #tpu.memory_space<hbm>>
      tpu.wait_dma2 semaphore(%run_scoped3A : memref<!tpu.dma_semaphore, #tpu.memory_space<semaphore_mem>>) src(%dma_wait3A_61 : memref<158x64xi32, #tpu.memory_space<hbm>>) dst(%arg7 : memref<158x64xi32, #tpu.memory_space<vmem>>)
      tpu.yield
    }) : () -> ()
    "tpu.region"() ({
      %run_scoped3A = tpu.sem_alloc : memref<!tpu.dma_semaphore, #tpu.memory_space<semaphore_mem>>
      %dma_start3A_55 = arith.constant 0 : i32
      %dma_start3A_56 = tpu.memref_slice %arg4[%mul3A_31, %dma_start3A_55] : memref<5056x64xi32, #tpu.memory_space<hbm>> -> memref<158x64xi32, #tpu.memory_space<hbm>>
      %dma_start3A_57 = arith.constant 0 : i32
      %dma_start3A_58 = tpu.memref_slice %arg4[%mul3A_31, %dma_start3A_57] : memref<5056x64xi32, #tpu.memory_space<hbm>> -> memref<158x64xi32, #tpu.memory_space<hbm>>
      tpu.enqueue_dma source(%dma_start3A_58 : memref<158x64xi32, #tpu.memory_space<hbm>>) target(%arg8 : memref<158x64xi32, #tpu.memory_space<vmem>>) target_semaphore(%run_scoped3A : memref<!tpu.dma_semaphore, #tpu.memory_space<semaphore_mem>>)
      %dma_wait3A = arith.constant 0 : i32
      %dma_wait3A_59 = tpu.memref_slice %arg4[%mul3A_31, %dma_wait3A] : memref<5056x64xi32, #tpu.memory_space<hbm>> -> memref<158x64xi32, #tpu.memory_space<hbm>>
      %dma_wait3A_60 = arith.constant 0 : i32
      %dma_wait3A_61 = tpu.memref_slice %arg4[%mul3A_31, %dma_wait3A_60] : memref<5056x64xi32, #tpu.memory_space<hbm>> -> memref<158x64xi32, #tpu.memory_space<hbm>>
      tpu.wait_dma2 semaphore(%run_scoped3A : memref<!tpu.dma_semaphore, #tpu.memory_space<semaphore_mem>>) src(%dma_wait3A_61 : memref<158x64xi32, #tpu.memory_space<hbm>>) dst(%arg8 : memref<158x64xi32, #tpu.memory_space<vmem>>)
      tpu.yield
    }) : () -> ()
    %dma_start3A = arith.constant 0 : i32
    %dma_start3A_32 = arith.constant 0 : i32
    %dma_start3A_33 = tpu.memref_slice %arg7[%dma_start3A, %dma_start3A_32] : memref<158x64xi32, #tpu.memory_space<vmem>> -> memref<1x64xi32, #tpu.memory_space<vmem>>
    %dma_start3A_34 = tpu.memref_squeeze %dma_start3A_33 : memref<1x64xi32, #tpu.memory_space<vmem>> -> memref<64xi32, #tpu.memory_space<vmem>>
    %dma_start3A_35 = arith.constant 0 : i32
    %dma_start3A_36 = arith.constant 0 : i32
    %dma_start3A_37 = tpu.memref_slice %arg2[%dma_start3A_35, %dma_start3A_36] : memref<10000x64xf32, #tpu.memory_space<hbm>> -> memref<10000x64xf32, #tpu.memory_space<hbm>>
    tpu.enqueue_indirect_dma source(%dma_start3A_37 : memref<10000x64xf32, #tpu.memory_space<hbm>>) target(%arg9 : memref<64x64xf32, #tpu.memory_space<vmem>>) offsets(%dma_start3A_34 : memref<64xi32, #tpu.memory_space<vmem>>) semaphore(%arg12 : memref<!tpu.dma_semaphore, #tpu.memory_space<semaphore_mem>>)
    %scan3A_38 = arith.constant 0 : i32
    %scan3A_39 = arith.constant 0 : i32
    %scan3A_40 = arith.constant 79 : i32
    %scan3A_41 = arith.addi %scan3A_39, %scan3A_40 : i32
    %scan3A_42 = arith.constant 1 : i32
    scf.for %scan3A_55 = %scan3A_39 to %scan3A_41 step %scan3A_42  : i32 {
      %mul3A_56 = arith.constant 2 : i32
      %mul3A_57 = arith.muli %mul3A_56, %scan3A_55 : i32
      %add3A_58 = arith.constant 1 : i32
      %add3A_59 = arith.addi %mul3A_57, %add3A_58 : i32
      %dma_start3A_60 = arith.constant 0 : i32
      %dma_start3A_61 = tpu.memref_slice %arg7[%add3A_59, %dma_start3A_60] : memref<158x64xi32, #tpu.memory_space<vmem>> -> memref<1x64xi32, #tpu.memory_space<vmem>>
      %dma_start3A_62 = tpu.memref_squeeze %dma_start3A_61 : memref<1x64xi32, #tpu.memory_space<vmem>> -> memref<64xi32, #tpu.memory_space<vmem>>
      %dma_start3A_63 = arith.constant 0 : i32
      %dma_start3A_64 = arith.constant 0 : i32
      %dma_start3A_65 = tpu.memref_slice %arg2[%dma_start3A_63, %dma_start3A_64] : memref<10000x64xf32, #tpu.memory_space<hbm>> -> memref<10000x64xf32, #tpu.memory_space<hbm>>
      tpu.enqueue_indirect_dma source(%dma_start3A_65 : memref<10000x64xf32, #tpu.memory_space<hbm>>) target(%arg10 : memref<64x64xf32, #tpu.memory_space<vmem>>) offsets(%dma_start3A_62 : memref<64xi32, #tpu.memory_space<vmem>>) semaphore(%arg13 : memref<!tpu.dma_semaphore, #tpu.memory_space<semaphore_mem>>)
      %dma_wait3A = arith.constant 0 : i32
      %dma_wait3A_66 = tpu.memref_slice %arg7[%mul3A_57, %dma_wait3A] : memref<158x64xi32, #tpu.memory_space<vmem>> -> memref<1x64xi32, #tpu.memory_space<vmem>>
      %dma_wait3A_67 = tpu.memref_squeeze %dma_wait3A_66 : memref<1x64xi32, #tpu.memory_space<vmem>> -> memref<64xi32, #tpu.memory_space<vmem>>
      %dma_wait3A_68 = arith.constant 0 : i32
      %dma_wait3A_69 = arith.constant 0 : i32
      %dma_wait3A_70 = tpu.memref_slice %arg2[%dma_wait3A_68, %dma_wait3A_69] : memref<10000x64xf32, #tpu.memory_space<hbm>> -> memref<10000x64xf32, #tpu.memory_space<hbm>>
      tpu.wait_indirect_dma semaphore(%arg12 : memref<!tpu.dma_semaphore, #tpu.memory_space<semaphore_mem>>) src(%dma_wait3A_70 : memref<10000x64xf32, #tpu.memory_space<hbm>>) dst(%arg9 : memref<64x64xf32, #tpu.memory_space<vmem>>)
      "tpu.region"() ({
        %run_scoped3A = tpu.sem_alloc : memref<!tpu.dma_semaphore, #tpu.memory_space<semaphore_mem>>
        %dma_start3A_83 = arith.constant 0 : i32
        %dma_start3A_84 = tpu.memref_slice %arg8[%mul3A_57, %dma_start3A_83] : memref<158x64xi32, #tpu.memory_space<vmem>> -> memref<1x64xi32, #tpu.memory_space<vmem>>
        %dma_start3A_85 = tpu.memref_squeeze %dma_start3A_84 : memref<1x64xi32, #tpu.memory_space<vmem>> -> memref<64xi32, #tpu.memory_space<vmem>>
        %dma_start3A_86 = arith.constant 0 : i32
        %dma_start3A_87 = arith.constant 0 : i32
        %dma_start3A_88 = tpu.memref_slice %arg11[%dma_start3A_86, %dma_start3A_87] : memref<10064x64xf32, #tpu.memory_space<vmem_shared>> -> memref<10064x64xf32, #tpu.memory_space<vmem_shared>>
        tpu.enqueue_indirect_dma source(%arg9 : memref<64x64xf32, #tpu.memory_space<vmem>>) target(%dma_start3A_88 : memref<10064x64xf32, #tpu.memory_space<vmem_shared>>) offsets(%dma_start3A_85 : memref<64xi32, #tpu.memory_space<vmem>>) semaphore(%run_scoped3A : memref<!tpu.dma_semaphore, #tpu.memory_space<semaphore_mem>>) {add = true}
        %dma_wait3A_89 = arith.constant 0 : i32
        %dma_wait3A_90 = tpu.memref_slice %arg8[%mul3A_57, %dma_wait3A_89] : memref<158x64xi32, #tpu.memory_space<vmem>> -> memref<1x64xi32, #tpu.memory_space<vmem>>
        %dma_wait3A_91 = tpu.memref_squeeze %dma_wait3A_90 : memref<1x64xi32, #tpu.memory_space<vmem>> -> memref<64xi32, #tpu.memory_space<vmem>>
        %dma_wait3A_92 = arith.constant 0 : i32
        %dma_wait3A_93 = arith.constant 0 : i32
        %dma_wait3A_94 = tpu.memref_slice %arg11[%dma_wait3A_92, %dma_wait3A_93] : memref<10064x64xf32, #tpu.memory_space<vmem_shared>> -> memref<10064x64xf32, #tpu.memory_space<vmem_shared>>
        tpu.wait_indirect_dma semaphore(%run_scoped3A : memref<!tpu.dma_semaphore, #tpu.memory_space<semaphore_mem>>) src(%arg9 : memref<64x64xf32, #tpu.memory_space<vmem>>) dst(%dma_wait3A_94 : memref<10064x64xf32, #tpu.memory_space<vmem_shared>>)
        tpu.yield
      }) : () -> ()
      %lt3A = arith.constant 78 : i32
      %lt3A_71 = arith.cmpi slt, %scan3A_55, %lt3A : i32
      %convert_element_type3A_72 = arith.extui %lt3A_71 : i1 to i32
      %cond3A_73 = arith.constant 0 : i32
      %cond3A_74 = arith.cmpi ne, %convert_element_type3A_72, %cond3A_73 : i32
      scf.if %cond3A_74 {
        %add3A_83 = arith.constant 2 : i32
        %add3A_84 = arith.addi %mul3A_57, %add3A_83 : i32
        %dma_start3A_85 = arith.constant 0 : i32
        %dma_start3A_86 = tpu.memref_slice %arg7[%add3A_84, %dma_start3A_85] : memref<158x64xi32, #tpu.memory_space<vmem>> -> memref<1x64xi32, #tpu.memory_space<vmem>>
        %dma_start3A_87 = tpu.memref_squeeze %dma_start3A_86 : memref<1x64xi32, #tpu.memory_space<vmem>> -> memref<64xi32, #tpu.memory_space<vmem>>
        %dma_start3A_88 = arith.constant 0 : i32
        %dma_start3A_89 = arith.constant 0 : i32
        %dma_start3A_90 = tpu.memref_slice %arg2[%dma_start3A_88, %dma_start3A_89] : memref<10000x64xf32, #tpu.memory_space<hbm>> -> memref<10000x64xf32, #tpu.memory_space<hbm>>
        tpu.enqueue_indirect_dma source(%dma_start3A_90 : memref<10000x64xf32, #tpu.memory_space<hbm>>) target(%arg9 : memref<64x64xf32, #tpu.memory_space<vmem>>) offsets(%dma_start3A_87 : memref<64xi32, #tpu.memory_space<vmem>>) semaphore(%arg12 : memref<!tpu.dma_semaphore, #tpu.memory_space<semaphore_mem>>)
      } else {
      }
      %dma_wait3A_75 = arith.constant 0 : i32
      %dma_wait3A_76 = tpu.memref_slice %arg7[%add3A_59, %dma_wait3A_75] : memref<158x64xi32, #tpu.memory_space<vmem>> -> memref<1x64xi32, #tpu.memory_space<vmem>>
      %dma_wait3A_77 = tpu.memref_squeeze %dma_wait3A_76 : memref<1x64xi32, #tpu.memory_space<vmem>> -> memref<64xi32, #tpu.memory_space<vmem>>
      %dma_wait3A_78 = arith.constant 0 : i32
      %dma_wait3A_79 = arith.constant 0 : i32
      %dma_wait3A_80 = tpu.memref_slice %arg2[%dma_wait3A_78, %dma_wait3A_79] : memref<10000x64xf32, #tpu.memory_space<hbm>> -> memref<10000x64xf32, #tpu.memory_space<hbm>>
      tpu.wait_indirect_dma semaphore(%arg13 : memref<!tpu.dma_semaphore, #tpu.memory_space<semaphore_mem>>) src(%dma_wait3A_80 : memref<10000x64xf32, #tpu.memory_space<hbm>>) dst(%arg10 : memref<64x64xf32, #tpu.memory_space<vmem>>)
      %add3A_81 = arith.constant 1 : i32
      %add3A_82 = arith.addi %mul3A_57, %add3A_81 : i32
      "tpu.region"() ({
        %run_scoped3A = tpu.sem_alloc : memref<!tpu.dma_semaphore, #tpu.memory_space<semaphore_mem>>
        %dma_start3A_83 = arith.constant 0 : i32
        %dma_start3A_84 = tpu.memref_slice %arg8[%add3A_82, %dma_start3A_83] : memref<158x64xi32, #tpu.memory_space<vmem>> -> memref<1x64xi32, #tpu.memory_space<vmem>>
        %dma_start3A_85 = tpu.memref_squeeze %dma_start3A_84 : memref<1x64xi32, #tpu.memory_space<vmem>> -> memref<64xi32, #tpu.memory_space<vmem>>
        %dma_start3A_86 = arith.constant 0 : i32
        %dma_start3A_87 = arith.constant 0 : i32
        %dma_start3A_88 = tpu.memref_slice %arg11[%dma_start3A_86, %dma_start3A_87] : memref<10064x64xf32, #tpu.memory_space<vmem_shared>> -> memref<10064x64xf32, #tpu.memory_space<vmem_shared>>
        tpu.enqueue_indirect_dma source(%arg10 : memref<64x64xf32, #tpu.memory_space<vmem>>) target(%dma_start3A_88 : memref<10064x64xf32, #tpu.memory_space<vmem_shared>>) offsets(%dma_start3A_85 : memref<64xi32, #tpu.memory_space<vmem>>) semaphore(%run_scoped3A : memref<!tpu.dma_semaphore, #tpu.memory_space<semaphore_mem>>) {add = true}
        %dma_wait3A_89 = arith.constant 0 : i32
        %dma_wait3A_90 = tpu.memref_slice %arg8[%add3A_82, %dma_wait3A_89] : memref<158x64xi32, #tpu.memory_space<vmem>> -> memref<1x64xi32, #tpu.memory_space<vmem>>
        %dma_wait3A_91 = tpu.memref_squeeze %dma_wait3A_90 : memref<1x64xi32, #tpu.memory_space<vmem>> -> memref<64xi32, #tpu.memory_space<vmem>>
        %dma_wait3A_92 = arith.constant 0 : i32
        %dma_wait3A_93 = arith.constant 0 : i32
        %dma_wait3A_94 = tpu.memref_slice %arg11[%dma_wait3A_92, %dma_wait3A_93] : memref<10064x64xf32, #tpu.memory_space<vmem_shared>> -> memref<10064x64xf32, #tpu.memory_space<vmem_shared>>
        tpu.wait_indirect_dma semaphore(%run_scoped3A : memref<!tpu.dma_semaphore, #tpu.memory_space<semaphore_mem>>) src(%arg10 : memref<64x64xf32, #tpu.memory_space<vmem>>) dst(%dma_wait3A_94 : memref<10064x64xf32, #tpu.memory_space<vmem_shared>>)
        tpu.yield
      }) : () -> ()
    }
    %scan3A_43 = arith.constant 79 : i32
    %barrier3A_44 = arith.constant 0 : index
    tpu.barrier barrier_id(%barrier3A_44)
    %eq3A_45 = arith.constant 0 : i32
    %eq3A_46 = arith.cmpi eq, %arg0, %eq3A_45 : i32
    %convert_element_type3A_47 = arith.extui %eq3A_46 : i1 to i32
    %cond3A_48 = arith.constant 0 : i32
    %cond3A_49 = arith.cmpi ne, %convert_element_type3A_47, %cond3A_48 : i32
    scf.if %cond3A_49 {
      "tpu.region"() ({
        %run_scoped3A = tpu.sem_alloc : memref<!tpu.dma_semaphore, #tpu.memory_space<semaphore_mem>>
        %dma_start3A_60 = arith.constant 0 : i32
        %dma_start3A_61 = tpu.memref_slice %arg5[%mul3A_7, %dma_start3A_60] : memref<10000x64xf32, #tpu.memory_space<hbm>> -> memref<624x64xf32, #tpu.memory_space<hbm>>
        %dma_start3A_62 = arith.constant 0 : i32
        %dma_start3A_63 = tpu.memref_slice %arg11[%mul3A_7, %dma_start3A_62] : memref<10064x64xf32, #tpu.memory_space<vmem_shared>> -> memref<624x64xf32, #tpu.memory_space<vmem_shared>>
        tpu.enqueue_dma source(%dma_start3A_63 : memref<624x64xf32, #tpu.memory_space<vmem_shared>>) target(%dma_start3A_61 : memref<624x64xf32, #tpu.memory_space<hbm>>) target_semaphore(%run_scoped3A : memref<!tpu.dma_semaphore, #tpu.memory_space<semaphore_mem>>)
        %dma_wait3A = arith.constant 0 : i32
        %dma_wait3A_64 = tpu.memref_slice %arg5[%mul3A_7, %dma_wait3A] : memref<10000x64xf32, #tpu.memory_space<hbm>> -> memref<624x64xf32, #tpu.memory_space<hbm>>
        %dma_wait3A_65 = arith.constant 0 : i32
        %dma_wait3A_66 = tpu.memref_slice %arg11[%mul3A_7, %dma_wait3A_65] : memref<10064x64xf32, #tpu.memory_space<vmem_shared>> -> memref<624x64xf32, #tpu.memory_space<vmem_shared>>
        tpu.wait_dma2 semaphore(%run_scoped3A : memref<!tpu.dma_semaphore, #tpu.memory_space<semaphore_mem>>) src(%dma_wait3A_66 : memref<624x64xf32, #tpu.memory_space<vmem_shared>>) dst(%dma_wait3A_64 : memref<624x64xf32, #tpu.memory_space<hbm>>)
        tpu.yield
      }) : () -> ()
      %eq3A_55 = arith.constant 15 : i32
      %eq3A_56 = arith.cmpi eq, %arg1, %eq3A_55 : i32
      %convert_element_type3A_57 = arith.extui %eq3A_56 : i1 to i32
      %cond3A_58 = arith.constant 0 : i32
      %cond3A_59 = arith.cmpi ne, %convert_element_type3A_57, %cond3A_58 : i32
      scf.if %cond3A_59 {
        "tpu.region"() ({
          %run_scoped3A = tpu.sem_alloc : memref<!tpu.dma_semaphore, #tpu.memory_space<semaphore_mem>>
          %dma_start3A_60 = arith.constant 9984 : i32
          %dma_start3A_61 = arith.constant 0 : i32
          %dma_start3A_62 = tpu.memref_slice %arg5[%dma_start3A_60, %dma_start3A_61] : memref<10000x64xf32, #tpu.memory_space<hbm>> -> memref<16x64xf32, #tpu.memory_space<hbm>>
          %dma_start3A_63 = arith.constant 9984 : i32
          %dma_start3A_64 = arith.constant 0 : i32
          %dma_start3A_65 = tpu.memref_slice %arg11[%dma_start3A_63, %dma_start3A_64] : memref<10064x64xf32, #tpu.memory_space<vmem_shared>> -> memref<16x64xf32, #tpu.memory_space<vmem_shared>>
          tpu.enqueue_dma source(%dma_start3A_65 : memref<16x64xf32, #tpu.memory_space<vmem_shared>>) target(%dma_start3A_62 : memref<16x64xf32, #tpu.memory_space<hbm>>) target_semaphore(%run_scoped3A : memref<!tpu.dma_semaphore, #tpu.memory_space<semaphore_mem>>)
          %dma_wait3A = arith.constant 9984 : i32
          %dma_wait3A_66 = arith.constant 0 : i32
          %dma_wait3A_67 = tpu.memref_slice %arg5[%dma_wait3A, %dma_wait3A_66] : memref<10000x64xf32, #tpu.memory_space<hbm>> -> memref<16x64xf32, #tpu.memory_space<hbm>>
          %dma_wait3A_68 = arith.constant 9984 : i32
          %dma_wait3A_69 = arith.constant 0 : i32
          %dma_wait3A_70 = tpu.memref_slice %arg11[%dma_wait3A_68, %dma_wait3A_69] : memref<10064x64xf32, #tpu.memory_space<vmem_shared>> -> memref<16x64xf32, #tpu.memory_space<vmem_shared>>
          tpu.wait_dma2 semaphore(%run_scoped3A : memref<!tpu.dma_semaphore, #tpu.memory_space<semaphore_mem>>) src(%dma_wait3A_70 : memref<16x64xf32, #tpu.memory_space<vmem_shared>>) dst(%dma_wait3A_67 : memref<16x64xf32, #tpu.memory_space<hbm>>)
          tpu.yield
        }) : () -> ()
      } else {
      }
    } else {
    }
    %eq3A_50 = arith.constant 1 : i32
    %eq3A_51 = arith.cmpi eq, %arg0, %eq3A_50 : i32
    %convert_element_type3A_52 = arith.extui %eq3A_51 : i1 to i32
    %cond3A_53 = arith.constant 0 : i32
    %cond3A_54 = arith.cmpi ne, %convert_element_type3A_52, %cond3A_53 : i32
    scf.if %cond3A_54 {
      "tpu.region"() ({
        %run_scoped3A = tpu.sem_alloc : memref<!tpu.dma_semaphore, #tpu.memory_space<semaphore_mem>>
        %dma_start3A_60 = arith.constant 0 : i32
        %dma_start3A_61 = tpu.memref_slice %arg6[%mul3A_7, %dma_start3A_60] : memref<10000x64xf32, #tpu.memory_space<hbm>> -> memref<624x64xf32, #tpu.memory_space<hbm>>
        %dma_start3A_62 = arith.constant 0 : i32
        %dma_start3A_63 = tpu.memref_slice %arg11[%mul3A_7, %dma_start3A_62] : memref<10064x64xf32, #tpu.memory_space<vmem_shared>> -> memref<624x64xf32, #tpu.memory_space<vmem_shared>>
        tpu.enqueue_dma source(%dma_start3A_63 : memref<624x64xf32, #tpu.memory_space<vmem_shared>>) target(%dma_start3A_61 : memref<624x64xf32, #tpu.memory_space<hbm>>) target_semaphore(%run_scoped3A : memref<!tpu.dma_semaphore, #tpu.memory_space<semaphore_mem>>)
        %dma_wait3A = arith.constant 0 : i32
        %dma_wait3A_64 = tpu.memref_slice %arg6[%mul3A_7, %dma_wait3A] : memref<10000x64xf32, #tpu.memory_space<hbm>> -> memref<624x64xf32, #tpu.memory_space<hbm>>
        %dma_wait3A_65 = arith.constant 0 : i32
        %dma_wait3A_66 = tpu.memref_slice %arg11[%mul3A_7, %dma_wait3A_65] : memref<10064x64xf32, #tpu.memory_space<vmem_shared>> -> memref<624x64xf32, #tpu.memory_space<vmem_shared>>
        tpu.wait_dma2 semaphore(%run_scoped3A : memref<!tpu.dma_semaphore, #tpu.memory_space<semaphore_mem>>) src(%dma_wait3A_66 : memref<624x64xf32, #tpu.memory_space<vmem_shared>>) dst(%dma_wait3A_64 : memref<624x64xf32, #tpu.memory_space<hbm>>)
        tpu.yield
      }) : () -> ()
      %eq3A_55 = arith.constant 15 : i32
      %eq3A_56 = arith.cmpi eq, %arg1, %eq3A_55 : i32
      %convert_element_type3A_57 = arith.extui %eq3A_56 : i1 to i32
      %cond3A_58 = arith.constant 0 : i32
      %cond3A_59 = arith.cmpi ne, %convert_element_type3A_57, %cond3A_58 : i32
      scf.if %cond3A_59 {
        "tpu.region"() ({
          %run_scoped3A = tpu.sem_alloc : memref<!tpu.dma_semaphore, #tpu.memory_space<semaphore_mem>>
          %dma_start3A_60 = arith.constant 9984 : i32
          %dma_start3A_61 = arith.constant 0 : i32
          %dma_start3A_62 = tpu.memref_slice %arg6[%dma_start3A_60, %dma_start3A_61] : memref<10000x64xf32, #tpu.memory_space<hbm>> -> memref<16x64xf32, #tpu.memory_space<hbm>>
          %dma_start3A_63 = arith.constant 9984 : i32
          %dma_start3A_64 = arith.constant 0 : i32
          %dma_start3A_65 = tpu.memref_slice %arg11[%dma_start3A_63, %dma_start3A_64] : memref<10064x64xf32, #tpu.memory_space<vmem_shared>> -> memref<16x64xf32, #tpu.memory_space<vmem_shared>>
          tpu.enqueue_dma source(%dma_start3A_65 : memref<16x64xf32, #tpu.memory_space<vmem_shared>>) target(%dma_start3A_62 : memref<16x64xf32, #tpu.memory_space<hbm>>) target_semaphore(%run_scoped3A : memref<!tpu.dma_semaphore, #tpu.memory_space<semaphore_mem>>)
          %dma_wait3A = arith.constant 9984 : i32
          %dma_wait3A_66 = arith.constant 0 : i32
          %dma_wait3A_67 = tpu.memref_slice %arg6[%dma_wait3A, %dma_wait3A_66] : memref<10000x64xf32, #tpu.memory_space<hbm>> -> memref<16x64xf32, #tpu.memory_space<hbm>>
          %dma_wait3A_68 = arith.constant 9984 : i32
          %dma_wait3A_69 = arith.constant 0 : i32
          %dma_wait3A_70 = tpu.memref_slice %arg11[%dma_wait3A_68, %dma_wait3A_69] : memref<10064x64xf32, #tpu.memory_space<vmem_shared>> -> memref<16x64xf32, #tpu.memory_space<vmem_shared>>
          tpu.wait_dma2 semaphore(%run_scoped3A : memref<!tpu.dma_semaphore, #tpu.memory_space<semaphore_mem>>) src(%dma_wait3A_70 : memref<16x64xf32, #tpu.memory_space<vmem_shared>>) dst(%dma_wait3A_67 : memref<16x64xf32, #tpu.memory_space<hbm>>)
          tpu.yield
        }) : () -> ()
      } else {
      }
    } else {
    }
    return
  }
}

module attributes {stable_mosaic.version = 14 : i64} {
  func.func @body(%arg0: i32, %arg1: memref<1000x128xf32, #tpu.memory_space<vmem>>, %arg2: memref<128x128xf32, #tpu.memory_space<vmem>>, %arg3: memref<1x128xf32, #tpu.memory_space<vmem>>, %arg4: memref<1000x128xf32, #tpu.memory_space<vmem>>) attributes {dimension_semantics = [#tpu.dimension_semantics<arbitrary>], iteration_bounds = array<i64: 10>, scalar_prefetch = 0 : i64, scratch_operands = 0 : i64, tpu.core_type = #tpu.core_type<tc>, window_params = [{transform_indices = @transform_0, window_bounds = array<i64: 1000, 128>}, {pipeline_mode = #tpu.pipeline_mode<synchronous>, transform_indices = @transform_1, window_bounds = array<i64: 128, 128>}, {pipeline_mode = #tpu.pipeline_mode<synchronous>, transform_indices = @transform_2, window_bounds = array<i64: 1, 128>}, {transform_indices = @transform_3, window_bounds = array<i64: 1000, 128>}]} {
    %get3A = arith.constant 0 : index
    %get3A_0 = arith.constant 0 : index
    %get3A_1 = vector.load %arg1[%get3A, %get3A_0] : memref<1000x128xf32, #tpu.memory_space<vmem>>, vector<1000x128xf32>
    %get3A_2 = arith.constant 0 : index
    %get3A_3 = arith.constant 0 : index
    %get3A_4 = vector.load %arg2[%get3A_2, %get3A_3] : memref<128x128xf32, #tpu.memory_space<vmem>>, vector<128x128xf32>
    %dot_general3A = arith.constant dense<0.000000e+00> : vector<1000x128xf32>
    %dot_general3A_5 = tpu.matmul %get3A_1, %get3A_4, %dot_general3A {dimension_numbers = #tpu.dot_dimension_numbers<[1], [0], [0], [1], [0, 0, 1, 1], [], []>, transpose_lhs_hint = false} : vector<1000x128xf32>, vector<128x128xf32>, vector<1000x128xf32> -> vector<1000x128xf32>
    %get3A_6 = arith.constant 0 : index
    %get3A_7 = arith.constant 0 : index
    %get3A_8 = vector.load %arg3[%get3A_6, %get3A_7] : memref<1x128xf32, #tpu.memory_space<vmem>>, vector<1x128xf32>
    %add3A = vector.broadcast %get3A_8 : vector<1x128xf32> to vector<1000x128xf32>
    %add3A_9 = arith.addf %dot_general3A_5, %add3A : vector<1000x128xf32>
    %swap3A = arith.constant 0 : index
    %swap3A_10 = arith.constant 0 : index
    %swap3A_11 = vector.load %arg4[%swap3A, %swap3A_10] : memref<1000x128xf32, #tpu.memory_space<vmem>>, vector<1000x128xf32>
    tpu.vector_store %arg4[%swap3A, %swap3A_10], %add3A_9 {strides = array<i32>} : memref<1000x128xf32, #tpu.memory_space<vmem>>, vector<1000x128xf32>,
    return
  }
  func.func @transform_0(%arg0: i32) -> (i32, i32) {
    %c0_i32 = arith.constant 0 : i32
    %c0_i32_0 = arith.constant 0 : i32
    return %arg0, %c0_i32 : i32, i32
  }
  func.func @transform_1(%arg0: i32) -> (i32, i32) {
    %c0_i32 = arith.constant 0 : i32
    %c0_i32_0 = arith.constant 0 : i32
    %c0_i32_1 = arith.constant 0 : i32
    return %c0_i32, %c0_i32_0 : i32, i32
  }
  func.func @transform_2(%arg0: i32) -> (i32, i32) {
    %c0_i32 = arith.constant 0 : i32
    %c0_i32_0 = arith.constant 0 : i32
    %c0_i32_1 = arith.constant 0 : i32
    return %c0_i32, %c0_i32_0 : i32, i32
  }
  func.func @transform_3(%arg0: i32) -> (i32, i32) {
    %c0_i32 = arith.constant 0 : i32
    %c0_i32_0 = arith.constant 0 : i32
    return %arg0, %c0_i32 : i32, i32
  }
}

module attributes {stable_mosaic.version = 14 : i64} {
  func.func @body(%arg0: i32, %arg1: memref<1000x128xf32, #tpu.memory_space<vmem>>, %arg2: memref<1000x128xf32, #tpu.memory_space<vmem>>, %arg3: memref<1000x128xf32, #tpu.memory_space<vmem>>, %arg4: memref<1000x16xf32, #tpu.memory_space<vmem>>, %arg5: memref<1000x16xf32, #tpu.memory_space<vmem>>, %arg6: memref<128x128xf32, #tpu.memory_space<vmem>>, %arg7: memref<128x128xf32, #tpu.memory_space<vmem>>, %arg8: memref<1000x128xf32, #tpu.memory_space<vmem>>, %arg9: memref<1000x128xf32, #tpu.memory_space<vmem>>, %arg10: memref<1000x16xf32, #tpu.memory_space<vmem>>) attributes {dimension_semantics = [#tpu.dimension_semantics<arbitrary>], iteration_bounds = array<i64: 10>, scalar_prefetch = 0 : i64, scratch_operands = 0 : i64, tpu.core_type = #tpu.core_type<tc>, window_params = [{transform_indices = @transform_0, window_bounds = array<i64: 1000, 128>}, {transform_indices = @transform_1, window_bounds = array<i64: 1000, 128>}, {transform_indices = @transform_2, window_bounds = array<i64: 1000, 128>}, {transform_indices = @transform_3, window_bounds = array<i64: 1000, 16>}, {transform_indices = @transform_4, window_bounds = array<i64: 1000, 16>}, {pipeline_mode = #tpu.pipeline_mode<synchronous>, transform_indices = @transform_5, window_bounds = array<i64: 128, 128>}, {pipeline_mode = #tpu.pipeline_mode<synchronous>, transform_indices = @transform_6, window_bounds = array<i64: 128, 128>}, {transform_indices = @transform_7, window_bounds = array<i64: 1000, 128>}, {transform_indices = @transform_8, window_bounds = array<i64: 1000, 128>}, {transform_indices = @transform_9, window_bounds = array<i64: 1000, 16>}]} {
    %get3A = arith.constant 0 : index
    %get3A_0 = arith.constant 0 : index
    %get3A_1 = vector.load %arg4[%get3A, %get3A_0] : memref<1000x16xf32, #tpu.memory_space<vmem>>, vector<1000x16xf32>
    %get3A_2 = arith.constant 0 : index
    %get3A_3 = arith.constant 0 : index
    %get3A_4 = vector.load %arg5[%get3A_2, %get3A_3] : memref<1000x16xf32, #tpu.memory_space<vmem>>, vector<1000x16xf32>
    %add3A = arith.addf %get3A_1, %get3A_4 : vector<1000x16xf32>
    %max3A = arith.constant 1.000000e+00 : f32
    %max3A_5 = vector.broadcast %max3A : f32 to vector<1000x16xf32>
    %max3A_6 = arith.maximumf %add3A, %max3A_5 : vector<1000x16xf32>
    %div3A = arith.constant 1.000000e+00 : f32
    %div3A_7 = vector.broadcast %div3A : f32 to vector<1000x16xf32>
    %div3A_8 = arith.divf %div3A_7, %max3A_6 : vector<1000x16xf32>
    %get3A_9 = arith.constant 0 : index
    %get3A_10 = arith.constant 0 : index
    %get3A_11 = vector.load %arg2[%get3A_9, %get3A_10] : memref<1000x128xf32, #tpu.memory_space<vmem>>, vector<1000x128xf32>
    %get3A_12 = arith.constant 0 : index
    %get3A_13 = arith.constant 0 : index
    %get3A_14 = vector.load %arg3[%get3A_12, %get3A_13] : memref<1000x128xf32, #tpu.memory_space<vmem>>, vector<1000x128xf32>
    %add3A_15 = arith.addf %get3A_11, %get3A_14 : vector<1000x128xf32>
    %slice3A = vector.extract_strided_slice %div3A_8 {offsets = [0, 0], sizes = [1000, 1], strides = [1, 1]} : vector<1000x16xf32> to vector<1000x1xf32>
    %mul3A = vector.broadcast %slice3A : vector<1000x1xf32> to vector<1000x128xf32>
    %mul3A_16 = arith.mulf %add3A_15, %mul3A : vector<1000x128xf32>
    %get3A_17 = arith.constant 0 : index
    %get3A_18 = arith.constant 0 : index
    %get3A_19 = vector.load %arg1[%get3A_17, %get3A_18] : memref<1000x128xf32, #tpu.memory_space<vmem>>, vector<1000x128xf32>
    %get3A_20 = arith.constant 0 : index
    %get3A_21 = arith.constant 0 : index
    %get3A_22 = vector.load %arg6[%get3A_20, %get3A_21] : memref<128x128xf32, #tpu.memory_space<vmem>>, vector<128x128xf32>
    %dot_general3A = arith.constant dense<0.000000e+00> : vector<1000x128xf32>
    %dot_general3A_23 = tpu.matmul %mul3A_16, %get3A_22, %dot_general3A {dimension_numbers = #tpu.dot_dimension_numbers<[1], [0], [0], [1], [0, 0, 1, 1], [], []>, transpose_lhs_hint = false} : vector<1000x128xf32>, vector<128x128xf32>, vector<1000x128xf32> -> vector<1000x128xf32>
    %add3A_24 = arith.addf %get3A_19, %dot_general3A_23 : vector<1000x128xf32>
    %max3A_25 = arith.constant 0.000000e+00 : f32
    %max3A_26 = vector.broadcast %max3A_25 : f32 to vector<1000x128xf32>
    %max3A_27 = arith.maximumf %add3A_24, %max3A_26 : vector<1000x128xf32>
    %swap3A = arith.constant 0 : index
    %swap3A_28 = arith.constant 0 : index
    %swap3A_29 = vector.load %arg8[%swap3A, %swap3A_28] : memref<1000x128xf32, #tpu.memory_space<vmem>>, vector<1000x128xf32>
    tpu.vector_store %arg8[%swap3A, %swap3A_28], %max3A_27 {strides = array<i32>} : memref<1000x128xf32, #tpu.memory_space<vmem>>, vector<1000x128xf32>,
    %get3A_30 = arith.constant 0 : index
    %get3A_31 = arith.constant 0 : index
    %get3A_32 = vector.load %arg7[%get3A_30, %get3A_31] : memref<128x128xf32, #tpu.memory_space<vmem>>, vector<128x128xf32>
    %dot_general3A_33 = arith.constant dense<0.000000e+00> : vector<1000x128xf32>
    %dot_general3A_34 = tpu.matmul %max3A_27, %get3A_32, %dot_general3A_33 {dimension_numbers = #tpu.dot_dimension_numbers<[1], [0], [0], [1], [0, 0, 1, 1], [], []>, transpose_lhs_hint = false} : vector<1000x128xf32>, vector<128x128xf32>, vector<1000x128xf32> -> vector<1000x128xf32>
    %swap3A_35 = arith.constant 0 : index
    %swap3A_36 = arith.constant 0 : index
    %swap3A_37 = vector.load %arg9[%swap3A_35, %swap3A_36] : memref<1000x128xf32, #tpu.memory_space<vmem>>, vector<1000x128xf32>
    tpu.vector_store %arg9[%swap3A_35, %swap3A_36], %dot_general3A_34 {strides = array<i32>} : memref<1000x128xf32, #tpu.memory_space<vmem>>, vector<1000x128xf32>,
    %swap3A_38 = arith.constant 0 : index
    %swap3A_39 = arith.constant 0 : index
    %swap3A_40 = vector.load %arg10[%swap3A_38, %swap3A_39] : memref<1000x16xf32, #tpu.memory_space<vmem>>, vector<1000x16xf32>
    tpu.vector_store %arg10[%swap3A_38, %swap3A_39], %div3A_8 {strides = array<i32>} : memref<1000x16xf32, #tpu.memory_space<vmem>>, vector<1000x16xf32>,
    return
  }
  func.func @transform_0(%arg0: i32) -> (i32, i32) {
    %c0_i32 = arith.constant 0 : i32
    %c0_i32_0 = arith.constant 0 : i32
    return %arg0, %c0_i32 : i32, i32
  }
  func.func @transform_1(%arg0: i32) -> (i32, i32) {
    %c0_i32 = arith.constant 0 : i32
    %c0_i32_0 = arith.constant 0 : i32
    return %arg0, %c0_i32 : i32, i32
  }
  func.func @transform_2(%arg0: i32) -> (i32, i32) {
    %c0_i32 = arith.constant 0 : i32
    %c0_i32_0 = arith.constant 0 : i32
    return %arg0, %c0_i32 : i32, i32
  }
  func.func @transform_3(%arg0: i32) -> (i32, i32) {
    %c0_i32 = arith.constant 0 : i32
    %c0_i32_0 = arith.constant 0 : i32
    return %arg0, %c0_i32 : i32, i32
  }
  func.func @transform_4(%arg0: i32) -> (i32, i32) {
    %c0_i32 = arith.constant 0 : i32
    %c0_i32_0 = arith.constant 0 : i32
    return %arg0, %c0_i32 : i32, i32
  }
  func.func @transform_5(%arg0: i32) -> (i32, i32) {
    %c0_i32 = arith.constant 0 : i32
    %c0_i32_0 = arith.constant 0 : i32
    %c0_i32_1 = arith.constant 0 : i32
    return %c0_i32, %c0_i32_0 : i32, i32
  }
  func.func @transform_6(%arg0: i32) -> (i32, i32) {
    %c0_i32 = arith.constant 0 : i32
    %c0_i32_0 = arith.constant 0 : i32
    %c0_i32_1 = arith.constant 0 : i32
    return %c0_i32, %c0_i32_0 : i32, i32
  }
  func.func @transform_7(%arg0: i32) -> (i32, i32) {
    %c0_i32 = arith.constant 0 : i32
    %c0_i32_0 = arith.constant 0 : i32
    return %arg0, %c0_i32 : i32, i32
  }
  func.func @transform_8(%arg0: i32) -> (i32, i32) {
    %c0_i32 = arith.constant 0 : i32
    %c0_i32_0 = arith.constant 0 : i32
    return %arg0, %c0_i32 : i32, i32
  }
  func.func @transform_9(%arg0: i32) -> (i32, i32) {
    %c0_i32 = arith.constant 0 : i32
    %c0_i32_0 = arith.constant 0 : i32
    return %arg0, %c0_i32 : i32, i32
  }
}

module attributes {stable_mosaic.version = 14 : i64} {
  func.func @body(%arg0: i32, %arg1: memref<1000x128xf32, #tpu.memory_space<vmem>>, %arg2: memref<1000x128xf32, #tpu.memory_space<vmem>>, %arg3: memref<1000x128xf32, #tpu.memory_space<vmem>>, %arg4: memref<1000x16xf32, #tpu.memory_space<vmem>>, %arg5: memref<128x64xf32, #tpu.memory_space<vmem>>, %arg6: memref<1000x128xf32, #tpu.memory_space<vmem>>, %arg7: memref<1000x64xf32, #tpu.memory_space<vmem>>) attributes {dimension_semantics = [#tpu.dimension_semantics<arbitrary>], iteration_bounds = array<i64: 10>, scalar_prefetch = 0 : i64, scratch_operands = 0 : i64, tpu.core_type = #tpu.core_type<tc>, window_params = [{transform_indices = @transform_0, window_bounds = array<i64: 1000, 128>}, {transform_indices = @transform_1, window_bounds = array<i64: 1000, 128>}, {transform_indices = @transform_2, window_bounds = array<i64: 1000, 128>}, {transform_indices = @transform_3, window_bounds = array<i64: 1000, 16>}, {pipeline_mode = #tpu.pipeline_mode<synchronous>, transform_indices = @transform_4, window_bounds = array<i64: 128, 64>}, {transform_indices = @transform_5, window_bounds = array<i64: 1000, 128>}, {transform_indices = @transform_6, window_bounds = array<i64: 1000, 64>}]} {
    %get3A = arith.constant 0 : index
    %get3A_0 = arith.constant 0 : index
    %get3A_1 = vector.load %arg2[%get3A, %get3A_0] : memref<1000x128xf32, #tpu.memory_space<vmem>>, vector<1000x128xf32>
    %get3A_2 = arith.constant 0 : index
    %get3A_3 = arith.constant 0 : index
    %get3A_4 = vector.load %arg3[%get3A_2, %get3A_3] : memref<1000x128xf32, #tpu.memory_space<vmem>>, vector<1000x128xf32>
    %add3A = arith.addf %get3A_1, %get3A_4 : vector<1000x128xf32>
    %get3A_5 = arith.constant 0 : index
    %get3A_6 = arith.constant 0 : index
    %get3A_7 = vector.load %arg4[%get3A_5, %get3A_6] : memref<1000x16xf32, #tpu.memory_space<vmem>>, vector<1000x16xf32>
    %slice3A = vector.extract_strided_slice %get3A_7 {offsets = [0, 0], sizes = [1000, 1], strides = [1, 1]} : vector<1000x16xf32> to vector<1000x1xf32>
    %mul3A = vector.broadcast %slice3A : vector<1000x1xf32> to vector<1000x128xf32>
    %mul3A_8 = arith.mulf %add3A, %mul3A : vector<1000x128xf32>
    %get3A_9 = arith.constant 0 : index
    %get3A_10 = arith.constant 0 : index
    %get3A_11 = vector.load %arg1[%get3A_9, %get3A_10] : memref<1000x128xf32, #tpu.memory_space<vmem>>, vector<1000x128xf32>
    %add3A_12 = arith.addf %get3A_11, %mul3A_8 : vector<1000x128xf32>
    %max3A = arith.constant 0.000000e+00 : f32
    %max3A_13 = vector.broadcast %max3A : f32 to vector<1000x128xf32>
    %max3A_14 = arith.maximumf %add3A_12, %max3A_13 : vector<1000x128xf32>
    %swap3A = arith.constant 0 : index
    %swap3A_15 = arith.constant 0 : index
    %swap3A_16 = vector.load %arg6[%swap3A, %swap3A_15] : memref<1000x128xf32, #tpu.memory_space<vmem>>, vector<1000x128xf32>
    tpu.vector_store %arg6[%swap3A, %swap3A_15], %max3A_14 {strides = array<i32>} : memref<1000x128xf32, #tpu.memory_space<vmem>>, vector<1000x128xf32>,
    %get3A_17 = arith.constant 0 : index
    %get3A_18 = arith.constant 0 : index
    %get3A_19 = vector.load %arg5[%get3A_17, %get3A_18] : memref<128x64xf32, #tpu.memory_space<vmem>>, vector<128x64xf32>
    %dot_general3A = arith.constant dense<0.000000e+00> : vector<1000x64xf32>
    %dot_general3A_20 = tpu.matmul %max3A_14, %get3A_19, %dot_general3A {dimension_numbers = #tpu.dot_dimension_numbers<[1], [0], [0], [1], [0, 0, 1, 1], [], []>, transpose_lhs_hint = false} : vector<1000x128xf32>, vector<128x64xf32>, vector<1000x64xf32> -> vector<1000x64xf32>
    %swap3A_21 = arith.constant 0 : index
    %swap3A_22 = arith.constant 0 : index
    %swap3A_23 = vector.load %arg7[%swap3A_21, %swap3A_22] : memref<1000x64xf32, #tpu.memory_space<vmem>>, vector<1000x64xf32>
    tpu.vector_store %arg7[%swap3A_21, %swap3A_22], %dot_general3A_20 {strides = array<i32>} : memref<1000x64xf32, #tpu.memory_space<vmem>>, vector<1000x64xf32>,
    return
  }
  func.func @transform_0(%arg0: i32) -> (i32, i32) {
    %c0_i32 = arith.constant 0 : i32
    %c0_i32_0 = arith.constant 0 : i32
    return %arg0, %c0_i32 : i32, i32
  }
  func.func @transform_1(%arg0: i32) -> (i32, i32) {
    %c0_i32 = arith.constant 0 : i32
    %c0_i32_0 = arith.constant 0 : i32
    return %arg0, %c0_i32 : i32, i32
  }
  func.func @transform_2(%arg0: i32) -> (i32, i32) {
    %c0_i32 = arith.constant 0 : i32
    %c0_i32_0 = arith.constant 0 : i32
    return %arg0, %c0_i32 : i32, i32
  }
  func.func @transform_3(%arg0: i32) -> (i32, i32) {
    %c0_i32 = arith.constant 0 : i32
    %c0_i32_0 = arith.constant 0 : i32
    return %arg0, %c0_i32 : i32, i32
  }
  func.func @transform_4(%arg0: i32) -> (i32, i32) {
    %c0_i32 = arith.constant 0 : i32
    %c0_i32_0 = arith.constant 0 : i32
    %c0_i32_1 = arith.constant 0 : i32
    return %c0_i32, %c0_i32_0 : i32, i32
  }
  func.func @transform_5(%arg0: i32) -> (i32, i32) {
    %c0_i32 = arith.constant 0 : i32
    %c0_i32_0 = arith.constant 0 : i32
    return %arg0, %c0_i32 : i32, i32
  }
  func.func @transform_6(%arg0: i32) -> (i32, i32) {
    %c0_i32 = arith.constant 0 : i32
    %c0_i32_0 = arith.constant 0 : i32
    return %arg0, %c0_i32 : i32, i32
  }
}

module attributes {stable_mosaic.version = 14 : i64} {
  func.func @body(%arg0: i32, %arg1: memref<1000x128xf32, #tpu.memory_space<vmem>>, %arg2: memref<128x64xf32, #tpu.memory_space<vmem>>, %arg3: memref<1x64xf32, #tpu.memory_space<vmem>>, %arg4: memref<1000x64xf32, #tpu.memory_space<vmem>>) attributes {dimension_semantics = [#tpu.dimension_semantics<arbitrary>], iteration_bounds = array<i64: 10>, scalar_prefetch = 0 : i64, scratch_operands = 0 : i64, tpu.core_type = #tpu.core_type<tc>, window_params = [{transform_indices = @transform_0, window_bounds = array<i64: 1000, 128>}, {pipeline_mode = #tpu.pipeline_mode<synchronous>, transform_indices = @transform_1, window_bounds = array<i64: 128, 64>}, {pipeline_mode = #tpu.pipeline_mode<synchronous>, transform_indices = @transform_2, window_bounds = array<i64: 1, 64>}, {transform_indices = @transform_3, window_bounds = array<i64: 1000, 64>}]} {
    %get3A = arith.constant 0 : index
    %get3A_0 = arith.constant 0 : index
    %get3A_1 = vector.load %arg1[%get3A, %get3A_0] : memref<1000x128xf32, #tpu.memory_space<vmem>>, vector<1000x128xf32>
    %get3A_2 = arith.constant 0 : index
    %get3A_3 = arith.constant 0 : index
    %get3A_4 = vector.load %arg2[%get3A_2, %get3A_3] : memref<128x64xf32, #tpu.memory_space<vmem>>, vector<128x64xf32>
    %dot_general3A = arith.constant dense<0.000000e+00> : vector<1000x64xf32>
    %dot_general3A_5 = tpu.matmul %get3A_1, %get3A_4, %dot_general3A {dimension_numbers = #tpu.dot_dimension_numbers<[1], [0], [0], [1], [0, 0, 1, 1], [], []>, transpose_lhs_hint = false} : vector<1000x128xf32>, vector<128x64xf32>, vector<1000x64xf32> -> vector<1000x64xf32>
    %get3A_6 = arith.constant 0 : index
    %get3A_7 = arith.constant 0 : index
    %get3A_8 = vector.load %arg3[%get3A_6, %get3A_7] : memref<1x64xf32, #tpu.memory_space<vmem>>, vector<1x64xf32>
    %add3A = vector.broadcast %get3A_8 : vector<1x64xf32> to vector<1000x64xf32>
    %add3A_9 = arith.addf %dot_general3A_5, %add3A : vector<1000x64xf32>
    %swap3A = arith.constant 0 : index
    %swap3A_10 = arith.constant 0 : index
    %swap3A_11 = vector.load %arg4[%swap3A, %swap3A_10] : memref<1000x64xf32, #tpu.memory_space<vmem>>, vector<1000x64xf32>
    tpu.vector_store %arg4[%swap3A, %swap3A_10], %add3A_9 {strides = array<i32>} : memref<1000x64xf32, #tpu.memory_space<vmem>>, vector<1000x64xf32>,
    return
  }
  func.func @transform_0(%arg0: i32) -> (i32, i32) {
    %c0_i32 = arith.constant 0 : i32
    %c0_i32_0 = arith.constant 0 : i32
    return %arg0, %c0_i32 : i32, i32
  }
  func.func @transform_1(%arg0: i32) -> (i32, i32) {
    %c0_i32 = arith.constant 0 : i32
    %c0_i32_0 = arith.constant 0 : i32
    %c0_i32_1 = arith.constant 0 : i32
    return %c0_i32, %c0_i32_0 : i32, i32
  }
  func.func @transform_2(%arg0: i32) -> (i32, i32) {
    %c0_i32 = arith.constant 0 : i32
    %c0_i32_0 = arith.constant 0 : i32
    %c0_i32_1 = arith.constant 0 : i32
    return %c0_i32, %c0_i32_0 : i32, i32
  }
  func.func @transform_3(%arg0: i32) -> (i32, i32) {
    %c0_i32 = arith.constant 0 : i32
    %c0_i32_0 = arith.constant 0 : i32
    return %arg0, %c0_i32 : i32, i32
  }
}

module attributes {stable_mosaic.version = 14 : i64} {
  func.func @body(%arg0: i32, %arg1: memref<1000x64xf32, #tpu.memory_space<vmem>>, %arg2: memref<1000x64xf32, #tpu.memory_space<vmem>>, %arg3: memref<1000x64xf32, #tpu.memory_space<vmem>>, %arg4: memref<1000x16xf32, #tpu.memory_space<vmem>>, %arg5: memref<1000x64xf32, #tpu.memory_space<vmem>>) attributes {dimension_semantics = [#tpu.dimension_semantics<arbitrary>], iteration_bounds = array<i64: 10>, scalar_prefetch = 0 : i64, scratch_operands = 0 : i64, tpu.core_type = #tpu.core_type<tc>, window_params = [{transform_indices = @transform_0, window_bounds = array<i64: 1000, 64>}, {transform_indices = @transform_1, window_bounds = array<i64: 1000, 64>}, {transform_indices = @transform_2, window_bounds = array<i64: 1000, 64>}, {transform_indices = @transform_3, window_bounds = array<i64: 1000, 16>}, {transform_indices = @transform_4, window_bounds = array<i64: 1000, 64>}]} {
    %get3A = arith.constant 0 : index
    %get3A_0 = arith.constant 0 : index
    %get3A_1 = vector.load %arg2[%get3A, %get3A_0] : memref<1000x64xf32, #tpu.memory_space<vmem>>, vector<1000x64xf32>
    %get3A_2 = arith.constant 0 : index
    %get3A_3 = arith.constant 0 : index
    %get3A_4 = vector.load %arg3[%get3A_2, %get3A_3] : memref<1000x64xf32, #tpu.memory_space<vmem>>, vector<1000x64xf32>
    %add3A = arith.addf %get3A_1, %get3A_4 : vector<1000x64xf32>
    %get3A_5 = arith.constant 0 : index
    %get3A_6 = arith.constant 0 : index
    %get3A_7 = vector.load %arg4[%get3A_5, %get3A_6] : memref<1000x16xf32, #tpu.memory_space<vmem>>, vector<1000x16xf32>
    %slice3A = vector.extract_strided_slice %get3A_7 {offsets = [0, 0], sizes = [1000, 1], strides = [1, 1]} : vector<1000x16xf32> to vector<1000x1xf32>
    %mul3A = vector.broadcast %slice3A : vector<1000x1xf32> to vector<1000x64xf32>
    %mul3A_8 = arith.mulf %add3A, %mul3A : vector<1000x64xf32>
    %get3A_9 = arith.constant 0 : index
    %get3A_10 = arith.constant 0 : index
    %get3A_11 = vector.load %arg1[%get3A_9, %get3A_10] : memref<1000x64xf32, #tpu.memory_space<vmem>>, vector<1000x64xf32>
    %add3A_12 = arith.addf %get3A_11, %mul3A_8 : vector<1000x64xf32>
    %max3A = arith.constant 0.000000e+00 : f32
    %max3A_13 = vector.broadcast %max3A : f32 to vector<1000x64xf32>
    %max3A_14 = arith.maximumf %add3A_12, %max3A_13 : vector<1000x64xf32>
    %reduce_max3A = arith.constant dense<0xFF800000> : vector<1000xf32>
    %reduce_max3A_15 = vector.multi_reduction <maximumf>, %max3A_14, %reduce_max3A [1] : vector<1000x64xf32> to vector<1000xf32>
    %broadcast_in_dim3A = vector.shape_cast %reduce_max3A_15 : vector<1000xf32> to vector<1000x1xf32>
    %sub3A = vector.broadcast %broadcast_in_dim3A : vector<1000x1xf32> to vector<1000x64xf32>
    %sub3A_16 = arith.subf %max3A_14, %sub3A : vector<1000x64xf32>
    %exp3A = math.exp %sub3A_16 : vector<1000x64xf32>
    %reduce_sum3A = arith.constant dense<0.000000e+00> : vector<1000xf32>
    %reduce_sum3A_17 = vector.multi_reduction <add>, %exp3A, %reduce_sum3A [1] : vector<1000x64xf32> to vector<1000xf32>
    %broadcast_in_dim3A_18 = vector.shape_cast %reduce_sum3A_17 : vector<1000xf32> to vector<1000x1xf32>
    %log3A = math.log %broadcast_in_dim3A_18 : vector<1000x1xf32>
    %add3A_19 = arith.addf %log3A, %broadcast_in_dim3A : vector<1000x1xf32>
    %sub3A_20 = vector.broadcast %add3A_19 : vector<1000x1xf32> to vector<1000x64xf32>
    %sub3A_21 = arith.subf %max3A_14, %sub3A_20 : vector<1000x64xf32>
    %swap3A = arith.constant 0 : index
    %swap3A_22 = arith.constant 0 : index
    %swap3A_23 = vector.load %arg5[%swap3A, %swap3A_22] : memref<1000x64xf32, #tpu.memory_space<vmem>>, vector<1000x64xf32>
    tpu.vector_store %arg5[%swap3A, %swap3A_22], %sub3A_21 {strides = array<i32>} : memref<1000x64xf32, #tpu.memory_space<vmem>>, vector<1000x64xf32>,
    return
  }
  func.func @transform_0(%arg0: i32) -> (i32, i32) {
    %c0_i32 = arith.constant 0 : i32
    %c0_i32_0 = arith.constant 0 : i32
    return %arg0, %c0_i32 : i32, i32
  }
  func.func @transform_1(%arg0: i32) -> (i32, i32) {
    %c0_i32 = arith.constant 0 : i32
    %c0_i32_0 = arith.constant 0 : i32
    return %arg0, %c0_i32 : i32, i32
  }
  func.func @transform_2(%arg0: i32) -> (i32, i32) {
    %c0_i32 = arith.constant 0 : i32
    %c0_i32_0 = arith.constant 0 : i32
    return %arg0, %c0_i32 : i32, i32
  }
  func.func @transform_3(%arg0: i32) -> (i32, i32) {
    %c0_i32 = arith.constant 0 : i32
    %c0_i32_0 = arith.constant 0 : i32
    return %arg0, %c0_i32 : i32, i32
  }
  func.func @transform_4(%arg0: i32) -> (i32, i32) {
    %c0_i32 = arith.constant 0 : i32
    %c0_i32_0 = arith.constant 0 : i32
    return %arg0, %c0_i32 : i32, i32
  }
}

</mosaic_0001>

<sc_bundles>
// kernel: kernel.11.cloned.1.call-start
scs
__scs_entry_jumppad:
0x0: {  	(pc) =	sbr.rel $0x88, $3  }
0x1: {  	(tag) =	ssettag $0x0;
	lr =	simm.s32 $0x1  }
0x2: {  	[smem:$0x3F96] =	sst lr;
	_ =	strace $0xD0000000  }
0x3: {  	_ = 	snop  }
0x4: {  	_ = 	snop  }
0x5: {  	_ = 	snop  }
0x6: {  	_ = 	snop  }
0x7: {  	_ = 	snop  }
__scs_overlays_trampoline_lowered:
0x8: {  	[smem:$0x3FA5] =	sst s0  }
0x9: {  	[smem:$0x3FA6] =	sst s1  }
0xa: {  	[smem:$0x3FA7] =	sst s2  }
0xb: {  	[smem:$0x3FA8] =	sst s3  }
0xc: {  	[smem:$0x3FA9] =	sst s4  }
0xd: {  	[smem:$0x3FAA] =	sst s5  }
0xe: {  	[smem:$0x3FAB] =	sst s6  }
0xf: {  	[smem:$0x3FAC] =	sst s7  }
0x10: {  	[smem:$0x3FAD] =	sst s8  }
0x11: {  	[smem:$0x3FAE] =	sst s9;
	s0 =	simm.s32 @!p0 $0x0  }
0x12: {  	s1 =	sld [smem:$0x3F94];
	s0 =	simm.s32 @p0 $0x1  }
0x13: {  	[smem:$0x3FAF] =	sst s0;
	s0 =	simm.s32 @!p1 $0x0  }
0x14: {  	s2 =	sld [smem:$0x3F93];
	s0 =	simm.s32 @p1 $0x1  }
0x15: {  	[smem:$0x3FB0] =	sst s0;
	s0 =	simm.s32 @!p2 $0x0  }
0x16: {  	s3 =	sld [smem:$0x3FDB];
	s0 =	simm.s32 @p2 $0x1  }
0x17: {  	s4 =	simm.s32 $0x1BF5;
	[smem:$0x3FB2] =	sst s0  }
0x18: {  	s0 =	sld [smem:$0x3F95];
	_ =	swait.ge [sflag:s4], $0x0  }
0x19: {  	s7 =	sld [smem:$0x3F96]  }
0x1a: {  	s8 =	sadd.s32 $0xFFFFE003, lr  }
0x1b: {  	s9 =	sadd.s32 $0xFFFFFEF7, lr;
	s5 =	simm.s32 $0xFFFFFFFF;
	p2 =	slt.u32 s8, $0xFFFFF086  }
0x1c: {  	p1 =	slt.u32 s9, $0xF7A;
	s5 =	simm.s32 @!p2 $0x0  }
0x1d: {  	s5 =	simm.s32 @p1 $0x1;
	p0 =	seq.s32 s7, s2  }
0x1e: {  	s7 =	smul.u32 @!p0 $0xF7A, s2;
	p2 =	seq.s32 @!p0 s5, $0x0  }
0x1f: {  	s9 =	smul.u32 $0xF7A, s1;
	s8 =	simm.s32 @!p0 $0x1BF5;
	p2 =	por !p2, p0  }
0x20: {  	[sflag:s8] =	ssyncset.s32 @!p0 $0xFFFFF086;
	s6 =	sadd.s32 @!p0 s3, s7;
	s7 =	simm.s32 @!p0 $0x108  }
0x21: {  	s3 =	sadd.s32 s3, s9;
	s6 =	sadd.s32 @!p0 $0x88, s6;
	s7 =	simm.s32 @p2 $0x1082  }
0x22: {  	[simem:s7], [sflag:s8] =	dma.local @!p0 [hbm:s6], $0xF7A  }
0x23: {  	s9 =	sor.u32 $0xD0000000, s2;
	s6 =	simm.s32 $0x108;
	_ =	swait.ge @!p0 [sflag:s8], $0x0  }
0x24: {  	s3 =	sadd.s32 $0x88, s3;
	s6 =	simm.s32 @!p1 $0x1082;
	[sflag:s4] =	ssyncset.s32 $0xFFFFF086  }
0x25: {  	[simem:s6], [sflag:s4] =	dma.local [hbm:s3], $0xF7A  }
0x26: {  	[smem:$0x3F96] =	sst s1;
	(tag) =	ssettag s2;
	_ =	strace s9  }
0x27: {  	s1 =	sld [smem:$0x3FA6]  }
0x28: {  	s2 =	sld [smem:$0x3FA7]  }
0x29: {  	s4 =	sld [smem:$0x3FA9]  }
0x2a: {  	p0 =	seq.s32 s5, $0x0;
	s5 =	sld [smem:$0x3FAA]  }
0x2b: {  	s6 =	sld [smem:$0x3FAB]  }
0x2c: {  	s7 =	sld [smem:$0x3FAC]  }
0x2d: {  	s3 =	simm.s32 $0x108;
	s8 =	sld [smem:$0x3FAD]  }
0x2e: {  	s3 =	simm.s32 @!p0 $0x1082;
	s9 =	sld [smem:$0x3FAE]  }
0x2f: {  	lr =	sadd.s32 s0, s3;
	s0 =	sld [smem:$0x3FA5]  }
0x30: {  	s3 =	sld [smem:$0x3FA8]  }
0x31: {  	[smem:$0x3FB1] =	sst s10  }
0x32: {  	s10 =	sld [smem:$0x3FAF];
	_ =	sdelay $0x3  }
0x33: {  	p0 =	seq.s32 s10, $0x1;
	s10 =	sld [smem:$0x3FB1];
	_ =	sdelay $0x3  }
0x34: {  	[smem:$0x3FB1] =	sst s10  }
0x35: {  	s10 =	sld [smem:$0x3FB0];
	_ =	sdelay $0x3  }
0x36: {  	p1 =	seq.s32 s10, $0x1;
	s10 =	sld [smem:$0x3FB1];
	_ =	sdelay $0x3  }
0x37: {  	[smem:$0x3FB1] =	sst s10  }
0x38: {  	s10 =	sld [smem:$0x3FB2]  }
0x39: {  	_ = 	snop;
	(pc) =	sbr.ind lr, $3  }
0x3a: {  	_ = 	snop  }
0x3b: {  	_ = 	snop  }
0x3c: {  	p2 =	seq.s32 s10, $0x1;
	s10 =	sld [smem:$0x3FB1]  }
0x3d: {  	_ =	shalt  }
0x3e: {  	_ =	shalt  }
0x3f: {  	_ =	shalt  }
0x40: {  	_ =	shalt  }
0x41: {  	_ =	shalt  }
0x42: {  	_ =	shalt  }
0x43: {  	_ =	shalt  }
0x44: {  	_ =	shalt  }
0x45: {  	_ =	shalt  }
0x46: {  	_ =	shalt  }
0x47: {  	_ =	shalt  }
0x48: {  	_ =	shalt  }
0x49: {  	_ =	shalt  }
0x4a: {  	_ =	shalt  }
0x4b: {  	_ =	shalt  }
0x4c: {  	_ =	shalt  }
0x4d: {  	_ =	shalt  }
0x4e: {  	_ =	shalt  }
0x4f: {  	_ =	shalt  }
0x50: {  	_ =	shalt  }
0x51: {  	_ =	shalt  }
0x52: {  	_ =	shalt  }
0x53: {  	_ =	shalt  }
0x54: {  	_ =	shalt  }
0x55: {  	_ =	shalt  }
0x56: {  	_ =	shalt  }
0x57: {  	_ =	shalt  }
0x58: {  	_ =	shalt  }
0x59: {  	_ =	shalt  }
0x5a: {  	_ =	shalt  }
0x5b: {  	_ =	shalt  }
0x5c: {  	_ =	shalt  }
0x5d: {  	_ =	shalt  }
0x5e: {  	_ =	shalt  }
0x5f: {  	_ =	shalt  }
0x60: {  	_ =	shalt  }
0x61: {  	_ =	shalt  }
0x62: {  	_ =	shalt  }
0x63: {  	_ =	shalt  }
0x64: {  	_ =	shalt  }
0x65: {  	_ =	shalt  }
0x66: {  	_ =	shalt  }
0x67: {  	_ =	shalt  }
0x68: {  	_ =	shalt  }
0x69: {  	_ =	shalt  }
0x6a: {  	_ =	shalt  }
0x6b: {  	_ =	shalt  }
0x6c: {  	_ =	shalt  }
0x6d: {  	_ =	shalt  }
0x6e: {  	_ =	shalt  }
0x6f: {  	_ =	shalt  }
0x70: {  	_ =	shalt  }
0x71: {  	_ =	shalt  }
0x72: {  	_ =	shalt  }
0x73: {  	_ =	shalt  }
0x74: {  	_ =	shalt  }
0x75: {  	_ =	shalt  }
0x76: {  	_ =	shalt  }
0x77: {  	_ =	shalt  }
0x78: {  	_ =	shalt  }
0x79: {  	_ =	shalt  }
0x7a: {  	_ =	shalt  }
0x7b: {  	_ =	shalt  }
0x7c: {  	_ =	shalt  }
0x7d: {  	_ =	shalt  }
0x7e: {  	_ =	shalt  }
0x7f: {  	_ =	shalt  }
0x80: {  	_ =	shalt  }
0x81: {  	_ =	shalt  }
0x82: {  	_ =	shalt  }
0x83: {  	_ =	shalt  }
0x84: {  	_ =	shalt  }
0x85: {  	_ =	shalt  }
0x86: {  	_ =	shalt  }
0x87: {  	_ =	shalt  }
.Lfunc_end0:
.L_simem_size_0:
called_computation_lowered:
.L_overlay_start_0:
0x88: {  	s2 =	sld [smem:$0x3FD9]  }
0x89: {  	s3 =	sld [smem:$0x3FFE];
	_ =	sdelay $0x1  }
0x8a: {  	s1 =	srdreg.scid  }
0x8b: {  	s0 =	sand.u32 $0x1, s1  }
0x8c: {  	s17 =	sshll.u32 s0, $0xA;
	s2 =	sadd.s32 s3, s2  }
0x8d: {  	s2 =	sadd.s32 s2, s17  }
0x8e: {  	[smem:$0x3FBD] =	sst s2  }
0x8f: {  	_ = 	snop  }
0x90: {  	s2 =	sld [smem:$0x3FC9]  }
0x91: {  	s18 =	sld [smem:$0x3FD0];
	(tm) =	ssettm $0x1  }
0x92: {  	s4 =	sld [smem:$0x3FFB];
	_ =	sdelay $0x3  }
0x93: {  	_ =	strace s4  }
0x94: {  	s4 =	sld [smem:$0x3FFC];
	_ =	sdelay $0x3  }
0x95: {  	_ =	strace s4  }
0x96: {  	s4 =	sld [smem:$0x3FFD];
	_ =	sdelay $0x3  }
0x97: {  	_ =	strace s4  }
0x98: {  	_ =	strace $0x8FFFFFFF  }
0x99: {  	s19 =	sld [smem:$0x3FDB];
	_ =	sdelay $0x1  }
0x9a: {  	s5 =	simm.s32 $_scs_section_size  }
0x9b: {  	s6 =	simm.s32 $_size__tile_overlayer_lowered;
	s7 =	simm.s32 $_tile_overlayer_lowered  }
0x9c: {  	s22 =	simm.s32 $0x1BFF;
	s21 =	sshll.u32 s7, $0x1;
	s4 =	sadd.s32 s5, s19  }
0x9d: {  	s8 =	simm.s32 $0x0;
	s20 =	sshll.u32 s6, $0x1;
	s6 =	sadd.s32 s21, s4  }
0x9e: {  	[timem:s8], [sflag:s22] =	dma.local [hbm:s6], s20  }
0x9f: {  	_ =	swait.ge [sflag:s22], s20  }
0xa0: {  	s5 =	ssub.s32 $0x0, s20;
	[sflag:s22] =	ssyncset.done $0x0  }
0xa1: {  	[sflag:s22] =	ssyncadd.s32 s5;
	_ =	sdelay $0x1  }
0xa2: {  	s23 =	simm.s32 $0x1B8B  }
0xa3: {  	_ =	swait.ge [sflag:s23], $0x1  }
0xa4: {  	[sflag:s23] =	ssyncset.done $0x0  }
0xa5: {  	s25 =	simm.s32 $0x1B8E;
	s24 =	sld [smem:$0x3FFE];
	[sflag:s23] =	ssyncadd.s32 $0xFFFFFFFF  }
0xa6: {  	s26 =	simm.s32 $execute0_lowered;
	[smem:$0x3FD2] =	sst s25  }
0xa7: {  	s6 =	sshll.u32 s26, $0x1;
	_ =	strace $0x80000046;
	[dreg:$0x1] =	wrdreg $0xFFFFFFFF  }
0xa8: {  	s28 =	simm.s32 $_size_execute0_lowered;
	s4 =	sadd.s32 s4, s6;
	[dreg:$0x0] =	wrdreg $0x0  }
0xa9: {  	s6 =	sshll.u32 s28, $0x1;
	[dreg:$0x2] =	wrdreg s4  }
0xaa: {  	[dreg:$0x3] =	wrdreg s6  }
0xab: {  	[dreg:$0x4] =	wrdreg $0xC0  }
0xac: {  	_ =	task [dreg:s8], $0x5FFFF  }
0xad: {  	[dreg:$0x1] =	wrdreg $0xFFFFFFFF  }
0xae: {  	[dreg:$0x0] =	wrdreg $0x60  }
0xaf: {  	[dreg:$0x2] =	wrdreg s2  }
0xb0: {  	[dreg:$0x3] =	wrdreg s24  }
0xb1: {  	[dreg:$0x4] =	wrdreg s18  }
0xb2: {  	[dreg:$0x5] =	wrdreg $0x93000  }
0xb3: {  	[dreg:$0x6] =	wrdreg $0x1CD800  }
0xb4: {  	[dreg:$0x7] =	wrdreg $0x9  }
0xb5: {  	_ =	task.clear_ibuf [dreg:s8], $0x8FFFF;
	_ =	strace $0x90000046  }
0xb6: {  	s29 =	simm.s32 $0x9;
	_ =	strace $0x80000048  }
0xb7: {  	_ =	swait.ge [sflag:s29], $0x1  }
0xb8: {  	[sflag:s29] =	ssyncadd.s32 $0xFFFFFFFF  }
0xb9: {  	_ =	strace $0x90000048  }
0xba: {  	_ =	sfence  }
0xbb: {  	s30 =	sld [smem:$0x0];
	_ =	sdelay $0x2  }
0xbc: {  	s31 =	sshll.u32 s1, $0xD;
	s1 =	sshrl.u32 s1, $0x2  }
0xbd: {  	s3 =	sand.u32 $0x4000, s31;
	s1 =	sadd.s32 s1, s30  }
0xbe: {  	s0 =	sor.u32 s3, s0;
	s1 =	sshll.u32 s1, $0x11  }
0xbf: {  	s0 =	sor.u32 s1, s0  }
0xc0: {  	s0 =	sadd.s32 $0x8F2B, s0  }
0xc1: {  	[sflag:s0] =	ssyncadd.remote.s32 $0x1  }
0xc2: {  	_ =	sfence.sel $0xFFFF  }
0xc3: {  	[dreg:$0x0] =	wrdreg $0xFFFFFFFF;
	(pc) =	sbr.abs _section_cstart, $3  }
0xc4: {  	[dreg:$0x1] =	wrdreg $0xFFFFFFFF  }
0xc5: {  	_ =	task.clear_ibuf [dreg:s8], $0x2FFFF;
	_ =	strace $0x9FFFFFFF  }
0xc6: {  	(tm) =	ssettm $0x7FFFFFFF  }
0xc7: {  	_ =	shalt  }
tec
execute0_lowered:
.L_overlay_start_1:
0x0: {  	(tag) =	ssettag $0x1  }
0x1: {  	s0 =	rddreg [dreg:$0x0]  }
0x2: {  	s1 =	rddreg [dreg:$0x1]  }
0x3: {  	s17 =	rddreg [dreg:$0x2]  }
0x4: {  	s4 =	rddreg [dreg:$0x3]  }
0x5: {  	s2 =	srdreg.scid;
	s5 =	rddreg [dreg:$0x4];
	s6 =	simm.s32 $0x0  }
0x6: {  	s16 =	stileid.u32;
	s2 =	sand.u32 $0x1, s2;
	[smem:$0x7FF] =	sst s6  }
0x7: {  	s6 =	smul.u32 $0x270, s16;
	s18 =	sadd.s32 $0x1C800, s1;
	s19 =	sadd.s32 $0x43A00, s1  }
0x8: {  	s20 =	sadd.s32 $0x17800, s1;
	p1 =	sne.s32 s16, $0xF;
	p2 =	seq.s32 s16, $0xF  }
0x9: {  	s3 =	sshll.u32 s2, $0x4;
	_ =	strace $0x80000047;
	[dreg:$0x6] =	wrdreg s18  }
0xa: {  	s7 =	ssub.s32 $0x2, s2;
	p0 =	seq.s32 s2, $0x1;
	[dreg:$0x7] =	wrdreg s19  }
0xb: {  	[dreg:$0x8] =	wrdreg s20;
	s3 =	sor.u32 s16, s3;
	s21 =	sshrl.u32 s7, $0x1  }
0xc: {  	s8 =	sadd.s32 $0x40, s6;
	s9 =	sadd.s32 $0x80, s6;
	s10 =	sadd.s32 $0xC0, s6  }
0xd: {  	s11 =	sadd.s32 $0x100, s6;
	s12 =	sadd.s32 $0x140, s6;
	s13 =	sadd.s32 $0x180, s6  }
0xe: {  	s2 =	sadd.s32 $0x1C0, s6;
	s3 =	smul.u32 $0x4F0, s3;
	s22 =	sshll.u32 s8, $0x7  }
0xf: {  	s23 =	sshll.u32 s9, $0x7;
	s24 =	sshll.u32 s10, $0x7;
	s25 =	sshll.u32 s11, $0x7  }
0x10: {  	s26 =	sshll.u32 s12, $0x7;
	s14 =	sshll.u32 s13, $0x7;
	s15 =	sshll.u32 s2, $0x7  }
0x11: {  	s8 =	sshll.u32 s8, $0x4;
	s2 =	sshll.u32 s2, $0x4;
	s14 =	sadd.s32 s14, s4  }
0x12: {  	s8 =	sadd.s32 s8, s5;
	s3 =	sadd.s32 s3, s1;
	[dreg:$0xe] =	wrdreg s14  }
0x13: {  	s1 =	ssub.s32 s7, s21;
	s7 =	sadd.s32 s22, s4;
	[dreg:$0x12] =	wrdreg s8  }
0x14: {  	s21 =	sadd.s32 $0x200, s6;
	s6 =	sadd.s32 $0x240, s6;
	[dreg:$0x9] =	wrdreg s7  }
0x15: {  	s7 =	sadd.s32 s23, s4;
	s22 =	sshll.u32 s21, $0x7;
	s29 =	sadd.s32 $0x3C00, s3  }
0x16: {  	s30 =	sadd.s32 $0xDA00, s3;
	[dreg:$0xa] =	wrdreg s7;
	s7 =	sadd.s32 s24, s4  }
0x17: {  	s1 =	smax.u32 s1, $0x1;
	s14 =	sadd.s32 s22, s4;
	[dreg:$0xb] =	wrdreg s7  }
0x18: {  	s24 =	sshll.u32 s9, $0x4;
	s7 =	sadd.s32 s25, s4;
	[dreg:$0x10] =	wrdreg s14  }
0x19: {  	s25 =	sshll.u32 s10, $0x4;
	s8 =	sadd.s32 s24, s5;
	s10 =	sshll.u32 s12, $0x4  }
0x1a: {  	s12 =	sshll.u32 s21, $0x4;
	s14 =	smul.u32 $0x2700, s16;
	[dreg:$0xc] =	wrdreg s7  }
0x1b: {  	s7 =	sadd.s32 s26, s4;
	s26 =	sshll.u32 s11, $0x4;
	[dreg:$0x13] =	wrdreg s8  }
0x1c: {  	s9 =	sadd.s32 s25, s5;
	s11 =	sshll.u32 s13, $0x4;
	s25 =	sadd.s32 s2, s5  }
0x1d: {  	s13 =	smul.u32 $0x13800, s16;
	s8 =	simm.s32 $0x4F00;
	s16 =	simm.s32 $0x0  }
0x1e: {  	[dreg:$0xd] =	wrdreg s7;
	s7 =	sadd.s32 s15, s4;
	s15 =	sshll.u32 s6, $0x7  }
0x1f: {  	[dreg:$0x14] =	wrdreg s9;
	s22 =	sadd.s32 s26, s5;
	s24 =	sadd.s32 s11, s5  }
0x20: {  	s6 =	sshll.u32 s6, $0x4;
	s26 =	sadd.s32 s12, s5;
	s3 =	sadd.s32 s14, s5  }
0x21: {  	s2 =	sshrl.u32 s14, $0x3;
	s9 =	simm.s32 $0x3;
	s11 =	simm.s32 $0x6F00  }
0x22: {  	s12 =	simm.s32 $0x1;
	s14 =	simm.s32 $0x4E80;
	[dreg:$0xf] =	wrdreg s7  }
0x23: {  	s23 =	sadd.s32 s15, s4;
	s28 =	sadd.s32 s6, s5;
	s31 =	sadd.s32 s13, s4  }
0x24: {  	s15 =	sshrl.u32 s13, $0x3;
	s21 =	sadd.s32 s17, s2;
	s2 =	sadd.s32 s20, s2  }
.Ltmp0:
0x25: {  	s13 =	simm.s32 $0x2;
	[dreg:$0x11] =	wrdreg s23;
	(pc) =	sbr.rel .LBB2_1-.Ltmp0, $4  }
0x26: {  	s23 =	sadd.s32 s10, s5;
	s7 =	sadd.s32 s18, s15;
	[dreg:$0x17] =	wrdreg s21  }
0x27: {  	s6 =	sadd.s32 s19, s15;
	[dreg:$0x18] =	wrdreg s2;
	s2 =	sadd.s32 $0x138000, s4  }
0x28: {  	s10 =	simm.s32 $0x40;
	s15 =	simm.s32 $0x4EC0;
	[dreg:$0x15] =	wrdreg s7  }
0x29: {  	v0 =	vimm.f32 $0.0e+00;
	v1 =	vimm.f32 $1.000000000e+00;
	[dreg:$0x16] =	wrdreg s6;
	s7 =	sadd.s32 $0x27000, s5;
	s6 =	simm.s32 $0x8F00  }
.LBB2_12:
0x2a: {  	s19 =	sadd.s32 $0x27000, s19;
	s20 =	sshrl.u32 s2, $0x3  }
0x2b: {  	[hbm:s19], [sflag:s17] =	dma.local [spmem:s20], $0x100  }
0x2c: {  	_ =	swait.ge [sflag:s9], $0x100  }
0x2d: {  	[sflag:s9] =	ssyncset.done $0x0  }
0x2e: {  	s18 =	sadd.s32 $0x4E00, s18;
	s21 =	sshrl.u32 s7, $0x3;
	[sflag:s9] =	ssyncadd.s32 $0xFFFFFF00  }
0x2f: {  	[hbm:s18], [sflag:s17] =	dma.local [spmem:s21], $0x20  }
0x30: {  	_ =	swait.ge [sflag:s9], $0x20  }
0x31: {  	[sflag:s9] =	ssyncset.done $0x0  }
0x32: {  	[sflag:s9] =	ssyncadd.s32 $0xFFFFFFE0  }
.LBB2_13:
0x33: {  	s16 =	sadd.s32 $0x1, s16  }
0x34: {  	p3 =	sne.s32 s16, s1  }
.Ltmp1:
0x35: {  	_ = 	snop;
	(pc) =	sbr.rel @!p3 .LBB2_14-.Ltmp1, $1  }
0x36: {  	_ =	sdelay $0x3  }
.LBB2_1:
0x37: {  	s18 =	simm.s32 $0x0  }
0x38: {  	s17 =	sand.u32 $0x7E00, s18  }
0x39: {  	s18 =	sand.u32 $0x70, s18;
	s19 =	sshrl.u32 s17, $0x2  }
0x3a: {  	s17 =	simm.s32 $0x40;
	s19 =	sor.u32 s18, s19;
	s18 =	simm.s32 $0x0  }
.LBB2_2:
0x3b: {  	p3 =	sne.s32 s17, $0x7FC0  }
0x3c: {  	[tilespmem:s19+$0x4F00] =	vst v0;
	s18 =	sadd.s32 $0x10, s18;
	s19 =	smov.u32 s17;
	s17 =	sadd.s32 $0x40, s17  }
.Ltmp2:
0x3d: {  	(pc) =	sbr.rel @p3 .LBB2_2-.Ltmp2, $4  }
0x3e: {  	_ = 	snop  }
0x3f: {  	s19 =	sand.u32 $0x7E00, s19  }
0x40: {  	s20 =	sand.u32 $0x70, s18;
	s19 =	sshrl.u32 s19, $0x2  }
0x41: {  	s19 =	sor.u32 s20, s19  }
0x42: {  	[tilespmem:s19+$0x4F00] =	vst v0  }
0x43: {  	[spmem:s31] =	stream.linear.scatter [tilespmem:s8], [sflag:$0x3], $0x2000, $0x38;
	[tilespmem:$0x1F4D0] =	vst v63  }
0x44: {  	_ =	swait.ge [sflag:s9], $0x2000  }
0x45: {  	[sflag:s9] =	ssyncset.done $0x0  }
0x46: {  	s17 =	rddreg [dreg:$0x9];
	[sflag:s9] =	ssyncadd.s32 $0xFFFFE000  }
0x47: {  	[spmem:s17] =	stream.linear.scatter [tilespmem:s8], [sflag:$0x3], $0x2000, $0x38;
	[tilespmem:$0x1F4D0] =	vst v63  }
0x48: {  	_ =	swait.ge [sflag:s9], $0x2000  }
0x49: {  	[sflag:s9] =	ssyncset.done $0x0  }
0x4a: {  	s18 =	rddreg [dreg:$0xa];
	[sflag:s9] =	ssyncadd.s32 $0xFFFFE000  }
0x4b: {  	[spmem:s18] =	stream.linear.scatter [tilespmem:s8], [sflag:$0x3], $0x2000, $0x38;
	[tilespmem:$0x1F4D0] =	vst v63  }
0x4c: {  	_ =	swait.ge [sflag:s9], $0x2000  }
0x4d: {  	[sflag:s9] =	ssyncset.done $0x0  }
0x4e: {  	s19 =	rddreg [dreg:$0xb];
	[sflag:s9] =	ssyncadd.s32 $0xFFFFE000  }
0x4f: {  	[spmem:s19] =	stream.linear.scatter [tilespmem:s8], [sflag:$0x3], $0x2000, $0x38;
	[tilespmem:$0x1F4D0] =	vst v63  }
0x50: {  	_ =	swait.ge [sflag:s9], $0x2000  }
0x51: {  	[sflag:s9] =	ssyncset.done $0x0  }
0x52: {  	s20 =	rddreg [dreg:$0xc];
	[sflag:s9] =	ssyncadd.s32 $0xFFFFE000  }
0x53: {  	[spmem:s20] =	stream.linear.scatter [tilespmem:s8], [sflag:$0x3], $0x2000, $0x38;
	[tilespmem:$0x1F4D0] =	vst v63  }
0x54: {  	_ =	swait.ge [sflag:s9], $0x2000  }
0x55: {  	[sflag:s9] =	ssyncset.done $0x0  }
0x56: {  	s21 =	rddreg [dreg:$0xd];
	[sflag:s9] =	ssyncadd.s32 $0xFFFFE000  }
0x57: {  	[spmem:s21] =	stream.linear.scatter [tilespmem:s8], [sflag:$0x3], $0x2000, $0x38;
	[tilespmem:$0x1F4D0] =	vst v63  }
0x58: {  	_ =	swait.ge [sflag:s9], $0x2000  }
0x59: {  	[sflag:s9] =	ssyncset.done $0x0  }
0x5a: {  	s18 =	rddreg [dreg:$0xe];
	[sflag:s9] =	ssyncadd.s32 $0xFFFFE000  }
0x5b: {  	[spmem:s18] =	stream.linear.scatter [tilespmem:s8], [sflag:$0x3], $0x2000, $0x38;
	[tilespmem:$0x1F4D0] =	vst v63  }
0x5c: {  	_ =	swait.ge [sflag:s9], $0x2000  }
0x5d: {  	[sflag:s9] =	ssyncset.done $0x0  }
0x5e: {  	s19 =	rddreg [dreg:$0xf];
	[sflag:s9] =	ssyncadd.s32 $0xFFFFE000  }
0x5f: {  	[spmem:s19] =	stream.linear.scatter [tilespmem:s8], [sflag:$0x3], $0x2000, $0x38;
	[tilespmem:$0x1F4D0] =	vst v63  }
0x60: {  	_ =	swait.ge [sflag:s9], $0x2000  }
0x61: {  	[sflag:s9] =	ssyncset.done $0x0  }
0x62: {  	s20 =	rddreg [dreg:$0x10];
	[sflag:s9] =	ssyncadd.s32 $0xFFFFE000  }
0x63: {  	[spmem:s20] =	stream.linear.scatter [tilespmem:s8], [sflag:$0x3], $0x2000, $0x38;
	[tilespmem:$0x1F4D0] =	vst v63  }
0x64: {  	_ =	swait.ge [sflag:s9], $0x2000  }
0x65: {  	[sflag:s9] =	ssyncset.done $0x0  }
0x66: {  	s21 =	rddreg [dreg:$0x11];
	[sflag:s9] =	ssyncadd.s32 $0xFFFFE000  }
0x67: {  	[spmem:s21] =	stream.linear.scatter [tilespmem:s8], [sflag:$0x3], $0x1800, $0x38;
	[tilespmem:$0x1F4D0] =	vst v63  }
0x68: {  	_ =	swait.ge [sflag:s9], $0x1800  }
0x69: {  	[sflag:s9] =	ssyncset.done $0x0  }
0x6a: {  	s17 =	simm.s32 @!p1 $0x4F00;
	[sflag:s9] =	ssyncadd.s32 $0xFFFFE800  }
0x6b: {  	[spmem:s2] =	stream.linear.scatter @!p1 [tilespmem:s17], [sflag:$0x3], $0x800, $0x38;
	[tilespmem:$0x1F4D0] =	vst v63  }
0x6c: {  	s17 =	simm.s32 @!p1 $0x3  }
0x6d: {  	_ =	swait.ge @!p1 [sflag:s17], $0x800  }
0x6e: {  	[sflag:s17] =	ssyncset.done @!p1 $0x0  }
0x6f: {  	s18 =	simm.s32 $0x0;
	[sflag:s17] =	ssyncadd.s32 @!p1 $0xFFFFF800;
	s17 =	simm.s32 $0x40  }
.LBB2_4:
0x70: {  	p3 =	sne.s32 s17, $0xFC0;
	[tilespmem:s18+$0x8F00] =	vst v0;
	s18 =	smov.u32 s17;
	s17 =	sadd.s32 $0x40, s17  }
.Ltmp3:
0x71: {  	(pc) =	sbr.rel @p3 .LBB2_4-.Ltmp3, $2  }
0x72: {  	_ =	sdelay $0x2  }
0x73: {  	s18 =	sshra.s32 s18, $0x2  }
0x74: {  	[tilespmem:s18+$0x8F00] =	vst v0  }
0x75: {  	[spmem:s3] =	stream.linear.scatter [tilespmem:s6], [sflag:$0x3], $0x400, $0x38;
	[tilespmem:$0x1F4D0] =	vst v63  }
0x76: {  	_ =	swait.ge [sflag:s9], $0x400  }
0x77: {  	[sflag:s9] =	ssyncset.done $0x0  }
0x78: {  	s17 =	rddreg [dreg:$0x12];
	[sflag:s9] =	ssyncadd.s32 $0xFFFFFC00  }
0x79: {  	[spmem:s17] =	stream.linear.scatter [tilespmem:s6], [sflag:$0x3], $0x400, $0x38;
	[tilespmem:$0x1F4D0] =	vst v63  }
0x7a: {  	_ =	swait.ge [sflag:s9], $0x400  }
0x7b: {  	[sflag:s9] =	ssyncset.done $0x0  }
0x7c: {  	s20 =	rddreg [dreg:$0x13];
	[sflag:s9] =	ssyncadd.s32 $0xFFFFFC00  }
0x7d: {  	[spmem:s20] =	stream.linear.scatter [tilespmem:s6], [sflag:$0x3], $0x400, $0x38;
	[tilespmem:$0x1F4D0] =	vst v63  }
0x7e: {  	_ =	swait.ge [sflag:s9], $0x400  }
0x7f: {  	[sflag:s9] =	ssyncset.done $0x0  }
0x80: {  	s21 =	rddreg [dreg:$0x14];
	[sflag:s9] =	ssyncadd.s32 $0xFFFFFC00  }
0x81: {  	[spmem:s21] =	stream.linear.scatter [tilespmem:s6], [sflag:$0x3], $0x400, $0x38;
	[tilespmem:$0x1F4D0] =	vst v63  }
0x82: {  	_ =	swait.ge [sflag:s9], $0x400  }
0x83: {  	[sflag:s9] =	ssyncset.done $0x0  }
0x84: {  	[sflag:s9] =	ssyncadd.s32 $0xFFFFFC00  }
0x85: {  	[spmem:s22] =	stream.linear.scatter [tilespmem:s6], [sflag:$0x3], $0x400, $0x38;
	[tilespmem:$0x1F4D0] =	vst v63  }
0x86: {  	_ =	swait.ge [sflag:s9], $0x400  }
0x87: {  	[sflag:s9] =	ssyncset.done $0x0  }
0x88: {  	[sflag:s9] =	ssyncadd.s32 $0xFFFFFC00  }
0x89: {  	[spmem:s23] =	stream.linear.scatter [tilespmem:s6], [sflag:$0x3], $0x400, $0x38;
	[tilespmem:$0x1F4D0] =	vst v63  }
0x8a: {  	_ =	swait.ge [sflag:s9], $0x400  }
0x8b: {  	[sflag:s9] =	ssyncset.done $0x0  }
0x8c: {  	[sflag:s9] =	ssyncadd.s32 $0xFFFFFC00  }
0x8d: {  	[spmem:s24] =	stream.linear.scatter [tilespmem:s6], [sflag:$0x3], $0x400, $0x38;
	[tilespmem:$0x1F4D0] =	vst v63  }
0x8e: {  	_ =	swait.ge [sflag:s9], $0x400  }
0x8f: {  	[sflag:s9] =	ssyncset.done $0x0  }
0x90: {  	[sflag:s9] =	ssyncadd.s32 $0xFFFFFC00  }
0x91: {  	[spmem:s25] =	stream.linear.scatter [tilespmem:s6], [sflag:$0x3], $0x400, $0x38;
	[tilespmem:$0x1F4D0] =	vst v63  }
0x92: {  	_ =	swait.ge [sflag:s9], $0x400  }
0x93: {  	[sflag:s9] =	ssyncset.done $0x0  }
0x94: {  	[sflag:s9] =	ssyncadd.s32 $0xFFFFFC00  }
0x95: {  	[spmem:s26] =	stream.linear.scatter [tilespmem:s6], [sflag:$0x3], $0x400, $0x38;
	[tilespmem:$0x1F4D0] =	vst v63  }
0x96: {  	_ =	swait.ge [sflag:s9], $0x400  }
0x97: {  	[sflag:s9] =	ssyncset.done $0x0  }
0x98: {  	[sflag:s9] =	ssyncadd.s32 $0xFFFFFC00  }
0x99: {  	[spmem:s28] =	stream.linear.scatter [tilespmem:s6], [sflag:$0x3], $0x300, $0x38;
	[tilespmem:$0x1F4D0] =	vst v63  }
0x9a: {  	_ =	swait.ge [sflag:s9], $0x300  }
0x9b: {  	[sflag:s9] =	ssyncset.done $0x0  }
0x9c: {  	s17 =	simm.s32 @!p1 $0x8F00;
	[sflag:s9] =	ssyncadd.s32 $0xFFFFFD00  }
0x9d: {  	[spmem:s7] =	stream.linear.scatter @!p1 [tilespmem:s17], [sflag:$0x3], $0x100, $0x38;
	[tilespmem:$0x1F4D0] =	vst v63  }
0x9e: {  	s17 =	simm.s32 @!p1 $0x3  }
0x9f: {  	_ =	swait.ge @!p1 [sflag:s17], $0x100  }
0xa0: {  	[sflag:s17] =	ssyncset.done @!p1 $0x0  }
0xa1: {  	s18 =	simm.s32 $0x0;
	[sflag:s17] =	ssyncadd.s32 @!p1 $0xFFFFFF00;
	s17 =	simm.s32 $0x40  }
.LBB2_6:
0xa2: {  	p3 =	sne.s32 s17, $0xFC0;
	[tilespmem:s18+$0x8F00] =	vst v1;
	s18 =	smov.u32 s17;
	s17 =	sadd.s32 $0x40, s17  }
.Ltmp4:
0xa3: {  	(pc) =	sbr.rel @p3 .LBB2_6-.Ltmp4, $2  }
0xa4: {  	_ =	sdelay $0x2  }
0xa5: {  	s18 =	sshra.s32 s18, $0x2  }
0xa6: {  	[tilespmem:s18+$0x8F00] =	vst v1  }
0xa7: {  	s17 =	simm.s32 $0x0;
	[bflag:$0x0] =	sbarrier.arrive $0xFFFF  }
0xa8: {  	[tilespmem:s17], [sflag:$0x3] =	stream.linear.gather [hbm4b:s29+s17], $0x2780, $0x38;
	[tilespmem:$0x1F4D0] =	vst v63  }
0xa9: {  	_ =	swait.ge [sflag:s9], $0x2780  }
0xaa: {  	[sflag:s9] =	ssyncset.done $0x0  }
0xab: {  	s21 =	simm.s32 $0x2780;
	[sflag:s9] =	ssyncadd.s32 $0xFFFFD880  }
0xac: {  	[tilespmem:s21], [sflag:$0x3] =	stream.linear.gather [hbm4b:s30+s17], $0x2780, $0x38;
	[tilespmem:$0x1F4D0] =	vst v63  }
0xad: {  	_ =	swait.ge [sflag:s9], $0x2780  }
0xae: {  	[sflag:s9] =	ssyncset.done $0x0  }
0xaf: {  	[sflag:s9] =	ssyncadd.s32 $0xFFFFD880  }
0xb0: {  	[tilespmem:s8], [sflag:$0x1] =	stream.indirect.gather [hbm4b:s0+s10], $0x80, s17, s10, $0xb8;
	[tilespmem:$0x1F4D0] =	vst v63  }
0xb1: {  	s18 =	simm.s32 $0x40  }
0xb2: {  	[tilespmem:s11], [sflag:$0x2] =	stream.indirect.gather [hbm4b:s0+s10], $0x80, s18, s10, $0xb8;
	[tilespmem:$0x1F4D0] =	vst v63  }
0xb3: {  	_ =	swait.ge [sflag:s12], $0x2000  }
0xb4: {  	[sflag:s12] =	ssyncset.done $0x0  }
0xb5: {  	s19 =	simm.s32 $0x2780;
	[sflag:s12] =	ssyncadd.s32 $0xFFFFE000  }
0xb6: {  	[spmem:s4] =	stream.indirect.scatter.add.f32 [tilespmem:s8], [sflag:$0x3], $0x80, s19, s10, $0xb8;
	[tilespmem:$0x1F4D0] =	vst v63  }
0xb7: {  	_ =	swait.ge [sflag:s9], $0x2000  }
0xb8: {  	[sflag:s9] =	ssyncset.done $0x0  }
0xb9: {  	[sflag:s9] =	ssyncadd.s32 $0xFFFFE000  }
0xba: {  	[spmem:s5] =	stream.indirect.scatter.add.f32 [tilespmem:s6], [sflag:$0x3], $0x10, s19, s10, $0xb8;
	[tilespmem:$0x1F4D0] =	vst v63  }
0xbb: {  	_ =	swait.ge [sflag:s9], $0x400  }
0xbc: {  	[sflag:s9] =	ssyncset.done $0x0  }
0xbd: {  	s20 =	simm.s32 $0x80;
	[sflag:s9] =	ssyncadd.s32 $0xFFFFFC00  }
0xbe: {  	[tilespmem:s8], [sflag:$0x1] =	stream.indirect.gather [hbm4b:s0+s10], $0x80, s20, s10, $0xb8;
	[tilespmem:$0x1F4D0] =	vst v63  }
0xbf: {  	_ =	swait.ge [sflag:s13], $0x2000  }
0xc0: {  	[sflag:s13] =	ssyncset.done $0x0  }
0xc1: {  	s21 =	simm.s32 $0x27C0;
	[sflag:s13] =	ssyncadd.s32 $0xFFFFE000  }
0xc2: {  	[spmem:s4] =	stream.indirect.scatter.add.f32 [tilespmem:s11], [sflag:$0x3], $0x80, s21, s10, $0xb8;
	[tilespmem:$0x1F4D0] =	vst v63  }
0xc3: {  	_ =	swait.ge [sflag:s9], $0x2000  }
0xc4: {  	[sflag:s9] =	ssyncset.done $0x0  }
0xc5: {  	[sflag:s9] =	ssyncadd.s32 $0xFFFFE000  }
0xc6: {  	[spmem:s5] =	stream.indirect.scatter.add.f32 [tilespmem:s6], [sflag:$0x3], $0x10, s21, s10, $0xb8;
	[tilespmem:$0x1F4D0] =	vst v63  }
0xc7: {  	_ =	swait.ge [sflag:s9], $0x400  }
0xc8: {  	s17 =	simm.s32 $0x80;
	s18 =	simm.s32 $0x400;
	[sflag:s9] =	ssyncset.done $0x0  }
.LBB2_8:
0xc9: {  	s19 =	sadd.s32 $0x40, s17  }
0xca: {  	[sflag:s9] =	ssyncadd.s32 $0xFFFFFC00;
	s20 =	smov.u32 s18;
	s21 =	sadd.s32 $0x200, s18  }
0xcb: {  	[tilespmem:s11], [sflag:$0x2] =	stream.indirect.gather [hbm4b:s0+s10], $0x80, s19, s10, $0xb8;
	[tilespmem:$0x1F4D0] =	vst v63  }
0xcc: {  	p3 =	sne.s32 s18, $0x9A00;
	_ =	swait.ge [sflag:s12], $0x2000  }
0xcd: {  	[sflag:s12] =	ssyncset.done $0x0  }
0xce: {  	s18 =	sadd.s32 $0x2780, s17;
	[sflag:s12] =	ssyncadd.s32 $0xFFFFE000  }
0xcf: {  	[spmem:s4] =	stream.indirect.scatter.add.f32 [tilespmem:s8], [sflag:$0x3], $0x80, s18, s10, $0xb8;
	[tilespmem:$0x1F4D0] =	vst v63  }
0xd0: {  	_ =	swait.ge [sflag:s9], $0x2000  }
0xd1: {  	[sflag:s9] =	ssyncset.done $0x0  }
0xd2: {  	[sflag:s9] =	ssyncadd.s32 $0xFFFFE000  }
0xd3: {  	[spmem:s5] =	stream.indirect.scatter.add.f32 [tilespmem:s6], [sflag:$0x3], $0x10, s18, s10, $0xb8;
	[tilespmem:$0x1F4D0] =	vst v63  }
0xd4: {  	_ =	swait.ge [sflag:s9], $0x400  }
0xd5: {  	[sflag:s9] =	ssyncset.done $0x0  }
0xd6: {  	s18 =	sadd.s32 $0x80, s17;
	[sflag:s9] =	ssyncadd.s32 $0xFFFFFC00  }
0xd7: {  	[tilespmem:s8], [sflag:$0x1] =	stream.indirect.gather [hbm4b:s0+s10], $0x80, s18, s10, $0xb8;
	[tilespmem:$0x1F4D0] =	vst v63  }
0xd8: {  	_ =	swait.ge [sflag:s13], $0x2000  }
0xd9: {  	[sflag:s13] =	ssyncset.done $0x0  }
0xda: {  	s17 =	sadd.s32 $0x27C0, s17;
	[sflag:s13] =	ssyncadd.s32 $0xFFFFE000  }
0xdb: {  	[spmem:s4] =	stream.indirect.scatter.add.f32 [tilespmem:s11], [sflag:$0x3], $0x80, s17, s10, $0xb8;
	[tilespmem:$0x1F4D0] =	vst v63  }
0xdc: {  	_ =	swait.ge [sflag:s9], $0x2000  }
.Ltmp5:
0xdd: {  	[sflag:s9] =	ssyncset.done $0x0;
	(pc) =	sbr.rel @p3 .LBB2_8-.Ltmp5, $4  }
0xde: {  	[sflag:s9] =	ssyncadd.s32 $0xFFFFE000  }
0xdf: {  	[spmem:s5] =	stream.indirect.scatter.add.f32 [tilespmem:s6], [sflag:$0x3], $0x10, s17, s10, $0xb8;
	[tilespmem:$0x1F4D0] =	vst v63  }
0xe0: {  	_ =	swait.ge [sflag:s9], $0x400  }
0xe1: {  	s18 =	smov.u32 s21;
	s17 =	sshra.s32 s20, $0x2;
	[sflag:s9] =	ssyncset.done $0x0  }
0xe2: {  	s18 =	sadd.s32 $0x40, s17;
	[sflag:s9] =	ssyncadd.s32 $0xFFFFFC00  }
0xe3: {  	[tilespmem:s11], [sflag:$0x2] =	stream.indirect.gather [hbm4b:s0+s10], $0x80, s18, s10, $0xb8;
	[tilespmem:$0x1F4D0] =	vst v63  }
0xe4: {  	_ =	swait.ge [sflag:s12], $0x2000  }
0xe5: {  	[sflag:s12] =	ssyncset.done $0x0  }
0xe6: {  	s20 =	sadd.s32 $0x2780, s17;
	[sflag:s12] =	ssyncadd.s32 $0xFFFFE000  }
0xe7: {  	[spmem:s4] =	stream.indirect.scatter.add.f32 [tilespmem:s8], [sflag:$0x3], $0x80, s20, s10, $0xb8;
	[tilespmem:$0x1F4D0] =	vst v63  }
0xe8: {  	_ =	swait.ge [sflag:s9], $0x2000  }
0xe9: {  	[sflag:s9] =	ssyncset.done $0x0  }
0xea: {  	[sflag:s9] =	ssyncadd.s32 $0xFFFFE000  }
0xeb: {  	[spmem:s5] =	stream.indirect.scatter.add.f32 [tilespmem:s6], [sflag:$0x3], $0x10, s20, s10, $0xb8;
	[tilespmem:$0x1F4D0] =	vst v63  }
0xec: {  	_ =	swait.ge [sflag:s9], $0x400  }
0xed: {  	[sflag:s9] =	ssyncset.done $0x0  }
0xee: {  	s21 =	sadd.s32 $0x80, s17;
	[sflag:s9] =	ssyncadd.s32 $0xFFFFFC00  }
0xef: {  	[tilespmem:s8], [sflag:$0x1] =	stream.indirect.gather [hbm4b:s0+s10], $0x80, s21, s10, $0xb8;
	[tilespmem:$0x1F4D0] =	vst v63  }
0xf0: {  	_ =	swait.ge [sflag:s13], $0x2000  }
0xf1: {  	[sflag:s13] =	ssyncset.done $0x0  }
0xf2: {  	s19 =	sadd.s32 $0x27C0, s17;
	[sflag:s13] =	ssyncadd.s32 $0xFFFFE000  }
0xf3: {  	[spmem:s4] =	stream.indirect.scatter.add.f32 [tilespmem:s11], [sflag:$0x3], $0x80, s19, s10, $0xb8;
	[tilespmem:$0x1F4D0] =	vst v63  }
0xf4: {  	_ =	swait.ge [sflag:s9], $0x2000  }
0xf5: {  	[sflag:s9] =	ssyncset.done $0x0  }
0xf6: {  	[sflag:s9] =	ssyncadd.s32 $0xFFFFE000  }
0xf7: {  	[spmem:s5] =	stream.indirect.scatter.add.f32 [tilespmem:s6], [sflag:$0x3], $0x10, s19, s10, $0xb8;
	[tilespmem:$0x1F4D0] =	vst v63  }
0xf8: {  	_ =	swait.ge [sflag:s9], $0x400  }
0xf9: {  	[sflag:s9] =	ssyncset.done $0x0  }
0xfa: {  	s20 =	simm.s32 $0x2740;
	[sflag:s9] =	ssyncadd.s32 $0xFFFFFC00  }
0xfb: {  	[tilespmem:s11], [sflag:$0x2] =	stream.indirect.gather [hbm4b:s0+s10], $0x80, s20, s10, $0xb8;
	[tilespmem:$0x1F4D0] =	vst v63  }
0xfc: {  	_ =	swait.ge [sflag:s12], $0x2000  }
0xfd: {  	[sflag:s12] =	ssyncset.done $0x0  }
0xfe: {  	[sflag:s12] =	ssyncadd.s32 $0xFFFFE000  }
0xff: {  	[spmem:s4] =	stream.indirect.scatter.add.f32 [tilespmem:s8], [sflag:$0x3], $0x80, s14, s10, $0xb8;
	[tilespmem:$0x1F4D0] =	vst v63  }
0x100: {  	_ =	swait.ge [sflag:s9], $0x2000  }
0x101: {  	[sflag:s9] =	ssyncset.done $0x0  }
0x102: {  	[sflag:s9] =	ssyncadd.s32 $0xFFFFE000  }
0x103: {  	[spmem:s5] =	stream.indirect.scatter.add.f32 [tilespmem:s6], [sflag:$0x3], $0x10, s14, s10, $0xb8;
	[tilespmem:$0x1F4D0] =	vst v63  }
0x104: {  	_ =	swait.ge [sflag:s9], $0x400  }
0x105: {  	[sflag:s9] =	ssyncset.done $0x0  }
0x106: {  	[sflag:s9] =	ssyncadd.s32 $0xFFFFFC00  }
0x107: {  	_ =	swait.ge [sflag:s13], $0x2000  }
0x108: {  	[sflag:s13] =	ssyncset.done $0x0  }
0x109: {  	[sflag:s13] =	ssyncadd.s32 $0xFFFFE000  }
0x10a: {  	[spmem:s4] =	stream.indirect.scatter.add.f32 [tilespmem:s11], [sflag:$0x3], $0x80, s15, s10, $0xb8;
	[tilespmem:$0x1F4D0] =	vst v63  }
0x10b: {  	_ =	swait.ge [sflag:s9], $0x2000  }
0x10c: {  	[sflag:s9] =	ssyncset.done $0x0  }
0x10d: {  	[sflag:s9] =	ssyncadd.s32 $0xFFFFE000  }
0x10e: {  	[spmem:s5] =	stream.indirect.scatter.add.f32 [tilespmem:s6], [sflag:$0x3], $0x10, s15, s10, $0xb8;
	[tilespmem:$0x1F4D0] =	vst v63  }
.Ltmp6:
0x10f: {  	_ =	swait.ge [sflag:s9], $0x400;
	(pc) =	sbr.rel @!p0 .LBB2_10-.Ltmp6, $4  }
0x110: {  	[sflag:s9] =	ssyncset.done $0x0  }
0x111: {  	s21 =	stileid.u32;
	[sflag:s9] =	ssyncadd.s32 $0xFFFFFC00  }
0x112: {  	s19 =	sshll.u32 s21, $0x6;
	[bflag:$0x0] =	sbarrier.arrive $0xFFFF  }
0x113: {  	s18 =	sshrl.u32 s31, $0x3;
	s17 =	sor.u32 $0x1C03, s19  }
0x114: {  	s17 =	sor.u32 $0x1C03, s19;
	s21 =	rddreg [dreg:$0x16]  }
0x115: {  	[hbm:s21], [sflag:s17] =	dma.local [spmem:s18], $0x2700  }
0x116: {  	_ =	swait.ge [sflag:s9], $0x2700  }
0x117: {  	[sflag:s9] =	ssyncset.done $0x0  }
0x118: {  	s20 =	sshrl.u32 s3, $0x3;
	s21 =	rddreg [dreg:$0x18];
	[sflag:s9] =	ssyncadd.s32 $0xFFFFD900  }
0x119: {  	[hbm:s21], [sflag:s17] =	dma.local [spmem:s20], $0x4E0  }
.Ltmp7:
0x11a: {  	_ = 	snop;
	(pc) =	sbr.rel @p1 .LBB2_13-.Ltmp7, $4  }
.Ltmp8:
0x11b: {  	_ = 	snop;
	(pc) =	sbr.rel @!p1 .LBB2_12-.Ltmp8, $4  }
0x11c: {  	_ =	swait.ge [sflag:s9], $0x4E0  }
0x11d: {  	[sflag:s9] =	ssyncset.done $0x0;
	s19 =	rddreg [dreg:$0x7]  }
0x11e: {  	s18 =	rddreg [dreg:$0x8];
	[sflag:s9] =	ssyncadd.s32 $0xFFFFFB20  }
0x11f: {  	_ = 	snop  }
.LBB2_10:
0x120: {  	s19 =	rddreg [dreg:$0x15]  }
0x121: {  	[hbm:s19], [sflag:s17] =	dma.local [spmem:s18], $0x2700  }
0x122: {  	_ =	swait.ge [sflag:s9], $0x2700  }
0x123: {  	[sflag:s9] =	ssyncset.done $0x0  }
0x124: {  	s20 =	sshrl.u32 s3, $0x3;
	s21 =	rddreg [dreg:$0x17];
	[sflag:s9] =	ssyncadd.s32 $0xFFFFD900  }
0x125: {  	[hbm:s21], [sflag:s17] =	dma.local [spmem:s20], $0x4E0  }
.Ltmp9:
0x126: {  	_ = 	snop;
	(pc) =	sbr.rel @p2 .LBB2_12-.Ltmp9, $4  }
.Ltmp10:
0x127: {  	_ =	swait.ge [sflag:s9], $0x4E0;
	(pc) =	sbr.rel @!p2 .LBB2_13-.Ltmp10, $4  }
0x128: {  	[sflag:s9] =	ssyncset.done $0x0  }
0x129: {  	s19 =	rddreg [dreg:$0x6];
	[sflag:s9] =	ssyncadd.s32 $0xFFFFFB20  }
0x12a: {  	s18 =	rddreg [dreg:$0x2]  }
0x12b: {  	_ = 	snop  }
.LBB2_14:
0x12c: {  	_ =	sfence.sel $0x180000  }
0x12d: {  	[bflag:$0x0] =	sbarrier.arrive $0xFFFF  }
0x12e: {  	_ =	strace $0x90000047  }
0x12f: {  	s0 =	stileid.u32;
	[bflag:$0x2] =	sbarrier.arrive $0xFFFF  }
0x130: {  	p0 =	sne.s32 s0, $0x0;
	s0 =	rddreg [dreg:$0x5]  }
0x131: {  	s0 =	sadd.s32 @!p0 $0x100000, s0  }
0x132: {  	[sflag:s0] =	ssyncadd.tile.s32 @!p0 $0x1;
	_ =	shalt  }
.Lfunc_end2:
_tile_overlayer_lowered:
.L_overlay_start_2:
0x133: {  	(tag) =	ssettag $0x2  }
0x134: {  	s0 =	rddreg [dreg:$0x0];
	s2 =	stileid.u32  }
0x135: {  	s1 =	rddreg [dreg:$0x1];
	p0 =	sne.s32 s2, $0x0  }
0x136: {  	s3 =	rddreg [dreg:$0x2];
	[bflag:$0x3] =	sbarrier.arrive $0xFFFF;
	s2 =	simm.s32 @!p0 $0x1C03  }
0x137: {  	[timem:s3], [sflag:s2] =	dma.local @!p0 [hbm:s0], s1  }
0x138: {  	s0 =	simm.s32 @!p0 $0x3  }
0x139: {  	_ =	swait.ge @!p0 [sflag:s0], s1  }
0x13a: {  	s1 =	ssub.s32 @!p0 $0x0, s1;
	[sflag:s0] =	ssyncset.done @!p0 $0x0  }
0x13b: {  	[sflag:s0] =	ssyncadd.s32 @!p0 s1  }
0x13c: {  	[bflag:$0x3] =	sbarrier.arrive $0xFFFF  }
0x13d: {  	_ =	shalt  }

// kernel: kernel.14.cloned.1.call-start
scs
__scs_entry_jumppad:
0x0: {  	(pc) =	sbr.rel $0x88, $3  }
0x1: {  	(tag) =	ssettag $0x0;
	lr =	simm.s32 $0x1  }
0x2: {  	[smem:$0x3F96] =	sst lr;
	_ =	strace $0xD0000000  }
0x3: {  	_ = 	snop  }
0x4: {  	_ = 	snop  }
0x5: {  	_ = 	snop  }
0x6: {  	_ = 	snop  }
0x7: {  	_ = 	snop  }
__scs_overlays_trampoline_lowered:
0x8: {  	[smem:$0x3FA5] =	sst s0  }
0x9: {  	[smem:$0x3FA6] =	sst s1  }
0xa: {  	[smem:$0x3FA7] =	sst s2  }
0xb: {  	[smem:$0x3FA8] =	sst s3  }
0xc: {  	[smem:$0x3FA9] =	sst s4  }
0xd: {  	[smem:$0x3FAA] =	sst s5  }
0xe: {  	[smem:$0x3FAB] =	sst s6  }
0xf: {  	[smem:$0x3FAC] =	sst s7  }
0x10: {  	[smem:$0x3FAD] =	sst s8  }
0x11: {  	[smem:$0x3FAE] =	sst s9;
	s0 =	simm.s32 @!p0 $0x0  }
0x12: {  	s1 =	sld [smem:$0x3F94];
	s0 =	simm.s32 @p0 $0x1  }
0x13: {  	[smem:$0x3FAF] =	sst s0;
	s0 =	simm.s32 @!p1 $0x0  }
0x14: {  	s2 =	sld [smem:$0x3F93];
	s0 =	simm.s32 @p1 $0x1  }
0x15: {  	[smem:$0x3FB0] =	sst s0;
	s0 =	simm.s32 @!p2 $0x0  }
0x16: {  	s3 =	sld [smem:$0x3FDB];
	s0 =	simm.s32 @p2 $0x1  }
0x17: {  	s4 =	simm.s32 $0x1BF5;
	[smem:$0x3FB2] =	sst s0  }
0x18: {  	s0 =	sld [smem:$0x3F95];
	_ =	swait.ge [sflag:s4], $0x0  }
0x19: {  	s7 =	sld [smem:$0x3F96]  }
0x1a: {  	s8 =	sadd.s32 $0xFFFFE003, lr  }
0x1b: {  	s9 =	sadd.s32 $0xFFFFFEF7, lr;
	s5 =	simm.s32 $0xFFFFFFFF;
	p2 =	slt.u32 s8, $0xFFFFF086  }
0x1c: {  	p1 =	slt.u32 s9, $0xF7A;
	s5 =	simm.s32 @!p2 $0x0  }
0x1d: {  	s5 =	simm.s32 @p1 $0x1;
	p0 =	seq.s32 s7, s2  }
0x1e: {  	s7 =	smul.u32 @!p0 $0xF7A, s2;
	p2 =	seq.s32 @!p0 s5, $0x0  }
0x1f: {  	s9 =	smul.u32 $0xF7A, s1;
	s8 =	simm.s32 @!p0 $0x1BF5;
	p2 =	por !p2, p0  }
0x20: {  	[sflag:s8] =	ssyncset.s32 @!p0 $0xFFFFF086;
	s6 =	sadd.s32 @!p0 s3, s7;
	s7 =	simm.s32 @!p0 $0x108  }
0x21: {  	s3 =	sadd.s32 s3, s9;
	s6 =	sadd.s32 @!p0 $0x88, s6;
	s7 =	simm.s32 @p2 $0x1082  }
0x22: {  	[simem:s7], [sflag:s8] =	dma.local @!p0 [hbm:s6], $0xF7A  }
0x23: {  	s9 =	sor.u32 $0xD0000000, s2;
	s6 =	simm.s32 $0x108;
	_ =	swait.ge @!p0 [sflag:s8], $0x0  }
0x24: {  	s3 =	sadd.s32 $0x88, s3;
	s6 =	simm.s32 @!p1 $0x1082;
	[sflag:s4] =	ssyncset.s32 $0xFFFFF086  }
0x25: {  	[simem:s6], [sflag:s4] =	dma.local [hbm:s3], $0xF7A  }
0x26: {  	[smem:$0x3F96] =	sst s1;
	(tag) =	ssettag s2;
	_ =	strace s9  }
0x27: {  	s1 =	sld [smem:$0x3FA6]  }
0x28: {  	s2 =	sld [smem:$0x3FA7]  }
0x29: {  	s4 =	sld [smem:$0x3FA9]  }
0x2a: {  	p0 =	seq.s32 s5, $0x0;
	s5 =	sld [smem:$0x3FAA]  }
0x2b: {  	s6 =	sld [smem:$0x3FAB]  }
0x2c: {  	s7 =	sld [smem:$0x3FAC]  }
0x2d: {  	s3 =	simm.s32 $0x108;
	s8 =	sld [smem:$0x3FAD]  }
0x2e: {  	s3 =	simm.s32 @!p0 $0x1082;
	s9 =	sld [smem:$0x3FAE]  }
0x2f: {  	lr =	sadd.s32 s0, s3;
	s0 =	sld [smem:$0x3FA5]  }
0x30: {  	s3 =	sld [smem:$0x3FA8]  }
0x31: {  	[smem:$0x3FB1] =	sst s10  }
0x32: {  	s10 =	sld [smem:$0x3FAF];
	_ =	sdelay $0x3  }
0x33: {  	p0 =	seq.s32 s10, $0x1;
	s10 =	sld [smem:$0x3FB1];
	_ =	sdelay $0x3  }
0x34: {  	[smem:$0x3FB1] =	sst s10  }
0x35: {  	s10 =	sld [smem:$0x3FB0];
	_ =	sdelay $0x3  }
0x36: {  	p1 =	seq.s32 s10, $0x1;
	s10 =	sld [smem:$0x3FB1];
	_ =	sdelay $0x3  }
0x37: {  	[smem:$0x3FB1] =	sst s10  }
0x38: {  	s10 =	sld [smem:$0x3FB2]  }
0x39: {  	_ = 	snop;
	(pc) =	sbr.ind lr, $3  }
0x3a: {  	_ = 	snop  }
0x3b: {  	_ = 	snop  }
0x3c: {  	p2 =	seq.s32 s10, $0x1;
	s10 =	sld [smem:$0x3FB1]  }
0x3d: {  	_ =	shalt  }
0x3e: {  	_ =	shalt  }
0x3f: {  	_ =	shalt  }
0x40: {  	_ =	shalt  }
0x41: {  	_ =	shalt  }
0x42: {  	_ =	shalt  }
0x43: {  	_ =	shalt  }
0x44: {  	_ =	shalt  }
0x45: {  	_ =	shalt  }
0x46: {  	_ =	shalt  }
0x47: {  	_ =	shalt  }
0x48: {  	_ =	shalt  }
0x49: {  	_ =	shalt  }
0x4a: {  	_ =	shalt  }
0x4b: {  	_ =	shalt  }
0x4c: {  	_ =	shalt  }
0x4d: {  	_ =	shalt  }
0x4e: {  	_ =	shalt  }
0x4f: {  	_ =	shalt  }
0x50: {  	_ =	shalt  }
0x51: {  	_ =	shalt  }
0x52: {  	_ =	shalt  }
0x53: {  	_ =	shalt  }
0x54: {  	_ =	shalt  }
0x55: {  	_ =	shalt  }
0x56: {  	_ =	shalt  }
0x57: {  	_ =	shalt  }
0x58: {  	_ =	shalt  }
0x59: {  	_ =	shalt  }
0x5a: {  	_ =	shalt  }
0x5b: {  	_ =	shalt  }
0x5c: {  	_ =	shalt  }
0x5d: {  	_ =	shalt  }
0x5e: {  	_ =	shalt  }
0x5f: {  	_ =	shalt  }
0x60: {  	_ =	shalt  }
0x61: {  	_ =	shalt  }
0x62: {  	_ =	shalt  }
0x63: {  	_ =	shalt  }
0x64: {  	_ =	shalt  }
0x65: {  	_ =	shalt  }
0x66: {  	_ =	shalt  }
0x67: {  	_ =	shalt  }
0x68: {  	_ =	shalt  }
0x69: {  	_ =	shalt  }
0x6a: {  	_ =	shalt  }
0x6b: {  	_ =	shalt  }
0x6c: {  	_ =	shalt  }
0x6d: {  	_ =	shalt  }
0x6e: {  	_ =	shalt  }
0x6f: {  	_ =	shalt  }
0x70: {  	_ =	shalt  }
0x71: {  	_ =	shalt  }
0x72: {  	_ =	shalt  }
0x73: {  	_ =	shalt  }
0x74: {  	_ =	shalt  }
0x75: {  	_ =	shalt  }
0x76: {  	_ =	shalt  }
0x77: {  	_ =	shalt  }
0x78: {  	_ =	shalt  }
0x79: {  	_ =	shalt  }
0x7a: {  	_ =	shalt  }
0x7b: {  	_ =	shalt  }
0x7c: {  	_ =	shalt  }
0x7d: {  	_ =	shalt  }
0x7e: {  	_ =	shalt  }
0x7f: {  	_ =	shalt  }
0x80: {  	_ =	shalt  }
0x81: {  	_ =	shalt  }
0x82: {  	_ =	shalt  }
0x83: {  	_ =	shalt  }
0x84: {  	_ =	shalt  }
0x85: {  	_ =	shalt  }
0x86: {  	_ =	shalt  }
0x87: {  	_ =	shalt  }
.Lfunc_end0:
.L_simem_size_0:
called_computation.1_lowered:
.L_overlay_start_0:
0x88: {  	s2 =	sld [smem:$0x3FD9]  }
0x89: {  	s3 =	sld [smem:$0x3FFE];
	_ =	sdelay $0x1  }
0x8a: {  	s1 =	srdreg.scid  }
0x8b: {  	s0 =	sand.u32 $0x1, s1  }
0x8c: {  	s16 =	sshll.u32 s0, $0xA;
	s2 =	sadd.s32 s3, s2  }
0x8d: {  	s2 =	sadd.s32 s2, s16  }
0x8e: {  	[smem:$0x3FBD] =	sst s2  }
0x8f: {  	_ = 	snop  }
0x90: {  	(tm) =	ssettm $0x1  }
0x91: {  	s17 =	sld [smem:$0x3FFB];
	_ =	sdelay $0x3  }
0x92: {  	_ =	strace s17  }
0x93: {  	s2 =	sld [smem:$0x3FFC];
	_ =	sdelay $0x3  }
0x94: {  	_ =	strace s2  }
0x95: {  	s2 =	sld [smem:$0x3FFD];
	_ =	sdelay $0x3  }
0x96: {  	_ =	strace s2  }
0x97: {  	_ =	strace $0x8FFFFFFF  }
0x98: {  	s18 =	sld [smem:$0x3FDB];
	_ =	sdelay $0x1  }
0x99: {  	s19 =	simm.s32 $_scs_section_size  }
0x9a: {  	s4 =	simm.s32 $_size__tile_overlayer_lowered;
	s5 =	simm.s32 $_tile_overlayer_lowered  }
0x9b: {  	s22 =	simm.s32 $0x1BFF;
	s21 =	sshll.u32 s5, $0x1;
	s2 =	sadd.s32 s19, s18  }
0x9c: {  	s6 =	simm.s32 $0x0;
	s20 =	sshll.u32 s4, $0x1;
	s4 =	sadd.s32 s21, s2  }
0x9d: {  	[timem:s6], [sflag:s22] =	dma.local [hbm:s4], s20  }
0x9e: {  	_ =	swait.ge [sflag:s22], s20  }
0x9f: {  	s3 =	ssub.s32 $0x0, s20;
	[sflag:s22] =	ssyncset.done $0x0  }
0xa0: {  	[sflag:s22] =	ssyncadd.s32 s3;
	_ =	sdelay $0x1  }
0xa1: {  	s23 =	simm.s32 $0x1B8B  }
0xa2: {  	_ =	swait.ge [sflag:s23], $0x1  }
0xa3: {  	[sflag:s23] =	ssyncset.done $0x0  }
0xa4: {  	s25 =	simm.s32 $0x1B8E;
	s24 =	sld [smem:$0x3FFE];
	[sflag:s23] =	ssyncadd.s32 $0xFFFFFFFF  }
0xa5: {  	s26 =	simm.s32 $execute0_lowered;
	[smem:$0x3FD2] =	sst s25  }
0xa6: {  	s4 =	sshll.u32 s26, $0x1;
	_ =	strace $0x80000049;
	[dreg:$0x1] =	wrdreg $0xFFFFFFFF  }
0xa7: {  	s28 =	simm.s32 $_size_execute0_lowered;
	s2 =	sadd.s32 s2, s4;
	[dreg:$0x0] =	wrdreg $0x0  }
0xa8: {  	s4 =	sshll.u32 s28, $0x1;
	[dreg:$0x2] =	wrdreg s2  }
0xa9: {  	[dreg:$0x3] =	wrdreg s4  }
0xaa: {  	[dreg:$0x4] =	wrdreg $0xC0  }
0xab: {  	_ =	task [dreg:s6], $0x5FFFF  }
0xac: {  	[dreg:$0x1] =	wrdreg $0xFFFFFFFF  }
0xad: {  	[dreg:$0x0] =	wrdreg $0x60  }
0xae: {  	[dreg:$0x2] =	wrdreg s24  }
0xaf: {  	[dreg:$0x3] =	wrdreg $0x8F000  }
0xb0: {  	[dreg:$0x4] =	wrdreg $0x9  }
0xb1: {  	_ =	task.clear_ibuf [dreg:s6], $0x5FFFF;
	_ =	strace $0x90000049  }
0xb2: {  	s29 =	simm.s32 $0x9;
	_ =	strace $0x8000004B  }
0xb3: {  	_ =	swait.ge [sflag:s29], $0x1  }
0xb4: {  	[sflag:s29] =	ssyncadd.s32 $0xFFFFFFFF  }
0xb5: {  	_ =	strace $0x9000004B  }
0xb6: {  	_ =	sfence  }
0xb7: {  	s30 =	sld [smem:$0x0];
	_ =	sdelay $0x2  }
0xb8: {  	s31 =	sshll.u32 s1, $0xD;
	s1 =	sshrl.u32 s1, $0x2  }
0xb9: {  	s3 =	sand.u32 $0x4000, s31;
	s1 =	sadd.s32 s1, s30  }
0xba: {  	s0 =	sor.u32 s3, s0;
	s1 =	sshll.u32 s1, $0x11  }
0xbb: {  	s0 =	sor.u32 s1, s0  }
0xbc: {  	s0 =	sadd.s32 $0x8F2B, s0  }
0xbd: {  	[sflag:s0] =	ssyncadd.remote.s32 $0x1  }
0xbe: {  	_ =	sfence.sel $0xFFFF  }
0xbf: {  	[dreg:$0x0] =	wrdreg $0xFFFFFFFF;
	(pc) =	sbr.abs _section_cstart, $3  }
0xc0: {  	[dreg:$0x1] =	wrdreg $0xFFFFFFFF  }
0xc1: {  	_ =	task.clear_ibuf [dreg:s6], $0x2FFFF;
	_ =	strace $0x9FFFFFFF  }
0xc2: {  	(tm) =	ssettm $0x7FFFFFFF  }
0xc3: {  	_ =	shalt  }
tec
execute0_lowered:
.L_overlay_start_1:
0x0: {  	(tag) =	ssettag $0x1  }
0x1: {  	s0 =	srdreg.scid;
	s1 =	rddreg [dreg:$0x0]  }
0x2: {  	s2 =	rddreg [dreg:$0x1];
	s20 =	stileid.u32;
	s3 =	simm.s32 $0x0  }
0x3: {  	s23 =	simm.s32 $0x4F00;
	s28 =	simm.s32 $0x6F00;
	s29 =	simm.s32 $0x1  }
0x4: {  	s30 =	simm.s32 $0x2;
	s0 =	sand.u32 $0x1, s0;
	s6 =	smul.u32 $0x4E000, s20  }
0x5: {  	[smem:$0x7FF] =	sst s3;
	s21 =	sadd.s32 $0x65C00, s1;
	s19 =	smul.u32 $0x13800, s20  }
0x6: {  	s22 =	sadd.s32 $0x8CE00, s1;
	s17 =	sadd.s32 $0x138000, s2;
	p1 =	sne.s32 s20, $0xF  }
0x7: {  	p2 =	seq.s32 s20, $0xF;
	s4 =	sshll.u32 s0, $0x4;
	_ =	strace $0x8000004A  }
0x8: {  	s7 =	ssub.s32 $0x2, s0;
	p0 =	seq.s32 s0, $0x1;
	[dreg:$0x3] =	wrdreg s21  }
0x9: {  	[dreg:$0x4] =	wrdreg s22;
	s0 =	simm.s32 $0x4E80;
	s4 =	sor.u32 s20, s4  }
0xa: {  	s24 =	sshrl.u32 s7, $0x1;
	s6 =	sshrl.u32 s6, $0x2;
	s25 =	sshrl.u32 s19, $0x3  }
0xb: {  	s5 =	smul.u32 $0x4F0, s4;
	s4 =	sadd.s32 $0x17800, s1;
	s6 =	sadd.s32 s6, s2  }
0xc: {  	s26 =	sadd.s32 s21, s25;
	s31 =	sadd.s32 s22, s25;
	s25 =	simm.s32 $0x0  }
0xd: {  	s8 =	sadd.s32 $0x2000, s6;
	s9 =	sadd.s32 $0x4000, s6;
	s10 =	sadd.s32 $0x6000, s6  }
0xe: {  	s11 =	sadd.s32 $0x8000, s6;
	s12 =	sadd.s32 $0xA000, s6;
	s13 =	sadd.s32 $0xC000, s6  }
.Ltmp0:
0xf: {  	s14 =	sadd.s32 $0xE000, s6;
	[dreg:$0x5] =	wrdreg s26;
	(pc) =	sbr.rel .LBB2_1-.Ltmp0, $4  }
0x10: {  	s15 =	sadd.s32 $0x10000, s6;
	s16 =	sadd.s32 $0x12000, s6;
	[dreg:$0x6] =	wrdreg s31  }
0x11: {  	s26 =	simm.s32 $0x40;
	s5 =	sadd.s32 s5, s1;
	s1 =	ssub.s32 s7, s24  }
0x12: {  	s7 =	sadd.s32 s19, s2;
	s24 =	simm.s32 $0x3;
	s18 =	sadd.s32 $0x3C00, s5  }
0x13: {  	v0 =	vimm.f32 $0.0e+00;
	s19 =	sadd.s32 $0xDA00, s5;
	s22 =	smax.u32 s1, $0x1;
	s5 =	simm.s32 $0x4EC0  }
.LBB2_8:
0x14: {  	s1 =	sadd.s32 $0x27000, s1;
	s20 =	sshrl.u32 s17, $0x3  }
0x15: {  	[hbm:s1], [sflag:s6] =	dma.local [spmem:s20], $0x100  }
0x16: {  	_ =	swait.ge [sflag:s24], $0x100  }
0x17: {  	[sflag:s24] =	ssyncset.done $0x0  }
0x18: {  	[sflag:s24] =	ssyncadd.s32 $0xFFFFFF00  }
.LBB2_9:
0x19: {  	s25 =	sadd.s32 $0x1, s25  }
0x1a: {  	p3 =	sne.s32 s25, s22  }
.Ltmp1:
0x1b: {  	_ = 	snop;
	(pc) =	sbr.rel @!p3 .LBB2_10-.Ltmp1, $1  }
0x1c: {  	_ =	sdelay $0x3  }
.LBB2_1:
0x1d: {  	s1 =	sand.u32 $0x7E00, s3  }
0x1e: {  	s20 =	sand.u32 $0x70, s3;
	s1 =	sshrl.u32 s1, $0x2  }
0x1f: {  	s6 =	simm.s32 $0x40;
	s1 =	sor.u32 s20, s1;
	s20 =	simm.s32 $0x0  }
.LBB2_2:
0x20: {  	p3 =	sne.s32 s6, $0x7FC0  }
0x21: {  	[tilespmem:s1+$0x4F00] =	vst v0;
	s20 =	sadd.s32 $0x10, s20;
	s1 =	smov.u32 s6;
	s6 =	sadd.s32 $0x40, s6  }
.Ltmp2:
0x22: {  	(pc) =	sbr.rel @p3 .LBB2_2-.Ltmp2, $4  }
0x23: {  	_ = 	snop  }
0x24: {  	s1 =	sand.u32 $0x7E00, s1  }
0x25: {  	s21 =	sand.u32 $0x70, s20;
	s1 =	sshrl.u32 s1, $0x2  }
0x26: {  	s1 =	sor.u32 s21, s1  }
0x27: {  	[tilespmem:s1+$0x4F00] =	vst v0  }
0x28: {  	[spmem:s7] =	stream.linear.scatter [tilespmem:s23], [sflag:$0x3], $0x2000, $0x38;
	[tilespmem:$0x1C980] =	vst v63  }
0x29: {  	_ =	swait.ge [sflag:s24], $0x2000  }
0x2a: {  	[sflag:s24] =	ssyncset.done $0x0  }
0x2b: {  	[sflag:s24] =	ssyncadd.s32 $0xFFFFE000  }
0x2c: {  	[spmem:s8] =	stream.linear.scatter [tilespmem:s23], [sflag:$0x3], $0x2000, $0x38;
	[tilespmem:$0x1C980] =	vst v63  }
0x2d: {  	_ =	swait.ge [sflag:s24], $0x2000  }
0x2e: {  	[sflag:s24] =	ssyncset.done $0x0  }
0x2f: {  	[sflag:s24] =	ssyncadd.s32 $0xFFFFE000  }
0x30: {  	[spmem:s9] =	stream.linear.scatter [tilespmem:s23], [sflag:$0x3], $0x2000, $0x38;
	[tilespmem:$0x1C980] =	vst v63  }
0x31: {  	_ =	swait.ge [sflag:s24], $0x2000  }
0x32: {  	[sflag:s24] =	ssyncset.done $0x0  }
0x33: {  	[sflag:s24] =	ssyncadd.s32 $0xFFFFE000  }
0x34: {  	[spmem:s10] =	stream.linear.scatter [tilespmem:s23], [sflag:$0x3], $0x2000, $0x38;
	[tilespmem:$0x1C980] =	vst v63  }
0x35: {  	_ =	swait.ge [sflag:s24], $0x2000  }
0x36: {  	[sflag:s24] =	ssyncset.done $0x0  }
0x37: {  	[sflag:s24] =	ssyncadd.s32 $0xFFFFE000  }
0x38: {  	[spmem:s11] =	stream.linear.scatter [tilespmem:s23], [sflag:$0x3], $0x2000, $0x38;
	[tilespmem:$0x1C980] =	vst v63  }
0x39: {  	_ =	swait.ge [sflag:s24], $0x2000  }
0x3a: {  	[sflag:s24] =	ssyncset.done $0x0  }
0x3b: {  	[sflag:s24] =	ssyncadd.s32 $0xFFFFE000  }
0x3c: {  	[spmem:s12] =	stream.linear.scatter [tilespmem:s23], [sflag:$0x3], $0x2000, $0x38;
	[tilespmem:$0x1C980] =	vst v63  }
0x3d: {  	_ =	swait.ge [sflag:s24], $0x2000  }
0x3e: {  	[sflag:s24] =	ssyncset.done $0x0  }
0x3f: {  	[sflag:s24] =	ssyncadd.s32 $0xFFFFE000  }
0x40: {  	[spmem:s13] =	stream.linear.scatter [tilespmem:s23], [sflag:$0x3], $0x2000, $0x38;
	[tilespmem:$0x1C980] =	vst v63  }
0x41: {  	_ =	swait.ge [sflag:s24], $0x2000  }
0x42: {  	[sflag:s24] =	ssyncset.done $0x0  }
0x43: {  	[sflag:s24] =	ssyncadd.s32 $0xFFFFE000  }
0x44: {  	[spmem:s14] =	stream.linear.scatter [tilespmem:s23], [sflag:$0x3], $0x2000, $0x38;
	[tilespmem:$0x1C980] =	vst v63  }
0x45: {  	_ =	swait.ge [sflag:s24], $0x2000  }
0x46: {  	[sflag:s24] =	ssyncset.done $0x0  }
0x47: {  	[sflag:s24] =	ssyncadd.s32 $0xFFFFE000  }
0x48: {  	[spmem:s15] =	stream.linear.scatter [tilespmem:s23], [sflag:$0x3], $0x2000, $0x38;
	[tilespmem:$0x1C980] =	vst v63  }
0x49: {  	_ =	swait.ge [sflag:s24], $0x2000  }
0x4a: {  	[sflag:s24] =	ssyncset.done $0x0  }
0x4b: {  	[sflag:s24] =	ssyncadd.s32 $0xFFFFE000  }
0x4c: {  	[spmem:s16] =	stream.linear.scatter [tilespmem:s23], [sflag:$0x3], $0x1800, $0x38;
	[tilespmem:$0x1C980] =	vst v63  }
0x4d: {  	_ =	swait.ge [sflag:s24], $0x1800  }
0x4e: {  	[sflag:s24] =	ssyncset.done $0x0  }
0x4f: {  	s1 =	simm.s32 @!p1 $0x4F00;
	[sflag:s24] =	ssyncadd.s32 $0xFFFFE800  }
0x50: {  	[spmem:s17] =	stream.linear.scatter @!p1 [tilespmem:s1], [sflag:$0x3], $0x800, $0x38;
	[tilespmem:$0x1C980] =	vst v63  }
0x51: {  	s1 =	simm.s32 @!p1 $0x3  }
0x52: {  	_ =	swait.ge @!p1 [sflag:s1], $0x800  }
0x53: {  	[sflag:s1] =	ssyncset.done @!p1 $0x0  }
0x54: {  	[sflag:s1] =	ssyncadd.s32 @!p1 $0xFFFFF800  }
0x55: {  	s31 =	simm.s32 $0x0;
	[bflag:$0x0] =	sbarrier.arrive $0xFFFF  }
0x56: {  	[tilespmem:s31], [sflag:$0x3] =	stream.linear.gather [hbm4b:s18+s31], $0x2780, $0x38;
	[tilespmem:$0x1C980] =	vst v63  }
0x57: {  	_ =	swait.ge [sflag:s24], $0x2780  }
0x58: {  	[sflag:s24] =	ssyncset.done $0x0  }
0x59: {  	s6 =	simm.s32 $0x2780;
	[sflag:s24] =	ssyncadd.s32 $0xFFFFD880  }
0x5a: {  	[tilespmem:s6], [sflag:$0x3] =	stream.linear.gather [hbm4b:s19+s31], $0x2780, $0x38;
	[tilespmem:$0x1C980] =	vst v63  }
0x5b: {  	_ =	swait.ge [sflag:s24], $0x2780  }
0x5c: {  	[sflag:s24] =	ssyncset.done $0x0  }
0x5d: {  	[sflag:s24] =	ssyncadd.s32 $0xFFFFD880  }
0x5e: {  	[tilespmem:s23], [sflag:$0x1] =	stream.indirect.gather [hbm4b:s4+s26], $0x80, s31, s26, $0xb8;
	[tilespmem:$0x1C980] =	vst v63  }
0x5f: {  	s6 =	simm.s32 $0x40  }
0x60: {  	[tilespmem:s28], [sflag:$0x2] =	stream.indirect.gather [hbm4b:s4+s26], $0x80, s6, s26, $0xb8;
	[tilespmem:$0x1C980] =	vst v63  }
0x61: {  	_ =	swait.ge [sflag:s29], $0x2000  }
0x62: {  	[sflag:s29] =	ssyncset.done $0x0  }
0x63: {  	s20 =	simm.s32 $0x2780;
	[sflag:s29] =	ssyncadd.s32 $0xFFFFE000  }
0x64: {  	[spmem:s2] =	stream.indirect.scatter.add.f32 [tilespmem:s23], [sflag:$0x3], $0x80, s20, s26, $0xb8;
	[tilespmem:$0x1C980] =	vst v63  }
0x65: {  	_ =	swait.ge [sflag:s24], $0x2000  }
0x66: {  	[sflag:s24] =	ssyncset.done $0x0  }
0x67: {  	s21 =	simm.s32 $0x80;
	[sflag:s24] =	ssyncadd.s32 $0xFFFFE000  }
0x68: {  	[tilespmem:s23], [sflag:$0x1] =	stream.indirect.gather [hbm4b:s4+s26], $0x80, s21, s26, $0xb8;
	[tilespmem:$0x1C980] =	vst v63  }
0x69: {  	_ =	swait.ge [sflag:s30], $0x2000  }
0x6a: {  	[sflag:s30] =	ssyncset.done $0x0  }
0x6b: {  	s31 =	simm.s32 $0x27C0;
	[sflag:s30] =	ssyncadd.s32 $0xFFFFE000  }
0x6c: {  	[spmem:s2] =	stream.indirect.scatter.add.f32 [tilespmem:s28], [sflag:$0x3], $0x80, s31, s26, $0xb8;
	[tilespmem:$0x1C980] =	vst v63  }
0x6d: {  	_ =	swait.ge [sflag:s24], $0x2000  }
0x6e: {  	s6 =	simm.s32 $0x80;
	s20 =	simm.s32 $0x400;
	[sflag:s24] =	ssyncset.done $0x0  }
.LBB2_4:
0x6f: {  	s1 =	sadd.s32 $0x40, s6  }
0x70: {  	[sflag:s24] =	ssyncadd.s32 $0xFFFFE000;
	s21 =	smov.u32 s20;
	s31 =	sadd.s32 $0x200, s20  }
0x71: {  	[tilespmem:s28], [sflag:$0x2] =	stream.indirect.gather [hbm4b:s4+s26], $0x80, s1, s26, $0xb8;
	[tilespmem:$0x1C980] =	vst v63  }
0x72: {  	p3 =	sne.s32 s20, $0x9A00;
	_ =	swait.ge [sflag:s29], $0x2000  }
0x73: {  	[sflag:s29] =	ssyncset.done $0x0  }
0x74: {  	s1 =	sadd.s32 $0x2780, s6;
	[sflag:s29] =	ssyncadd.s32 $0xFFFFE000  }
0x75: {  	[spmem:s2] =	stream.indirect.scatter.add.f32 [tilespmem:s23], [sflag:$0x3], $0x80, s1, s26, $0xb8;
	[tilespmem:$0x1C980] =	vst v63  }
0x76: {  	_ =	swait.ge [sflag:s24], $0x2000  }
0x77: {  	[sflag:s24] =	ssyncset.done $0x0  }
0x78: {  	s1 =	sadd.s32 $0x80, s6;
	[sflag:s24] =	ssyncadd.s32 $0xFFFFE000  }
0x79: {  	[tilespmem:s23], [sflag:$0x1] =	stream.indirect.gather [hbm4b:s4+s26], $0x80, s1, s26, $0xb8;
	[tilespmem:$0x1C980] =	vst v63  }
0x7a: {  	_ =	swait.ge [sflag:s30], $0x2000  }
.Ltmp3:
0x7b: {  	[sflag:s30] =	ssyncset.done $0x0;
	(pc) =	sbr.rel @p3 .LBB2_4-.Ltmp3, $4  }
0x7c: {  	s1 =	sadd.s32 $0x27C0, s6;
	[sflag:s30] =	ssyncadd.s32 $0xFFFFE000  }
0x7d: {  	[spmem:s2] =	stream.indirect.scatter.add.f32 [tilespmem:s28], [sflag:$0x3], $0x80, s1, s26, $0xb8;
	[tilespmem:$0x1C980] =	vst v63  }
0x7e: {  	_ =	swait.ge [sflag:s24], $0x2000  }
0x7f: {  	s20 =	smov.u32 s31;
	s6 =	sshra.s32 s21, $0x2;
	[sflag:s24] =	ssyncset.done $0x0  }
0x80: {  	s1 =	sadd.s32 $0x40, s6;
	[sflag:s24] =	ssyncadd.s32 $0xFFFFE000  }
0x81: {  	[tilespmem:s28], [sflag:$0x2] =	stream.indirect.gather [hbm4b:s4+s26], $0x80, s1, s26, $0xb8;
	[tilespmem:$0x1C980] =	vst v63  }
0x82: {  	_ =	swait.ge [sflag:s29], $0x2000  }
0x83: {  	[sflag:s29] =	ssyncset.done $0x0  }
0x84: {  	s21 =	sadd.s32 $0x2780, s6;
	[sflag:s29] =	ssyncadd.s32 $0xFFFFE000  }
0x85: {  	[spmem:s2] =	stream.indirect.scatter.add.f32 [tilespmem:s23], [sflag:$0x3], $0x80, s21, s26, $0xb8;
	[tilespmem:$0x1C980] =	vst v63  }
0x86: {  	_ =	swait.ge [sflag:s24], $0x2000  }
0x87: {  	[sflag:s24] =	ssyncset.done $0x0  }
0x88: {  	s31 =	sadd.s32 $0x80, s6;
	[sflag:s24] =	ssyncadd.s32 $0xFFFFE000  }
0x89: {  	[tilespmem:s23], [sflag:$0x1] =	stream.indirect.gather [hbm4b:s4+s26], $0x80, s31, s26, $0xb8;
	[tilespmem:$0x1C980] =	vst v63  }
0x8a: {  	_ =	swait.ge [sflag:s30], $0x2000  }
0x8b: {  	[sflag:s30] =	ssyncset.done $0x0  }
0x8c: {  	s20 =	sadd.s32 $0x27C0, s6;
	[sflag:s30] =	ssyncadd.s32 $0xFFFFE000  }
0x8d: {  	[spmem:s2] =	stream.indirect.scatter.add.f32 [tilespmem:s28], [sflag:$0x3], $0x80, s20, s26, $0xb8;
	[tilespmem:$0x1C980] =	vst v63  }
0x8e: {  	_ =	swait.ge [sflag:s24], $0x2000  }
0x8f: {  	[sflag:s24] =	ssyncset.done $0x0  }
0x90: {  	s21 =	simm.s32 $0x2740;
	[sflag:s24] =	ssyncadd.s32 $0xFFFFE000  }
0x91: {  	[tilespmem:s28], [sflag:$0x2] =	stream.indirect.gather [hbm4b:s4+s26], $0x80, s21, s26, $0xb8;
	[tilespmem:$0x1C980] =	vst v63  }
0x92: {  	_ =	swait.ge [sflag:s29], $0x2000  }
0x93: {  	[sflag:s29] =	ssyncset.done $0x0  }
0x94: {  	[sflag:s29] =	ssyncadd.s32 $0xFFFFE000  }
0x95: {  	[spmem:s2] =	stream.indirect.scatter.add.f32 [tilespmem:s23], [sflag:$0x3], $0x80, s0, s26, $0xb8;
	[tilespmem:$0x1C980] =	vst v63  }
0x96: {  	_ =	swait.ge [sflag:s24], $0x2000  }
0x97: {  	[sflag:s24] =	ssyncset.done $0x0  }
0x98: {  	[sflag:s24] =	ssyncadd.s32 $0xFFFFE000  }
0x99: {  	_ =	swait.ge [sflag:s30], $0x2000  }
0x9a: {  	[sflag:s30] =	ssyncset.done $0x0  }
0x9b: {  	[sflag:s30] =	ssyncadd.s32 $0xFFFFE000  }
0x9c: {  	[spmem:s2] =	stream.indirect.scatter.add.f32 [tilespmem:s28], [sflag:$0x3], $0x80, s5, s26, $0xb8;
	[tilespmem:$0x1C980] =	vst v63  }
.Ltmp4:
0x9d: {  	_ =	swait.ge [sflag:s24], $0x2000;
	(pc) =	sbr.rel @!p0 .LBB2_6-.Ltmp4, $4  }
0x9e: {  	[sflag:s24] =	ssyncset.done $0x0  }
0x9f: {  	s31 =	stileid.u32;
	[sflag:s24] =	ssyncadd.s32 $0xFFFFE000  }
0xa0: {  	s20 =	sshll.u32 s31, $0x6;
	[bflag:$0x0] =	sbarrier.arrive $0xFFFF  }
0xa1: {  	s1 =	sshrl.u32 s7, $0x3;
	s6 =	sor.u32 $0x1C03, s20  }
0xa2: {  	s6 =	sor.u32 $0x1C03, s20;
	s31 =	rddreg [dreg:$0x6]  }
0xa3: {  	[hbm:s31], [sflag:s6] =	dma.local [spmem:s1], $0x2700  }
.Ltmp5:
0xa4: {  	_ = 	snop;
	(pc) =	sbr.rel @p1 .LBB2_9-.Ltmp5, $4  }
.Ltmp6:
0xa5: {  	_ = 	snop;
	(pc) =	sbr.rel @!p1 .LBB2_8-.Ltmp6, $4  }
0xa6: {  	_ =	swait.ge [sflag:s24], $0x2700  }
0xa7: {  	[sflag:s24] =	ssyncset.done $0x0  }
0xa8: {  	s1 =	rddreg [dreg:$0x4];
	[sflag:s24] =	ssyncadd.s32 $0xFFFFD900  }
0xa9: {  	_ = 	snop  }
.LBB2_6:
0xaa: {  	s20 =	rddreg [dreg:$0x5]  }
0xab: {  	[hbm:s20], [sflag:s6] =	dma.local [spmem:s1], $0x2700  }
.Ltmp7:
0xac: {  	_ = 	snop;
	(pc) =	sbr.rel @p2 .LBB2_8-.Ltmp7, $4  }
.Ltmp8:
0xad: {  	_ = 	snop;
	(pc) =	sbr.rel @!p2 .LBB2_9-.Ltmp8, $4  }
0xae: {  	_ =	swait.ge [sflag:s24], $0x2700  }
0xaf: {  	[sflag:s24] =	ssyncset.done $0x0  }
0xb0: {  	s1 =	rddreg [dreg:$0x3];
	[sflag:s24] =	ssyncadd.s32 $0xFFFFD900  }
0xb1: {  	_ = 	snop  }
.LBB2_10:
0xb2: {  	_ =	sfence.sel $0x180000  }
0xb3: {  	[bflag:$0x0] =	sbarrier.arrive $0xFFFF  }
0xb4: {  	_ =	strace $0x9000004A  }
0xb5: {  	s0 =	stileid.u32;
	[bflag:$0x2] =	sbarrier.arrive $0xFFFF  }
0xb6: {  	p0 =	sne.s32 s0, $0x0;
	s0 =	rddreg [dreg:$0x2]  }
0xb7: {  	s0 =	sadd.s32 @!p0 $0x100000, s0  }
0xb8: {  	[sflag:s0] =	ssyncadd.tile.s32 @!p0 $0x1;
	_ =	shalt  }
.Lfunc_end2:
_tile_overlayer_lowered:
.L_overlay_start_2:
0xb9: {  	(tag) =	ssettag $0x2  }
0xba: {  	s0 =	rddreg [dreg:$0x0];
	s2 =	stileid.u32  }
0xbb: {  	s1 =	rddreg [dreg:$0x1];
	p0 =	sne.s32 s2, $0x0  }
0xbc: {  	s3 =	rddreg [dreg:$0x2];
	[bflag:$0x3] =	sbarrier.arrive $0xFFFF;
	s2 =	simm.s32 @!p0 $0x1C03  }
0xbd: {  	[timem:s3], [sflag:s2] =	dma.local @!p0 [hbm:s0], s1  }
0xbe: {  	s0 =	simm.s32 @!p0 $0x3  }
0xbf: {  	_ =	swait.ge @!p0 [sflag:s0], s1  }
0xc0: {  	s1 =	ssub.s32 @!p0 $0x0, s1;
	[sflag:s0] =	ssyncset.done @!p0 $0x0  }
0xc1: {  	[sflag:s0] =	ssyncadd.s32 @!p0 s1  }
0xc2: {  	[bflag:$0x3] =	sbarrier.arrive $0xFFFF  }
0xc3: {  	_ =	shalt  }

// kernel: kernel.17.cloned.1.call-start
scs
__scs_entry_jumppad:
0x0: {  	(pc) =	sbr.rel $0x88, $3  }
0x1: {  	(tag) =	ssettag $0x0;
	lr =	simm.s32 $0x1  }
0x2: {  	[smem:$0x3F96] =	sst lr;
	_ =	strace $0xD0000000  }
0x3: {  	_ = 	snop  }
0x4: {  	_ = 	snop  }
0x5: {  	_ = 	snop  }
0x6: {  	_ = 	snop  }
0x7: {  	_ = 	snop  }
__scs_overlays_trampoline_lowered:
0x8: {  	[smem:$0x3FA5] =	sst s0  }
0x9: {  	[smem:$0x3FA6] =	sst s1  }
0xa: {  	[smem:$0x3FA7] =	sst s2  }
0xb: {  	[smem:$0x3FA8] =	sst s3  }
0xc: {  	[smem:$0x3FA9] =	sst s4  }
0xd: {  	[smem:$0x3FAA] =	sst s5  }
0xe: {  	[smem:$0x3FAB] =	sst s6  }
0xf: {  	[smem:$0x3FAC] =	sst s7  }
0x10: {  	[smem:$0x3FAD] =	sst s8  }
0x11: {  	[smem:$0x3FAE] =	sst s9;
	s0 =	simm.s32 @!p0 $0x0  }
0x12: {  	s1 =	sld [smem:$0x3F94];
	s0 =	simm.s32 @p0 $0x1  }
0x13: {  	[smem:$0x3FAF] =	sst s0;
	s0 =	simm.s32 @!p1 $0x0  }
0x14: {  	s2 =	sld [smem:$0x3F93];
	s0 =	simm.s32 @p1 $0x1  }
0x15: {  	[smem:$0x3FB0] =	sst s0;
	s0 =	simm.s32 @!p2 $0x0  }
0x16: {  	s3 =	sld [smem:$0x3FDB];
	s0 =	simm.s32 @p2 $0x1  }
0x17: {  	s4 =	simm.s32 $0x1BF5;
	[smem:$0x3FB2] =	sst s0  }
0x18: {  	s0 =	sld [smem:$0x3F95];
	_ =	swait.ge [sflag:s4], $0x0  }
0x19: {  	s7 =	sld [smem:$0x3F96]  }
0x1a: {  	s8 =	sadd.s32 $0xFFFFE003, lr  }
0x1b: {  	s9 =	sadd.s32 $0xFFFFFEF7, lr;
	s5 =	simm.s32 $0xFFFFFFFF;
	p2 =	slt.u32 s8, $0xFFFFF086  }
0x1c: {  	p1 =	slt.u32 s9, $0xF7A;
	s5 =	simm.s32 @!p2 $0x0  }
0x1d: {  	s5 =	simm.s32 @p1 $0x1;
	p0 =	seq.s32 s7, s2  }
0x1e: {  	s7 =	smul.u32 @!p0 $0xF7A, s2;
	p2 =	seq.s32 @!p0 s5, $0x0  }
0x1f: {  	s9 =	smul.u32 $0xF7A, s1;
	s8 =	simm.s32 @!p0 $0x1BF5;
	p2 =	por !p2, p0  }
0x20: {  	[sflag:s8] =	ssyncset.s32 @!p0 $0xFFFFF086;
	s6 =	sadd.s32 @!p0 s3, s7;
	s7 =	simm.s32 @!p0 $0x108  }
0x21: {  	s3 =	sadd.s32 s3, s9;
	s6 =	sadd.s32 @!p0 $0x88, s6;
	s7 =	simm.s32 @p2 $0x1082  }
0x22: {  	[simem:s7], [sflag:s8] =	dma.local @!p0 [hbm:s6], $0xF7A  }
0x23: {  	s9 =	sor.u32 $0xD0000000, s2;
	s6 =	simm.s32 $0x108;
	_ =	swait.ge @!p0 [sflag:s8], $0x0  }
0x24: {  	s3 =	sadd.s32 $0x88, s3;
	s6 =	simm.s32 @!p1 $0x1082;
	[sflag:s4] =	ssyncset.s32 $0xFFFFF086  }
0x25: {  	[simem:s6], [sflag:s4] =	dma.local [hbm:s3], $0xF7A  }
0x26: {  	[smem:$0x3F96] =	sst s1;
	(tag) =	ssettag s2;
	_ =	strace s9  }
0x27: {  	s1 =	sld [smem:$0x3FA6]  }
0x28: {  	s2 =	sld [smem:$0x3FA7]  }
0x29: {  	s4 =	sld [smem:$0x3FA9]  }
0x2a: {  	p0 =	seq.s32 s5, $0x0;
	s5 =	sld [smem:$0x3FAA]  }
0x2b: {  	s6 =	sld [smem:$0x3FAB]  }
0x2c: {  	s7 =	sld [smem:$0x3FAC]  }
0x2d: {  	s3 =	simm.s32 $0x108;
	s8 =	sld [smem:$0x3FAD]  }
0x2e: {  	s3 =	simm.s32 @!p0 $0x1082;
	s9 =	sld [smem:$0x3FAE]  }
0x2f: {  	lr =	sadd.s32 s0, s3;
	s0 =	sld [smem:$0x3FA5]  }
0x30: {  	s3 =	sld [smem:$0x3FA8]  }
0x31: {  	[smem:$0x3FB1] =	sst s10  }
0x32: {  	s10 =	sld [smem:$0x3FAF];
	_ =	sdelay $0x3  }
0x33: {  	p0 =	seq.s32 s10, $0x1;
	s10 =	sld [smem:$0x3FB1];
	_ =	sdelay $0x3  }
0x34: {  	[smem:$0x3FB1] =	sst s10  }
0x35: {  	s10 =	sld [smem:$0x3FB0];
	_ =	sdelay $0x3  }
0x36: {  	p1 =	seq.s32 s10, $0x1;
	s10 =	sld [smem:$0x3FB1];
	_ =	sdelay $0x3  }
0x37: {  	[smem:$0x3FB1] =	sst s10  }
0x38: {  	s10 =	sld [smem:$0x3FB2]  }
0x39: {  	_ = 	snop;
	(pc) =	sbr.ind lr, $3  }
0x3a: {  	_ = 	snop  }
0x3b: {  	_ = 	snop  }
0x3c: {  	p2 =	seq.s32 s10, $0x1;
	s10 =	sld [smem:$0x3FB1]  }
0x3d: {  	_ =	shalt  }
0x3e: {  	_ =	shalt  }
0x3f: {  	_ =	shalt  }
0x40: {  	_ =	shalt  }
0x41: {  	_ =	shalt  }
0x42: {  	_ =	shalt  }
0x43: {  	_ =	shalt  }
0x44: {  	_ =	shalt  }
0x45: {  	_ =	shalt  }
0x46: {  	_ =	shalt  }
0x47: {  	_ =	shalt  }
0x48: {  	_ =	shalt  }
0x49: {  	_ =	shalt  }
0x4a: {  	_ =	shalt  }
0x4b: {  	_ =	shalt  }
0x4c: {  	_ =	shalt  }
0x4d: {  	_ =	shalt  }
0x4e: {  	_ =	shalt  }
0x4f: {  	_ =	shalt  }
0x50: {  	_ =	shalt  }
0x51: {  	_ =	shalt  }
0x52: {  	_ =	shalt  }
0x53: {  	_ =	shalt  }
0x54: {  	_ =	shalt  }
0x55: {  	_ =	shalt  }
0x56: {  	_ =	shalt  }
0x57: {  	_ =	shalt  }
0x58: {  	_ =	shalt  }
0x59: {  	_ =	shalt  }
0x5a: {  	_ =	shalt  }
0x5b: {  	_ =	shalt  }
0x5c: {  	_ =	shalt  }
0x5d: {  	_ =	shalt  }
0x5e: {  	_ =	shalt  }
0x5f: {  	_ =	shalt  }
0x60: {  	_ =	shalt  }
0x61: {  	_ =	shalt  }
0x62: {  	_ =	shalt  }
0x63: {  	_ =	shalt  }
0x64: {  	_ =	shalt  }
0x65: {  	_ =	shalt  }
0x66: {  	_ =	shalt  }
0x67: {  	_ =	shalt  }
0x68: {  	_ =	shalt  }
0x69: {  	_ =	shalt  }
0x6a: {  	_ =	shalt  }
0x6b: {  	_ =	shalt  }
0x6c: {  	_ =	shalt  }
0x6d: {  	_ =	shalt  }
0x6e: {  	_ =	shalt  }
0x6f: {  	_ =	shalt  }
0x70: {  	_ =	shalt  }
0x71: {  	_ =	shalt  }
0x72: {  	_ =	shalt  }
0x73: {  	_ =	shalt  }
0x74: {  	_ =	shalt  }
0x75: {  	_ =	shalt  }
0x76: {  	_ =	shalt  }
0x77: {  	_ =	shalt  }
0x78: {  	_ =	shalt  }
0x79: {  	_ =	shalt  }
0x7a: {  	_ =	shalt  }
0x7b: {  	_ =	shalt  }
0x7c: {  	_ =	shalt  }
0x7d: {  	_ =	shalt  }
0x7e: {  	_ =	shalt  }
0x7f: {  	_ =	shalt  }
0x80: {  	_ =	shalt  }
0x81: {  	_ =	shalt  }
0x82: {  	_ =	shalt  }
0x83: {  	_ =	shalt  }
0x84: {  	_ =	shalt  }
0x85: {  	_ =	shalt  }
0x86: {  	_ =	shalt  }
0x87: {  	_ =	shalt  }
.Lfunc_end0:
.L_simem_size_0:
called_computation.2_lowered:
.L_overlay_start_0:
0x88: {  	s2 =	sld [smem:$0x3FD9]  }
0x89: {  	s3 =	sld [smem:$0x3FFE];
	_ =	sdelay $0x1  }
0x8a: {  	s1 =	srdreg.scid  }
0x8b: {  	s0 =	sand.u32 $0x1, s1  }
0x8c: {  	s17 =	sshll.u32 s0, $0xA;
	s2 =	sadd.s32 s3, s2  }
0x8d: {  	s2 =	sadd.s32 s2, s17  }
0x8e: {  	[smem:$0x3FBD] =	sst s2  }
0x8f: {  	_ = 	snop  }
0x90: {  	s2 =	sld [smem:$0x3FD0];
	(tm) =	ssettm $0x1  }
0x91: {  	s18 =	sld [smem:$0x3FFB];
	_ =	sdelay $0x3  }
0x92: {  	_ =	strace s18  }
0x93: {  	s3 =	sld [smem:$0x3FFC];
	_ =	sdelay $0x3  }
0x94: {  	_ =	strace s3  }
0x95: {  	s3 =	sld [smem:$0x3FFD];
	_ =	sdelay $0x3  }
0x96: {  	_ =	strace s3  }
0x97: {  	_ =	strace $0x8FFFFFFF  }
0x98: {  	s19 =	sld [smem:$0x3FDB];
	_ =	sdelay $0x1  }
0x99: {  	s4 =	simm.s32 $_scs_section_size  }
0x9a: {  	s5 =	simm.s32 $_size__tile_overlayer_lowered;
	s6 =	simm.s32 $_tile_overlayer_lowered  }
0x9b: {  	s22 =	simm.s32 $0x1BFF;
	s21 =	sshll.u32 s6, $0x1;
	s3 =	sadd.s32 s4, s19  }
0x9c: {  	s7 =	simm.s32 $0x0;
	s20 =	sshll.u32 s5, $0x1;
	s5 =	sadd.s32 s21, s3  }
0x9d: {  	[timem:s7], [sflag:s22] =	dma.local [hbm:s5], s20  }
0x9e: {  	_ =	swait.ge [sflag:s22], s20  }
0x9f: {  	s4 =	ssub.s32 $0x0, s20;
	[sflag:s22] =	ssyncset.done $0x0  }
0xa0: {  	[sflag:s22] =	ssyncadd.s32 s4;
	_ =	sdelay $0x1  }
0xa1: {  	s23 =	simm.s32 $0x1B8B  }
0xa2: {  	_ =	swait.ge [sflag:s23], $0x1  }
0xa3: {  	[sflag:s23] =	ssyncset.done $0x0  }
0xa4: {  	s25 =	simm.s32 $0x1B8E;
	s24 =	sld [smem:$0x3FFE];
	[sflag:s23] =	ssyncadd.s32 $0xFFFFFFFF  }
0xa5: {  	s26 =	simm.s32 $execute0_lowered;
	[smem:$0x3FD2] =	sst s25  }
0xa6: {  	s5 =	sshll.u32 s26, $0x1;
	_ =	strace $0x8000004C;
	[dreg:$0x1] =	wrdreg $0xFFFFFFFF  }
0xa7: {  	s28 =	simm.s32 $_size_execute0_lowered;
	s3 =	sadd.s32 s3, s5;
	[dreg:$0x0] =	wrdreg $0x0  }
0xa8: {  	s5 =	sshll.u32 s28, $0x1;
	[dreg:$0x2] =	wrdreg s3  }
0xa9: {  	[dreg:$0x3] =	wrdreg s5  }
0xaa: {  	[dreg:$0x4] =	wrdreg $0xC0  }
0xab: {  	_ =	task [dreg:s7], $0x5FFFF  }
0xac: {  	[dreg:$0x1] =	wrdreg $0xFFFFFFFF  }
0xad: {  	[dreg:$0x0] =	wrdreg $0x60  }
0xae: {  	[dreg:$0x2] =	wrdreg s2  }
0xaf: {  	[dreg:$0x3] =	wrdreg s24  }
0xb0: {  	[dreg:$0x4] =	wrdreg $0x6F000  }
0xb1: {  	[dreg:$0x5] =	wrdreg $0x9  }
0xb2: {  	_ =	task.clear_ibuf [dreg:s7], $0x6FFFF;
	_ =	strace $0x9000004C  }
0xb3: {  	s29 =	simm.s32 $0x9;
	_ =	strace $0x8000004E  }
0xb4: {  	_ =	swait.ge [sflag:s29], $0x1  }
0xb5: {  	[sflag:s29] =	ssyncadd.s32 $0xFFFFFFFF  }
0xb6: {  	_ =	strace $0x9000004E  }
0xb7: {  	_ =	sfence  }
0xb8: {  	s30 =	sld [smem:$0x0];
	_ =	sdelay $0x2  }
0xb9: {  	s31 =	sshll.u32 s1, $0xD;
	s1 =	sshrl.u32 s1, $0x2  }
0xba: {  	s3 =	sand.u32 $0x4000, s31;
	s1 =	sadd.s32 s1, s30  }
0xbb: {  	s0 =	sor.u32 s3, s0;
	s1 =	sshll.u32 s1, $0x11  }
0xbc: {  	s0 =	sor.u32 s1, s0  }
0xbd: {  	s0 =	sadd.s32 $0x8F2B, s0  }
0xbe: {  	[sflag:s0] =	ssyncadd.remote.s32 $0x1  }
0xbf: {  	_ =	sfence.sel $0xFFFF  }
0xc0: {  	[dreg:$0x0] =	wrdreg $0xFFFFFFFF;
	(pc) =	sbr.abs _section_cstart, $3  }
0xc1: {  	[dreg:$0x1] =	wrdreg $0xFFFFFFFF  }
0xc2: {  	_ =	task.clear_ibuf [dreg:s7], $0x2FFFF;
	_ =	strace $0x9FFFFFFF  }
0xc3: {  	(tm) =	ssettm $0x7FFFFFFF  }
tec
execute0_lowered:
.L_overlay_start_1:
0x0: {  	(tag) =	ssettag $0x1  }
0x1: {  	s1 =	rddreg [dreg:$0x0]  }
0x2: {  	s0 =	srdreg.scid;
	s2 =	rddreg [dreg:$0x1]  }
0x3: {  	s20 =	stileid.u32;
	s3 =	rddreg [dreg:$0x2]  }
0x4: {  	s23 =	simm.s32 $0x4F00;
	s28 =	simm.s32 $0x5F00;
	s29 =	simm.s32 $0x1  }
0x5: {  	s30 =	simm.s32 $0x2;
	s0 =	sand.u32 $0x1, s0;
	s6 =	smul.u32 $0x27000, s20  }
0x6: {  	s21 =	sadd.s32 $0x65C00, s2;
	s19 =	smul.u32 $0x9C00, s20;
	s22 =	sadd.s32 $0x17800, s2  }
0x7: {  	s17 =	sadd.s32 $0x9C000, s3;
	p1 =	sne.s32 s20, $0xF;
	p2 =	seq.s32 s20, $0xF  }
0x8: {  	s4 =	sshll.u32 s0, $0x4;
	s7 =	ssub.s32 $0x2, s0;
	p0 =	seq.s32 s0, $0x1  }
0x9: {  	s5 =	sor.u32 s20, s4;
	s4 =	simm.s32 $0x0;
	s24 =	sshrl.u32 s7, $0x1  }
0xa: {  	s6 =	sshrl.u32 s6, $0x2;
	s25 =	sshrl.u32 s19, $0x3;
	s5 =	smul.u32 $0x4F0, s5  }
0xb: {  	[smem:$0x7FF] =	sst s4;
	s6 =	sadd.s32 s6, s3;
	s26 =	sadd.s32 s21, s25  }
0xc: {  	s31 =	sadd.s32 s22, s25;
	s25 =	simm.s32 $0x0;
	_ =	strace $0x8000004D  }
0xd: {  	s8 =	sadd.s32 $0x1000, s6;
	s9 =	sadd.s32 $0x2000, s6;
	s10 =	sadd.s32 $0x3000, s6  }
0xe: {  	s11 =	sadd.s32 $0x4000, s6;
	s12 =	sadd.s32 $0x5000, s6;
	[dreg:$0x4] =	wrdreg s21  }
0xf: {  	s13 =	sadd.s32 $0x6000, s6;
	s14 =	sadd.s32 $0x7000, s6;
	[dreg:$0x6] =	wrdreg s26  }
.Ltmp0:
0x10: {  	s15 =	sadd.s32 $0x8000, s6;
	[dreg:$0x5] =	wrdreg s22;
	(pc) =	sbr.rel .LBB2_1-.Ltmp0, $4  }
0x11: {  	s16 =	sadd.s32 $0x9000, s6;
	[dreg:$0x7] =	wrdreg s31;
	s26 =	simm.s32 $0x40  }
0x12: {  	s5 =	sadd.s32 s5, s2;
	s2 =	ssub.s32 s7, s24;
	s7 =	sadd.s32 s19, s3  }
0x13: {  	s24 =	simm.s32 $0x3;
	s18 =	sadd.s32 $0x3C00, s5;
	s19 =	sadd.s32 $0xDA00, s5  }
0x14: {  	v0 =	vimm.f32 $0.0e+00;
	s22 =	smax.u32 s2, $0x1;
	s2 =	simm.s32 $0x4E80;
	s5 =	simm.s32 $0x4EC0  }
.LBB2_8:
0x15: {  	s0 =	sadd.s32 $0x13800, s0;
	s20 =	sshrl.u32 s17, $0x3  }
0x16: {  	[hbm:s0], [sflag:s6] =	dma.local [spmem:s20], $0x80  }
0x17: {  	_ =	swait.ge [sflag:s24], $0x80  }
0x18: {  	[sflag:s24] =	ssyncset.done $0x0  }
0x19: {  	[sflag:s24] =	ssyncadd.s32 $0xFFFFFF80  }
.LBB2_9:
0x1a: {  	s25 =	sadd.s32 $0x1, s25  }
0x1b: {  	p3 =	sne.s32 s25, s22  }
.Ltmp1:
0x1c: {  	_ = 	snop;
	(pc) =	sbr.rel @!p3 .LBB2_10-.Ltmp1, $1  }
0x1d: {  	_ =	sdelay $0x3  }
.LBB2_1:
0x1e: {  	s0 =	sand.u32 $0x3F00, s4  }
0x1f: {  	s20 =	sand.u32 $0x30, s4;
	s0 =	sshrl.u32 s0, $0x2  }
0x20: {  	s6 =	simm.s32 $0x40;
	s0 =	sor.u32 s20, s0;
	s20 =	simm.s32 $0x0  }
.LBB2_2:
0x21: {  	p3 =	sne.s32 s6, $0x3FC0  }
0x22: {  	[tilespmem:s0+$0x4F00] =	vst v0;
	s20 =	sadd.s32 $0x10, s20;
	s0 =	smov.u32 s6;
	s6 =	sadd.s32 $0x40, s6  }
.Ltmp2:
0x23: {  	(pc) =	sbr.rel @p3 .LBB2_2-.Ltmp2, $4  }
0x24: {  	_ = 	snop  }
0x25: {  	s0 =	sand.u32 $0x3F00, s0  }
0x26: {  	s21 =	sand.u32 $0x30, s20;
	s0 =	sshrl.u32 s0, $0x2  }
0x27: {  	s0 =	sor.u32 s21, s0  }
0x28: {  	[tilespmem:s0+$0x4F00] =	vst v0  }
0x29: {  	[spmem:s7] =	stream.linear.scatter [tilespmem:s23], [sflag:$0x3], $0x1000, $0x38;
	[tilespmem:$0x10C40] =	vst v63  }
0x2a: {  	_ =	swait.ge [sflag:s24], $0x1000  }
0x2b: {  	[sflag:s24] =	ssyncset.done $0x0  }
0x2c: {  	[sflag:s24] =	ssyncadd.s32 $0xFFFFF000  }
0x2d: {  	[spmem:s8] =	stream.linear.scatter [tilespmem:s23], [sflag:$0x3], $0x1000, $0x38;
	[tilespmem:$0x10C40] =	vst v63  }
0x2e: {  	_ =	swait.ge [sflag:s24], $0x1000  }
0x2f: {  	[sflag:s24] =	ssyncset.done $0x0  }
0x30: {  	[sflag:s24] =	ssyncadd.s32 $0xFFFFF000  }
0x31: {  	[spmem:s9] =	stream.linear.scatter [tilespmem:s23], [sflag:$0x3], $0x1000, $0x38;
	[tilespmem:$0x10C40] =	vst v63  }
0x32: {  	_ =	swait.ge [sflag:s24], $0x1000  }
0x33: {  	[sflag:s24] =	ssyncset.done $0x0  }
0x34: {  	[sflag:s24] =	ssyncadd.s32 $0xFFFFF000  }
0x35: {  	[spmem:s10] =	stream.linear.scatter [tilespmem:s23], [sflag:$0x3], $0x1000, $0x38;
	[tilespmem:$0x10C40] =	vst v63  }
0x36: {  	_ =	swait.ge [sflag:s24], $0x1000  }
0x37: {  	[sflag:s24] =	ssyncset.done $0x0  }
0x38: {  	[sflag:s24] =	ssyncadd.s32 $0xFFFFF000  }
0x39: {  	[spmem:s11] =	stream.linear.scatter [tilespmem:s23], [sflag:$0x3], $0x1000, $0x38;
	[tilespmem:$0x10C40] =	vst v63  }
0x3a: {  	_ =	swait.ge [sflag:s24], $0x1000  }
0x3b: {  	[sflag:s24] =	ssyncset.done $0x0  }
0x3c: {  	[sflag:s24] =	ssyncadd.s32 $0xFFFFF000  }
0x3d: {  	[spmem:s12] =	stream.linear.scatter [tilespmem:s23], [sflag:$0x3], $0x1000, $0x38;
	[tilespmem:$0x10C40] =	vst v63  }
0x3e: {  	_ =	swait.ge [sflag:s24], $0x1000  }
0x3f: {  	[sflag:s24] =	ssyncset.done $0x0  }
0x40: {  	[sflag:s24] =	ssyncadd.s32 $0xFFFFF000  }
0x41: {  	[spmem:s13] =	stream.linear.scatter [tilespmem:s23], [sflag:$0x3], $0x1000, $0x38;
	[tilespmem:$0x10C40] =	vst v63  }
0x42: {  	_ =	swait.ge [sflag:s24], $0x1000  }
0x43: {  	[sflag:s24] =	ssyncset.done $0x0  }
0x44: {  	[sflag:s24] =	ssyncadd.s32 $0xFFFFF000  }
0x45: {  	[spmem:s14] =	stream.linear.scatter [tilespmem:s23], [sflag:$0x3], $0x1000, $0x38;
	[tilespmem:$0x10C40] =	vst v63  }
0x46: {  	_ =	swait.ge [sflag:s24], $0x1000  }
0x47: {  	[sflag:s24] =	ssyncset.done $0x0  }
0x48: {  	[sflag:s24] =	ssyncadd.s32 $0xFFFFF000  }
0x49: {  	[spmem:s15] =	stream.linear.scatter [tilespmem:s23], [sflag:$0x3], $0x1000, $0x38;
	[tilespmem:$0x10C40] =	vst v63  }
0x4a: {  	_ =	swait.ge [sflag:s24], $0x1000  }
0x4b: {  	[sflag:s24] =	ssyncset.done $0x0  }
0x4c: {  	[sflag:s24] =	ssyncadd.s32 $0xFFFFF000  }
0x4d: {  	[spmem:s16] =	stream.linear.scatter [tilespmem:s23], [sflag:$0x3], $0xC00, $0x38;
	[tilespmem:$0x10C40] =	vst v63  }
0x4e: {  	_ =	swait.ge [sflag:s24], $0xC00  }
0x4f: {  	[sflag:s24] =	ssyncset.done $0x0  }
0x50: {  	s0 =	simm.s32 @!p1 $0x4F00;
	[sflag:s24] =	ssyncadd.s32 $0xFFFFF400  }
0x51: {  	[spmem:s17] =	stream.linear.scatter @!p1 [tilespmem:s0], [sflag:$0x3], $0x400, $0x38;
	[tilespmem:$0x10C40] =	vst v63  }
0x52: {  	s0 =	simm.s32 @!p1 $0x3  }
0x53: {  	_ =	swait.ge @!p1 [sflag:s0], $0x400  }
0x54: {  	[sflag:s0] =	ssyncset.done @!p1 $0x0  }
0x55: {  	[sflag:s0] =	ssyncadd.s32 @!p1 $0xFFFFFC00  }
0x56: {  	s31 =	simm.s32 $0x0;
	[bflag:$0x0] =	sbarrier.arrive $0xFFFF  }
0x57: {  	[tilespmem:s31], [sflag:$0x3] =	stream.linear.gather [hbm4b:s18+s31], $0x2780, $0x38;
	[tilespmem:$0x10C40] =	vst v63  }
0x58: {  	_ =	swait.ge [sflag:s24], $0x2780  }
0x59: {  	[sflag:s24] =	ssyncset.done $0x0  }
0x5a: {  	s6 =	simm.s32 $0x2780;
	[sflag:s24] =	ssyncadd.s32 $0xFFFFD880  }
0x5b: {  	[tilespmem:s6], [sflag:$0x3] =	stream.linear.gather [hbm4b:s19+s31], $0x2780, $0x38;
	[tilespmem:$0x10C40] =	vst v63  }
0x5c: {  	_ =	swait.ge [sflag:s24], $0x2780  }
0x5d: {  	[sflag:s24] =	ssyncset.done $0x0  }
0x5e: {  	[sflag:s24] =	ssyncadd.s32 $0xFFFFD880  }
0x5f: {  	[tilespmem:s23], [sflag:$0x1] =	stream.indirect.gather [hbm4b:s1+s26], $0x40, s31, s26, $0xb8;
	[tilespmem:$0x10C40] =	vst v63  }
0x60: {  	s6 =	simm.s32 $0x40  }
0x61: {  	[tilespmem:s28], [sflag:$0x2] =	stream.indirect.gather [hbm4b:s1+s26], $0x40, s6, s26, $0xb8;
	[tilespmem:$0x10C40] =	vst v63  }
0x62: {  	_ =	swait.ge [sflag:s29], $0x1000  }
0x63: {  	[sflag:s29] =	ssyncset.done $0x0  }
0x64: {  	s20 =	simm.s32 $0x2780;
	[sflag:s29] =	ssyncadd.s32 $0xFFFFF000  }
0x65: {  	[spmem:s3] =	stream.indirect.scatter.add.f32 [tilespmem:s23], [sflag:$0x3], $0x40, s20, s26, $0xb8;
	[tilespmem:$0x10C40] =	vst v63  }
0x66: {  	_ =	swait.ge [sflag:s24], $0x1000  }
0x67: {  	[sflag:s24] =	ssyncset.done $0x0  }
0x68: {  	s21 =	simm.s32 $0x80;
	[sflag:s24] =	ssyncadd.s32 $0xFFFFF000  }
0x69: {  	[tilespmem:s23], [sflag:$0x1] =	stream.indirect.gather [hbm4b:s1+s26], $0x40, s21, s26, $0xb8;
	[tilespmem:$0x10C40] =	vst v63  }
0x6a: {  	_ =	swait.ge [sflag:s30], $0x1000  }
0x6b: {  	[sflag:s30] =	ssyncset.done $0x0  }
0x6c: {  	s31 =	simm.s32 $0x27C0;
	[sflag:s30] =	ssyncadd.s32 $0xFFFFF000  }
0x6d: {  	[spmem:s3] =	stream.indirect.scatter.add.f32 [tilespmem:s28], [sflag:$0x3], $0x40, s31, s26, $0xb8;
	[tilespmem:$0x10C40] =	vst v63  }
0x6e: {  	_ =	swait.ge [sflag:s24], $0x1000  }
0x6f: {  	s6 =	simm.s32 $0x80;
	s20 =	simm.s32 $0x400;
	[sflag:s24] =	ssyncset.done $0x0  }
.LBB2_4:
0x70: {  	s0 =	sadd.s32 $0x40, s6  }
0x71: {  	[sflag:s24] =	ssyncadd.s32 $0xFFFFF000;
	s21 =	smov.u32 s20;
	s31 =	sadd.s32 $0x200, s20  }
0x72: {  	[tilespmem:s28], [sflag:$0x2] =	stream.indirect.gather [hbm4b:s1+s26], $0x40, s0, s26, $0xb8;
	[tilespmem:$0x10C40] =	vst v63  }
0x73: {  	p3 =	sne.s32 s20, $0x9A00;
	_ =	swait.ge [sflag:s29], $0x1000  }
0x74: {  	[sflag:s29] =	ssyncset.done $0x0  }
0x75: {  	s0 =	sadd.s32 $0x2780, s6;
	[sflag:s29] =	ssyncadd.s32 $0xFFFFF000  }
0x76: {  	[spmem:s3] =	stream.indirect.scatter.add.f32 [tilespmem:s23], [sflag:$0x3], $0x40, s0, s26, $0xb8;
	[tilespmem:$0x10C40] =	vst v63  }
0x77: {  	_ =	swait.ge [sflag:s24], $0x1000  }
0x78: {  	[sflag:s24] =	ssyncset.done $0x0  }
0x79: {  	s0 =	sadd.s32 $0x80, s6;
	[sflag:s24] =	ssyncadd.s32 $0xFFFFF000  }
0x7a: {  	[tilespmem:s23], [sflag:$0x1] =	stream.indirect.gather [hbm4b:s1+s26], $0x40, s0, s26, $0xb8;
	[tilespmem:$0x10C40] =	vst v63  }
0x7b: {  	_ =	swait.ge [sflag:s30], $0x1000  }
.Ltmp3:
0x7c: {  	[sflag:s30] =	ssyncset.done $0x0;
	(pc) =	sbr.rel @p3 .LBB2_4-.Ltmp3, $4  }
0x7d: {  	s0 =	sadd.s32 $0x27C0, s6;
	[sflag:s30] =	ssyncadd.s32 $0xFFFFF000  }
0x7e: {  	[spmem:s3] =	stream.indirect.scatter.add.f32 [tilespmem:s28], [sflag:$0x3], $0x40, s0, s26, $0xb8;
	[tilespmem:$0x10C40] =	vst v63  }
0x7f: {  	_ =	swait.ge [sflag:s24], $0x1000  }
0x80: {  	s20 =	smov.u32 s31;
	s6 =	sshra.s32 s21, $0x2;
	[sflag:s24] =	ssyncset.done $0x0  }
0x81: {  	s0 =	sadd.s32 $0x40, s6;
	[sflag:s24] =	ssyncadd.s32 $0xFFFFF000  }
0x82: {  	[tilespmem:s28], [sflag:$0x2] =	stream.indirect.gather [hbm4b:s1+s26], $0x40, s0, s26, $0xb8;
	[tilespmem:$0x10C40] =	vst v63  }
0x83: {  	_ =	swait.ge [sflag:s29], $0x1000  }
0x84: {  	[sflag:s29] =	ssyncset.done $0x0  }
0x85: {  	s21 =	sadd.s32 $0x2780, s6;
	[sflag:s29] =	ssyncadd.s32 $0xFFFFF000  }
0x86: {  	[spmem:s3] =	stream.indirect.scatter.add.f32 [tilespmem:s23], [sflag:$0x3], $0x40, s21, s26, $0xb8;
	[tilespmem:$0x10C40] =	vst v63  }
0x87: {  	_ =	swait.ge [sflag:s24], $0x1000  }
0x88: {  	[sflag:s24] =	ssyncset.done $0x0  }
0x89: {  	s31 =	sadd.s32 $0x80, s6;
	[sflag:s24] =	ssyncadd.s32 $0xFFFFF000  }
0x8a: {  	[tilespmem:s23], [sflag:$0x1] =	stream.indirect.gather [hbm4b:s1+s26], $0x40, s31, s26, $0xb8;
	[tilespmem:$0x10C40] =	vst v63  }
0x8b: {  	_ =	swait.ge [sflag:s30], $0x1000  }
0x8c: {  	[sflag:s30] =	ssyncset.done $0x0  }
0x8d: {  	s20 =	sadd.s32 $0x27C0, s6;
	[sflag:s30] =	ssyncadd.s32 $0xFFFFF000  }
0x8e: {  	[spmem:s3] =	stream.indirect.scatter.add.f32 [tilespmem:s28], [sflag:$0x3], $0x40, s20, s26, $0xb8;
	[tilespmem:$0x10C40] =	vst v63  }
0x8f: {  	_ =	swait.ge [sflag:s24], $0x1000  }
0x90: {  	[sflag:s24] =	ssyncset.done $0x0  }
0x91: {  	s21 =	simm.s32 $0x2740;
	[sflag:s24] =	ssyncadd.s32 $0xFFFFF000  }
0x92: {  	[tilespmem:s28], [sflag:$0x2] =	stream.indirect.gather [hbm4b:s1+s26], $0x40, s21, s26, $0xb8;
	[tilespmem:$0x10C40] =	vst v63  }
0x93: {  	_ =	swait.ge [sflag:s29], $0x1000  }
0x94: {  	[sflag:s29] =	ssyncset.done $0x0  }
0x95: {  	[sflag:s29] =	ssyncadd.s32 $0xFFFFF000  }
0x96: {  	[spmem:s3] =	stream.indirect.scatter.add.f32 [tilespmem:s23], [sflag:$0x3], $0x40, s2, s26, $0xb8;
	[tilespmem:$0x10C40] =	vst v63  }
0x97: {  	_ =	swait.ge [sflag:s24], $0x1000  }
0x98: {  	[sflag:s24] =	ssyncset.done $0x0  }
0x99: {  	[sflag:s24] =	ssyncadd.s32 $0xFFFFF000  }
0x9a: {  	_ =	swait.ge [sflag:s30], $0x1000  }
0x9b: {  	[sflag:s30] =	ssyncset.done $0x0  }
0x9c: {  	[sflag:s30] =	ssyncadd.s32 $0xFFFFF000  }
0x9d: {  	[spmem:s3] =	stream.indirect.scatter.add.f32 [tilespmem:s28], [sflag:$0x3], $0x40, s5, s26, $0xb8;
	[tilespmem:$0x10C40] =	vst v63  }
.Ltmp4:
0x9e: {  	_ =	swait.ge [sflag:s24], $0x1000;
	(pc) =	sbr.rel @!p0 .LBB2_6-.Ltmp4, $4  }
0x9f: {  	[sflag:s24] =	ssyncset.done $0x0  }
0xa0: {  	s31 =	stileid.u32;
	[sflag:s24] =	ssyncadd.s32 $0xFFFFF000  }
0xa1: {  	s20 =	sshll.u32 s31, $0x6;
	[bflag:$0x0] =	sbarrier.arrive $0xFFFF  }
0xa2: {  	s0 =	sshrl.u32 s7, $0x3;
	s6 =	sor.u32 $0x1C03, s20  }
0xa3: {  	s6 =	sor.u32 $0x1C03, s20;
	s31 =	rddreg [dreg:$0x7]  }
0xa4: {  	[hbm:s31], [sflag:s6] =	dma.local [spmem:s0], $0x1380  }
.Ltmp5:
0xa5: {  	_ = 	snop;
	(pc) =	sbr.rel @p1 .LBB2_9-.Ltmp5, $4  }
.Ltmp6:
0xa6: {  	_ = 	snop;
	(pc) =	sbr.rel @!p1 .LBB2_8-.Ltmp6, $4  }
0xa7: {  	_ =	swait.ge [sflag:s24], $0x1380  }
0xa8: {  	[sflag:s24] =	ssyncset.done $0x0  }
0xa9: {  	s0 =	rddreg [dreg:$0x5];
	[sflag:s24] =	ssyncadd.s32 $0xFFFFEC80  }
0xaa: {  	_ = 	snop  }
.LBB2_6:
0xab: {  	s20 =	rddreg [dreg:$0x6]  }
0xac: {  	[hbm:s20], [sflag:s6] =	dma.local [spmem:s0], $0x1380  }
.Ltmp7:
0xad: {  	_ = 	snop;
	(pc) =	sbr.rel @p2 .LBB2_8-.Ltmp7, $4  }
.Ltmp8:
0xae: {  	_ = 	snop;
	(pc) =	sbr.rel @!p2 .LBB2_9-.Ltmp8, $4  }
0xaf: {  	_ =	swait.ge [sflag:s24], $0x1380  }
0xb0: {  	[sflag:s24] =	ssyncset.done $0x0  }
0xb1: {  	s0 =	rddreg [dreg:$0x4];
	[sflag:s24] =	ssyncadd.s32 $0xFFFFEC80  }
0xb2: {  	_ = 	snop  }
.LBB2_10:
0xb3: {  	_ =	sfence.sel $0x180000  }
0xb4: {  	[bflag:$0x0] =	sbarrier.arrive $0xFFFF  }
0xb5: {  	_ =	strace $0x9000004D  }
0xb6: {  	s0 =	stileid.u32;
	[bflag:$0x2] =	sbarrier.arrive $0xFFFF  }
0xb7: {  	p0 =	sne.s32 s0, $0x0;
	s0 =	rddreg [dreg:$0x3]  }
0xb8: {  	s0 =	sadd.s32 @!p0 $0x100000, s0  }
0xb9: {  	[sflag:s0] =	ssyncadd.tile.s32 @!p0 $0x1;
	_ =	shalt  }
.Lfunc_end2:
_tile_overlayer_lowered:
.L_overlay_start_2:
0xba: {  	(tag) =	ssettag $0x2  }
0xbb: {  	s0 =	rddreg [dreg:$0x0];
	s2 =	stileid.u32  }
0xbc: {  	s1 =	rddreg [dreg:$0x1];
	p0 =	sne.s32 s2, $0x0  }
0xbd: {  	s3 =	rddreg [dreg:$0x2];
	[bflag:$0x3] =	sbarrier.arrive $0xFFFF;
	s2 =	simm.s32 @!p0 $0x1C03  }
0xbe: {  	[timem:s3], [sflag:s2] =	dma.local @!p0 [hbm:s0], s1  }
0xbf: {  	s0 =	simm.s32 @!p0 $0x3  }
0xc0: {  	_ =	swait.ge @!p0 [sflag:s0], s1  }
0xc1: {  	s1 =	ssub.s32 @!p0 $0x0, s1;
	[sflag:s0] =	ssyncset.done @!p0 $0x0  }
0xc2: {  	[sflag:s0] =	ssyncadd.s32 @!p0 s1  }
0xc3: {  	[bflag:$0x3] =	sbarrier.arrive $0xFFFF  }
0xc4: {  	_ =	shalt  }

</sc_bundles>
